<compile_context>
chip_gen: v7x
topology: tpu7x:2x2x1
jax: 0.10.2.dev20260603
libtpu: 0.0.44.dev20260713+nightly
codegen_flags: <defaults>
</compile_context>

<pallas_src>
import jax
import jax.numpy as jnp
from jax import lax
from jax.experimental import pallas as pl
from jax.experimental.pallas import tpu as pltpu
from jax.experimental.pallas import tpu_sc as plsc

TOTAL_TOK = 16384
D_IN = 1024
D_OUT = 1024
NUM_SEQS = 16

NC = 2
NS = 16
NW = NC * NS
ROWS_SC = 5120
ROWS_TC = TOTAL_TOK - ROWS_SC
CHUNK = ROWS_SC // NW
BLK = 16
NBLK = CHUNK // BLK
RBLK = 512
LANES = 16
KSL = D_IN // LANES


T_IL = 8
NKG = KSL // T_IL


def _accum_block(buf_v, acc_v, ids_v, j):
    idf = ids_v[pl.ds(j * BLK, LANES)]
    idl = ids_v[pl.ds(j * BLK + BLK - LANES, LANES)]
    seg0 = idf[0]
    segl = idl[LANES - 1]

    @pl.when(seg0 == segl)
    def _fast():
        def _kg(kg, carry):
            sls = [pl.ds(kg * T_IL * LANES + t * LANES, LANES)
                   for t in range(T_IL)]

            def _rows(rr, regs):
                r = rr * 2
                return tuple(
                    (regs[t] + buf_v[r, sls[t]]) + buf_v[r + 1, sls[t]]
                    for t in range(T_IL))

            regs = lax.fori_loop(
                1, BLK // 2, _rows,
                tuple(buf_v[0, sls[t]] + buf_v[1, sls[t]]
                      for t in range(T_IL)))
            for t in range(T_IL):
                acc_v[seg0, sls[t]] = acc_v[seg0, sls[t]] + regs[t]
            return carry

        lax.fori_loop(0, NKG, _kg, 0)

    @pl.when(seg0 != segl)
    def _mixed():
        segs = []
        for g in range(BLK // LANES):
            idv = ids_v[pl.ds(j * BLK + g * LANES, LANES)]
            segs.extend(idv[rl] for rl in range(LANES))

        def _seg(sgv, lo):
            hi = jnp.zeros((), jnp.int32)
            for r in range(BLK):
                hi = hi + (segs[r] <= sgv).astype(jnp.int32)

            @pl.when(hi > lo)
            def _():
                def _row(r, carry):
                    def _kk(kk, c3):
                        for t in range(T_IL):
                            sl = pl.ds(kk * T_IL * LANES + t * LANES, LANES)
                            acc_v[sgv, sl] = acc_v[sgv, sl] + buf_v[r, sl]
                        return c3

                    lax.fori_loop(0, NKG, _kk, 0)
                    return carry

                lax.fori_loop(lo, hi, _row, 0)

            return hi

        lax.fori_loop(0, NUM_SEQS, _seg, jnp.zeros((), jnp.int32))


def _sc_segment_sums_body(flat_hbm, ids_hbm, out_hbm, ids_v, buf0_v, buf1_v,
                          acc_v, sem0, sem1, sem_i):
    c = lax.axis_index("c")
    s = lax.axis_index("s")
    wid = s * NC + c
    base = wid * CHUNK

    bufs = [buf0_v, buf1_v]
    sems = [sem0, sem1]

    def _start_dyn(j, slot):
        pltpu.make_async_copy(
            flat_hbm.at[pl.ds(base + j * BLK, BLK)], bufs[slot],
            sems[slot]).start()

    def _wait(slot):
        pltpu.make_async_copy(
            flat_hbm.at[pl.ds(base, BLK)], bufs[slot], sems[slot]).wait()

    _start_dyn(0, 0)
    _start_dyn(1, 1)
    ids_cp = pltpu.make_async_copy(ids_hbm.at[pl.ds(base, CHUNK)], ids_v,
                                   sem_i)
    ids_cp.start()

    zeros = jnp.zeros((LANES,), jnp.float32)

    def _zero_row(r, carry):
        for k in range(KSL):
            acc_v[r, pl.ds(k * LANES, LANES)] = zeros
        return carry

    lax.fori_loop(0, NUM_SEQS, _zero_row, 0)
    ids_cp.wait()

    def _step(j2, carry):
        j = j2 * 2

        _wait(0)
        _accum_block(buf0_v, acc_v, ids_v, j)

        @pl.when(j + 2 < NBLK)
        def _():
            _start_dyn(j + 2, 0)

        _wait(1)
        _accum_block(buf1_v, acc_v, ids_v, j + 1)

        @pl.when(j + 3 < NBLK)
        def _():
            _start_dyn(j + 3, 1)

        return carry

    lax.fori_loop(0, NBLK // 2, _step, 0)

    pltpu.sync_copy(acc_v, out_hbm.at[wid])


_sc_segment_sums = pl.kernel(
    _sc_segment_sums_body,
    out_type=jax.ShapeDtypeStruct((NW, NUM_SEQS, D_IN), jnp.float32),
    mesh=plsc.VectorSubcoreMesh(core_axis_name="c", subcore_axis_name="s"),
    scratch_types=[
        pltpu.VMEM((CHUNK,), jnp.int32),
        pltpu.VMEM((BLK, D_IN), jnp.float32),
        pltpu.VMEM((BLK, D_IN), jnp.float32),
        pltpu.VMEM((NUM_SEQS, D_IN), jnp.float32),
        pltpu.SemaphoreType.DMA,
        pltpu.SemaphoreType.DMA,
        pltpu.SemaphoreType.DMA,
    ],
)


def _tc_sums_body(flat_ref, ids_ref, out_ref, acc_ref):
    i = pl.program_id(0)
    ids = ids_ref[...]
    seg = lax.broadcasted_iota(jnp.int32, (NUM_SEQS, RBLK), 0)
    onehot = (ids == seg).astype(jnp.float32)
    part = lax.dot_general(onehot, flat_ref[...], (((1,), (0,)), ((), ())),
                           preferred_element_type=jnp.float32)

    @pl.when(i == 0)
    def _():
        acc_ref[...] = jnp.zeros_like(acc_ref)

    acc_ref[...] += part

    @pl.when(i == pl.num_programs(0) - 1)
    def _():
        out_ref[...] = acc_ref[...]


_tc_sums = pl.pallas_call(
    _tc_sums_body,
    grid=(ROWS_TC // RBLK,),
    in_specs=[
        pl.BlockSpec((RBLK, D_IN), lambda i: (ROWS_SC // RBLK + i, 0)),
        pl.BlockSpec((1, RBLK), lambda i: (0, ROWS_SC // RBLK + i)),
    ],
    out_specs=pl.BlockSpec((NUM_SEQS, D_IN), lambda i: (0, 0)),
    out_shape=jax.ShapeDtypeStruct((NUM_SEQS, D_IN), jnp.float32),
    scratch_shapes=[pltpu.VMEM((NUM_SEQS, D_IN), jnp.float32)],
)


def _tc_finish_body(partials_ref, tcsum_ref, ids_ref, w_ref, b_ref, out_ref):
    sums = tcsum_ref[...]
    for w in range(NW):
        sums = sums + partials_ref[w]
    ids = ids_ref[...]
    seg = lax.broadcasted_iota(jnp.int32, (NUM_SEQS, TOTAL_TOK), 0)
    onehot = (ids == seg).astype(jnp.float32)
    counts = jnp.sum(onehot, axis=1, keepdims=True)
    avg = sums / jnp.maximum(counts, 1.0)
    out = lax.dot_general(avg, w_ref[...], (((1,), (1,)), ((), ())),
                          preferred_element_type=jnp.float32)
    out_ref[...] = out + b_ref[...]


_tc_finish = pl.pallas_call(
    _tc_finish_body,
    out_shape=jax.ShapeDtypeStruct((NUM_SEQS, D_OUT), jnp.float32),
)


def kernel(flat, segment_ids, W, b):
    ids32 = segment_ids.astype(jnp.int32)
    ids_row = ids32.reshape(1, TOTAL_TOK)
    partials = _sc_segment_sums(flat, ids32)
    tcsum = _tc_sums(flat, ids_row)
    return _tc_finish(partials, tcsum, ids_row, W, b.reshape(1, D_OUT))

# --- scband reference (transcript-rebuilt; emitter-appended) ---
"""Pipeline reference for scband-embeddings-average-1305670058709 (READ-ONLY COPY).

The authoritative reference and input builder live on the scoring server;
editing this copy changes nothing except your own understanding.
"""

import jax, jax.numpy as jnp
import numpy as np

TOTAL_TOK = 16384
D_IN = 1024
D_OUT = 1024
NUM_SEQS = 16


def setup_inputs(seed: int = 0) -> dict:
    key = jax.random.key(seed)
    k1, k2, k3, k4 = jax.random.split(key, 4)
    flat = jax.random.normal(k1, (TOTAL_TOK, D_IN), dtype=jnp.float32)
    segment_ids = jnp.sort(jax.random.randint(k2, (TOTAL_TOK,), 0, NUM_SEQS, dtype=jnp.int64))
    # nn.Linear(input_size, output_size) params: W[out, in], b[out], uniform(-1/sqrt(in), 1/sqrt(in))
    bound = 1.0 / np.sqrt(D_IN)
    W = jax.random.uniform(k3, (D_OUT, D_IN), dtype=jnp.float32, minval=-bound, maxval=bound)
    b = jax.random.uniform(k4, (D_OUT,), dtype=jnp.float32, minval=-bound, maxval=bound)
    return {"flat": flat, "segment_ids": segment_ids, "W": W, "b": b}


def reference(flat, segment_ids, W, b):
    # Faithful translation of EmbeddingsAverage.forward:
    # unpack_sequence -> per-sequence mean over time -> Linear.
    # Ragged sequences represented as flat tokens + sorted segment_ids.
    sums = jax.ops.segment_sum(flat, segment_ids, num_segments=NUM_SEQS)
    counts = jax.ops.segment_sum(jnp.ones((flat.shape[0],), dtype=flat.dtype), segment_ids, num_segments=NUM_SEQS)
    counts = jnp.maximum(counts, 1.0)
    avg_vector = sums / counts[:, None]
    output = avg_vector @ W.T + b
    return output

if __name__ == "__main__":
    import jax
    _d = setup_inputs()
    print(jax.jit(kernel)(*tuple(_d.values())))

</pallas_src>

<mosaic_0001>
#map = affine_map<(d0, d1) -> (0, 0)>
#map1 = affine_map<(d0, d1) -> (0)>
#map2 = affine_map<(d0, d1) -> (0, 0, 0)>
module attributes {stable_mosaic.version = 14 : i64} {
  func.func @_sc_segment_sums_body(%arg0: i32, %arg1: i32, %arg2: memref<16384x1024xf32, #tpu.memory_space<hbm>>, %arg3: memref<16384xi32, #tpu.memory_space<hbm>>, %arg4: memref<32x16x1024xf32, #tpu.memory_space<hbm>>, %arg5: memref<160xi32, #tpu.memory_space<vmem>>, %arg6: memref<16x1024xf32, #tpu.memory_space<vmem>>, %arg7: memref<16x1024xf32, #tpu.memory_space<vmem>>, %arg8: memref<16x1024xf32, #tpu.memory_space<vmem>>, %arg9: memref<!tpu.dma_semaphore, #tpu.memory_space<semaphore_mem>>, %arg10: memref<!tpu.dma_semaphore, #tpu.memory_space<semaphore_mem>>, %arg11: memref<!tpu.dma_semaphore, #tpu.memory_space<semaphore_mem>>) attributes {dimension_semantics = [#tpu.dimension_semantics<core_parallel>, #tpu.dimension_semantics<subcore_parallel>], iteration_bounds = array<i64: 2, 16>, scalar_prefetch = 0 : i64, scratch_operands = 7 : i64, tpu.core_type = #tpu.core_type<sc_vector_subcore>, window_params = [{transform_indices = #map}, {transform_indices = #map1}, {transform_indices = #map2}]} {
    %mul3A = arith.constant 2 : i32
    %mul3A_0 = arith.muli %arg1, %mul3A : i32
    %add3A = arith.addi %mul3A_0, %arg0 : i32
    %mul3A_1 = arith.constant 160 : i32
    %mul3A_2 = arith.muli %add3A, %mul3A_1 : i32
    %add3A_3 = arith.constant 0 : i32
    %add3A_4 = arith.addi %mul3A_2, %add3A_3 : i32
    %dma_start3A = arith.constant 0 : i32
    %dma_start3A_5 = tpu.memref_slice %arg2[%add3A_4, %dma_start3A] : memref<16384x1024xf32, #tpu.memory_space<hbm>> -> memref<16x1024xf32, #tpu.memory_space<hbm>>
    %dma_start3A_6 = arith.constant 0 : i32
    %dma_start3A_7 = tpu.memref_slice %arg2[%add3A_4, %dma_start3A_6] : memref<16384x1024xf32, #tpu.memory_space<hbm>> -> memref<16x1024xf32, #tpu.memory_space<hbm>>
    tpu.enqueue_dma source(%dma_start3A_7 : memref<16x1024xf32, #tpu.memory_space<hbm>>) target(%arg6 : memref<16x1024xf32, #tpu.memory_space<vmem>>) target_semaphore(%arg9 : memref<!tpu.dma_semaphore, #tpu.memory_space<semaphore_mem>>)
    %add3A_8 = arith.constant 16 : i32
    %add3A_9 = arith.addi %mul3A_2, %add3A_8 : i32
    %dma_start3A_10 = arith.constant 0 : i32
    %dma_start3A_11 = tpu.memref_slice %arg2[%add3A_9, %dma_start3A_10] : memref<16384x1024xf32, #tpu.memory_space<hbm>> -> memref<16x1024xf32, #tpu.memory_space<hbm>>
    %dma_start3A_12 = arith.constant 0 : i32
    %dma_start3A_13 = tpu.memref_slice %arg2[%add3A_9, %dma_start3A_12] : memref<16384x1024xf32, #tpu.memory_space<hbm>> -> memref<16x1024xf32, #tpu.memory_space<hbm>>
    tpu.enqueue_dma source(%dma_start3A_13 : memref<16x1024xf32, #tpu.memory_space<hbm>>) target(%arg7 : memref<16x1024xf32, #tpu.memory_space<vmem>>) target_semaphore(%arg10 : memref<!tpu.dma_semaphore, #tpu.memory_space<semaphore_mem>>)
    %dma_start3A_14 = tpu.memref_slice %arg3[%mul3A_2] : memref<16384xi32, #tpu.memory_space<hbm>> -> memref<160xi32, #tpu.memory_space<hbm>>
    %dma_start3A_15 = tpu.memref_slice %arg3[%mul3A_2] : memref<16384xi32, #tpu.memory_space<hbm>> -> memref<160xi32, #tpu.memory_space<hbm>>
    tpu.enqueue_dma source(%dma_start3A_15 : memref<160xi32, #tpu.memory_space<hbm>>) target(%arg5 : memref<160xi32, #tpu.memory_space<vmem>>) target_semaphore(%arg11 : memref<!tpu.dma_semaphore, #tpu.memory_space<semaphore_mem>>)
    %broadcast_in_dim3A = arith.constant 0.000000e+00 : f32
    %broadcast_in_dim3A_16 = vector.broadcast %broadcast_in_dim3A : f32 to vector<16xf32>
    %scan3A = arith.constant 0 : i32
    %scan3A_17 = arith.constant 0 : i32
    %scan3A_18 = arith.constant 16 : i32
    %scan3A_19 = arith.addi %scan3A_17, %scan3A_18 : i32
    %scan3A_20 = arith.constant 1 : i32
    scf.for %scan3A_29 = %scan3A_17 to %scan3A_19 step %scan3A_20  : i32 {
      %swap3A = arith.index_cast %scan3A_29 : i32 to index
      %swap3A_30 = arith.constant 0 : index
      %swap3A_31 = tpu.vector_load %arg8[%swap3A, %swap3A_30] {strides = array<i32>} : memref<16x1024xf32, #tpu.memory_space<vmem>>, vector<1x16xf32>,
      %swap3A_32 = vector.shape_cast %swap3A_31 : vector<1x16xf32> to vector<16xf32>
      %swap3A_33 = vector.shape_cast %broadcast_in_dim3A_16 : vector<16xf32> to vector<1x16xf32>
      tpu.vector_store %arg8[%swap3A, %swap3A_30], %swap3A_33 {strides = array<i32>} : memref<16x1024xf32, #tpu.memory_space<vmem>>, vector<1x16xf32>,
      %swap3A_34 = arith.index_cast %scan3A_29 : i32 to index
      %swap3A_35 = arith.constant 16 : index
      %swap3A_36 = tpu.vector_load %arg8[%swap3A_34, %swap3A_35] {strides = array<i32>} : memref<16x1024xf32, #tpu.memory_space<vmem>>, vector<1x16xf32>,
      %swap3A_37 = vector.shape_cast %swap3A_36 : vector<1x16xf32> to vector<16xf32>
      %swap3A_38 = vector.shape_cast %broadcast_in_dim3A_16 : vector<16xf32> to vector<1x16xf32>
      tpu.vector_store %arg8[%swap3A_34, %swap3A_35], %swap3A_38 {strides = array<i32>} : memref<16x1024xf32, #tpu.memory_space<vmem>>, vector<1x16xf32>,
      %swap3A_39 = arith.index_cast %scan3A_29 : i32 to index
      %swap3A_40 = arith.constant 32 : index
      %swap3A_41 = tpu.vector_load %arg8[%swap3A_39, %swap3A_40] {strides = array<i32>} : memref<16x1024xf32, #tpu.memory_space<vmem>>, vector<1x16xf32>,
      %swap3A_42 = vector.shape_cast %swap3A_41 : vector<1x16xf32> to vector<16xf32>
      %swap3A_43 = vector.shape_cast %broadcast_in_dim3A_16 : vector<16xf32> to vector<1x16xf32>
      tpu.vector_store %arg8[%swap3A_39, %swap3A_40], %swap3A_43 {strides = array<i32>} : memref<16x1024xf32, #tpu.memory_space<vmem>>, vector<1x16xf32>,
      %swap3A_44 = arith.index_cast %scan3A_29 : i32 to index
      %swap3A_45 = arith.constant 48 : index
      %swap3A_46 = tpu.vector_load %arg8[%swap3A_44, %swap3A_45] {strides = array<i32>} : memref<16x1024xf32, #tpu.memory_space<vmem>>, vector<1x16xf32>,
      %swap3A_47 = vector.shape_cast %swap3A_46 : vector<1x16xf32> to vector<16xf32>
      %swap3A_48 = vector.shape_cast %broadcast_in_dim3A_16 : vector<16xf32> to vector<1x16xf32>
      tpu.vector_store %arg8[%swap3A_44, %swap3A_45], %swap3A_48 {strides = array<i32>} : memref<16x1024xf32, #tpu.memory_space<vmem>>, vector<1x16xf32>,
      %swap3A_49 = arith.index_cast %scan3A_29 : i32 to index
      %swap3A_50 = arith.constant 64 : index
      %swap3A_51 = tpu.vector_load %arg8[%swap3A_49, %swap3A_50] {strides = array<i32>} : memref<16x1024xf32, #tpu.memory_space<vmem>>, vector<1x16xf32>,
      %swap3A_52 = vector.shape_cast %swap3A_51 : vector<1x16xf32> to vector<16xf32>
      %swap3A_53 = vector.shape_cast %broadcast_in_dim3A_16 : vector<16xf32> to vector<1x16xf32>
      tpu.vector_store %arg8[%swap3A_49, %swap3A_50], %swap3A_53 {strides = array<i32>} : memref<16x1024xf32, #tpu.memory_space<vmem>>, vector<1x16xf32>,
      %swap3A_54 = arith.index_cast %scan3A_29 : i32 to index
      %swap3A_55 = arith.constant 80 : index
      %swap3A_56 = tpu.vector_load %arg8[%swap3A_54, %swap3A_55] {strides = array<i32>} : memref<16x1024xf32, #tpu.memory_space<vmem>>, vector<1x16xf32>,
      %swap3A_57 = vector.shape_cast %swap3A_56 : vector<1x16xf32> to vector<16xf32>
      %swap3A_58 = vector.shape_cast %broadcast_in_dim3A_16 : vector<16xf32> to vector<1x16xf32>
      tpu.vector_store %arg8[%swap3A_54, %swap3A_55], %swap3A_58 {strides = array<i32>} : memref<16x1024xf32, #tpu.memory_space<vmem>>, vector<1x16xf32>,
      %swap3A_59 = arith.index_cast %scan3A_29 : i32 to index
      %swap3A_60 = arith.constant 96 : index
      %swap3A_61 = tpu.vector_load %arg8[%swap3A_59, %swap3A_60] {strides = array<i32>} : memref<16x1024xf32, #tpu.memory_space<vmem>>, vector<1x16xf32>,
      %swap3A_62 = vector.shape_cast %swap3A_61 : vector<1x16xf32> to vector<16xf32>
      %swap3A_63 = vector.shape_cast %broadcast_in_dim3A_16 : vector<16xf32> to vector<1x16xf32>
      tpu.vector_store %arg8[%swap3A_59, %swap3A_60], %swap3A_63 {strides = array<i32>} : memref<16x1024xf32, #tpu.memory_space<vmem>>, vector<1x16xf32>,
      %swap3A_64 = arith.index_cast %scan3A_29 : i32 to index
      %swap3A_65 = arith.constant 112 : index
      %swap3A_66 = tpu.vector_load %arg8[%swap3A_64, %swap3A_65] {strides = array<i32>} : memref<16x1024xf32, #tpu.memory_space<vmem>>, vector<1x16xf32>,
      %swap3A_67 = vector.shape_cast %swap3A_66 : vector<1x16xf32> to vector<16xf32>
      %swap3A_68 = vector.shape_cast %broadcast_in_dim3A_16 : vector<16xf32> to vector<1x16xf32>
      tpu.vector_store %arg8[%swap3A_64, %swap3A_65], %swap3A_68 {strides = array<i32>} : memref<16x1024xf32, #tpu.memory_space<vmem>>, vector<1x16xf32>,
      %swap3A_69 = arith.index_cast %scan3A_29 : i32 to index
      %swap3A_70 = arith.constant 128 : index
      %swap3A_71 = tpu.vector_load %arg8[%swap3A_69, %swap3A_70] {strides = array<i32>} : memref<16x1024xf32, #tpu.memory_space<vmem>>, vector<1x16xf32>,
      %swap3A_72 = vector.shape_cast %swap3A_71 : vector<1x16xf32> to vector<16xf32>
      %swap3A_73 = vector.shape_cast %broadcast_in_dim3A_16 : vector<16xf32> to vector<1x16xf32>
      tpu.vector_store %arg8[%swap3A_69, %swap3A_70], %swap3A_73 {strides = array<i32>} : memref<16x1024xf32, #tpu.memory_space<vmem>>, vector<1x16xf32>,
      %swap3A_74 = arith.index_cast %scan3A_29 : i32 to index
      %swap3A_75 = arith.constant 144 : index
      %swap3A_76 = tpu.vector_load %arg8[%swap3A_74, %swap3A_75] {strides = array<i32>} : memref<16x1024xf32, #tpu.memory_space<vmem>>, vector<1x16xf32>,
      %swap3A_77 = vector.shape_cast %swap3A_76 : vector<1x16xf32> to vector<16xf32>
      %swap3A_78 = vector.shape_cast %broadcast_in_dim3A_16 : vector<16xf32> to vector<1x16xf32>
      tpu.vector_store %arg8[%swap3A_74, %swap3A_75], %swap3A_78 {strides = array<i32>} : memref<16x1024xf32, #tpu.memory_space<vmem>>, vector<1x16xf32>,
      %swap3A_79 = arith.index_cast %scan3A_29 : i32 to index
      %swap3A_80 = arith.constant 160 : index
      %swap3A_81 = tpu.vector_load %arg8[%swap3A_79, %swap3A_80] {strides = array<i32>} : memref<16x1024xf32, #tpu.memory_space<vmem>>, vector<1x16xf32>,
      %swap3A_82 = vector.shape_cast %swap3A_81 : vector<1x16xf32> to vector<16xf32>
      %swap3A_83 = vector.shape_cast %broadcast_in_dim3A_16 : vector<16xf32> to vector<1x16xf32>
      tpu.vector_store %arg8[%swap3A_79, %swap3A_80], %swap3A_83 {strides = array<i32>} : memref<16x1024xf32, #tpu.memory_space<vmem>>, vector<1x16xf32>,
      %swap3A_84 = arith.index_cast %scan3A_29 : i32 to index
      %swap3A_85 = arith.constant 176 : index
      %swap3A_86 = tpu.vector_load %arg8[%swap3A_84, %swap3A_85] {strides = array<i32>} : memref<16x1024xf32, #tpu.memory_space<vmem>>, vector<1x16xf32>,
      %swap3A_87 = vector.shape_cast %swap3A_86 : vector<1x16xf32> to vector<16xf32>
      %swap3A_88 = vector.shape_cast %broadcast_in_dim3A_16 : vector<16xf32> to vector<1x16xf32>
      tpu.vector_store %arg8[%swap3A_84, %swap3A_85], %swap3A_88 {strides = array<i32>} : memref<16x1024xf32, #tpu.memory_space<vmem>>, vector<1x16xf32>,
      %swap3A_89 = arith.index_cast %scan3A_29 : i32 to index
      %swap3A_90 = arith.constant 192 : index
      %swap3A_91 = tpu.vector_load %arg8[%swap3A_89, %swap3A_90] {strides = array<i32>} : memref<16x1024xf32, #tpu.memory_space<vmem>>, vector<1x16xf32>,
      %swap3A_92 = vector.shape_cast %swap3A_91 : vector<1x16xf32> to vector<16xf32>
      %swap3A_93 = vector.shape_cast %broadcast_in_dim3A_16 : vector<16xf32> to vector<1x16xf32>
      tpu.vector_store %arg8[%swap3A_89, %swap3A_90], %swap3A_93 {strides = array<i32>} : memref<16x1024xf32, #tpu.memory_space<vmem>>, vector<1x16xf32>,
      %swap3A_94 = arith.index_cast %scan3A_29 : i32 to index
      %swap3A_95 = arith.constant 208 : index
      %swap3A_96 = tpu.vector_load %arg8[%swap3A_94, %swap3A_95] {strides = array<i32>} : memref<16x1024xf32, #tpu.memory_space<vmem>>, vector<1x16xf32>,
      %swap3A_97 = vector.shape_cast %swap3A_96 : vector<1x16xf32> to vector<16xf32>
      %swap3A_98 = vector.shape_cast %broadcast_in_dim3A_16 : vector<16xf32> to vector<1x16xf32>
      tpu.vector_store %arg8[%swap3A_94, %swap3A_95], %swap3A_98 {strides = array<i32>} : memref<16x1024xf32, #tpu.memory_space<vmem>>, vector<1x16xf32>,
      %swap3A_99 = arith.index_cast %scan3A_29 : i32 to index
      %swap3A_100 = arith.constant 224 : index
      %swap3A_101 = tpu.vector_load %arg8[%swap3A_99, %swap3A_100] {strides = array<i32>} : memref<16x1024xf32, #tpu.memory_space<vmem>>, vector<1x16xf32>,
      %swap3A_102 = vector.shape_cast %swap3A_101 : vector<1x16xf32> to vector<16xf32>
      %swap3A_103 = vector.shape_cast %broadcast_in_dim3A_16 : vector<16xf32> to vector<1x16xf32>
      tpu.vector_store %arg8[%swap3A_99, %swap3A_100], %swap3A_103 {strides = array<i32>} : memref<16x1024xf32, #tpu.memory_space<vmem>>, vector<1x16xf32>,
      %swap3A_104 = arith.index_cast %scan3A_29 : i32 to index
      %swap3A_105 = arith.constant 240 : index
      %swap3A_106 = tpu.vector_load %arg8[%swap3A_104, %swap3A_105] {strides = array<i32>} : memref<16x1024xf32, #tpu.memory_space<vmem>>, vector<1x16xf32>,
      %swap3A_107 = vector.shape_cast %swap3A_106 : vector<1x16xf32> to vector<16xf32>
      %swap3A_108 = vector.shape_cast %broadcast_in_dim3A_16 : vector<16xf32> to vector<1x16xf32>
      tpu.vector_store %arg8[%swap3A_104, %swap3A_105], %swap3A_108 {strides = array<i32>} : memref<16x1024xf32, #tpu.memory_space<vmem>>, vector<1x16xf32>,
      %swap3A_109 = arith.index_cast %scan3A_29 : i32 to index
      %swap3A_110 = arith.constant 256 : index
      %swap3A_111 = tpu.vector_load %arg8[%swap3A_109, %swap3A_110] {strides = array<i32>} : memref<16x1024xf32, #tpu.memory_space<vmem>>, vector<1x16xf32>,
      %swap3A_112 = vector.shape_cast %swap3A_111 : vector<1x16xf32> to vector<16xf32>
      %swap3A_113 = vector.shape_cast %broadcast_in_dim3A_16 : vector<16xf32> to vector<1x16xf32>
      tpu.vector_store %arg8[%swap3A_109, %swap3A_110], %swap3A_113 {strides = array<i32>} : memref<16x1024xf32, #tpu.memory_space<vmem>>, vector<1x16xf32>,
      %swap3A_114 = arith.index_cast %scan3A_29 : i32 to index
      %swap3A_115 = arith.constant 272 : index
      %swap3A_116 = tpu.vector_load %arg8[%swap3A_114, %swap3A_115] {strides = array<i32>} : memref<16x1024xf32, #tpu.memory_space<vmem>>, vector<1x16xf32>,
      %swap3A_117 = vector.shape_cast %swap3A_116 : vector<1x16xf32> to vector<16xf32>
      %swap3A_118 = vector.shape_cast %broadcast_in_dim3A_16 : vector<16xf32> to vector<1x16xf32>
      tpu.vector_store %arg8[%swap3A_114, %swap3A_115], %swap3A_118 {strides = array<i32>} : memref<16x1024xf32, #tpu.memory_space<vmem>>, vector<1x16xf32>,
      %swap3A_119 = arith.index_cast %scan3A_29 : i32 to index
      %swap3A_120 = arith.constant 288 : index
      %swap3A_121 = tpu.vector_load %arg8[%swap3A_119, %swap3A_120] {strides = array<i32>} : memref<16x1024xf32, #tpu.memory_space<vmem>>, vector<1x16xf32>,
      %swap3A_122 = vector.shape_cast %swap3A_121 : vector<1x16xf32> to vector<16xf32>
      %swap3A_123 = vector.shape_cast %broadcast_in_dim3A_16 : vector<16xf32> to vector<1x16xf32>
      tpu.vector_store %arg8[%swap3A_119, %swap3A_120], %swap3A_123 {strides = array<i32>} : memref<16x1024xf32, #tpu.memory_space<vmem>>, vector<1x16xf32>,
      %swap3A_124 = arith.index_cast %scan3A_29 : i32 to index
      %swap3A_125 = arith.constant 304 : index
      %swap3A_126 = tpu.vector_load %arg8[%swap3A_124, %swap3A_125] {strides = array<i32>} : memref<16x1024xf32, #tpu.memory_space<vmem>>, vector<1x16xf32>,
      %swap3A_127 = vector.shape_cast %swap3A_126 : vector<1x16xf32> to vector<16xf32>
      %swap3A_128 = vector.shape_cast %broadcast_in_dim3A_16 : vector<16xf32> to vector<1x16xf32>
      tpu.vector_store %arg8[%swap3A_124, %swap3A_125], %swap3A_128 {strides = array<i32>} : memref<16x1024xf32, #tpu.memory_space<vmem>>, vector<1x16xf32>,
      %swap3A_129 = arith.index_cast %scan3A_29 : i32 to index
      %swap3A_130 = arith.constant 320 : index
      %swap3A_131 = tpu.vector_load %arg8[%swap3A_129, %swap3A_130] {strides = array<i32>} : memref<16x1024xf32, #tpu.memory_space<vmem>>, vector<1x16xf32>,
      %swap3A_132 = vector.shape_cast %swap3A_131 : vector<1x16xf32> to vector<16xf32>
      %swap3A_133 = vector.shape_cast %broadcast_in_dim3A_16 : vector<16xf32> to vector<1x16xf32>
      tpu.vector_store %arg8[%swap3A_129, %swap3A_130], %swap3A_133 {strides = array<i32>} : memref<16x1024xf32, #tpu.memory_space<vmem>>, vector<1x16xf32>,
      %swap3A_134 = arith.index_cast %scan3A_29 : i32 to index
      %swap3A_135 = arith.constant 336 : index
      %swap3A_136 = tpu.vector_load %arg8[%swap3A_134, %swap3A_135] {strides = array<i32>} : memref<16x1024xf32, #tpu.memory_space<vmem>>, vector<1x16xf32>,
      %swap3A_137 = vector.shape_cast %swap3A_136 : vector<1x16xf32> to vector<16xf32>
      %swap3A_138 = vector.shape_cast %broadcast_in_dim3A_16 : vector<16xf32> to vector<1x16xf32>
      tpu.vector_store %arg8[%swap3A_134, %swap3A_135], %swap3A_138 {strides = array<i32>} : memref<16x1024xf32, #tpu.memory_space<vmem>>, vector<1x16xf32>,
      %swap3A_139 = arith.index_cast %scan3A_29 : i32 to index
      %swap3A_140 = arith.constant 352 : index
      %swap3A_141 = tpu.vector_load %arg8[%swap3A_139, %swap3A_140] {strides = array<i32>} : memref<16x1024xf32, #tpu.memory_space<vmem>>, vector<1x16xf32>,
      %swap3A_142 = vector.shape_cast %swap3A_141 : vector<1x16xf32> to vector<16xf32>
      %swap3A_143 = vector.shape_cast %broadcast_in_dim3A_16 : vector<16xf32> to vector<1x16xf32>
      tpu.vector_store %arg8[%swap3A_139, %swap3A_140], %swap3A_143 {strides = array<i32>} : memref<16x1024xf32, #tpu.memory_space<vmem>>, vector<1x16xf32>,
      %swap3A_144 = arith.index_cast %scan3A_29 : i32 to index
      %swap3A_145 = arith.constant 368 : index
      %swap3A_146 = tpu.vector_load %arg8[%swap3A_144, %swap3A_145] {strides = array<i32>} : memref<16x1024xf32, #tpu.memory_space<vmem>>, vector<1x16xf32>,
      %swap3A_147 = vector.shape_cast %swap3A_146 : vector<1x16xf32> to vector<16xf32>
      %swap3A_148 = vector.shape_cast %broadcast_in_dim3A_16 : vector<16xf32> to vector<1x16xf32>
      tpu.vector_store %arg8[%swap3A_144, %swap3A_145], %swap3A_148 {strides = array<i32>} : memref<16x1024xf32, #tpu.memory_space<vmem>>, vector<1x16xf32>,
      %swap3A_149 = arith.index_cast %scan3A_29 : i32 to index
      %swap3A_150 = arith.constant 384 : index
      %swap3A_151 = tpu.vector_load %arg8[%swap3A_149, %swap3A_150] {strides = array<i32>} : memref<16x1024xf32, #tpu.memory_space<vmem>>, vector<1x16xf32>,
      %swap3A_152 = vector.shape_cast %swap3A_151 : vector<1x16xf32> to vector<16xf32>
      %swap3A_153 = vector.shape_cast %broadcast_in_dim3A_16 : vector<16xf32> to vector<1x16xf32>
      tpu.vector_store %arg8[%swap3A_149, %swap3A_150], %swap3A_153 {strides = array<i32>} : memref<16x1024xf32, #tpu.memory_space<vmem>>, vector<1x16xf32>,
      %swap3A_154 = arith.index_cast %scan3A_29 : i32 to index
      %swap3A_155 = arith.constant 400 : index
      %swap3A_156 = tpu.vector_load %arg8[%swap3A_154, %swap3A_155] {strides = array<i32>} : memref<16x1024xf32, #tpu.memory_space<vmem>>, vector<1x16xf32>,
      %swap3A_157 = vector.shape_cast %swap3A_156 : vector<1x16xf32> to vector<16xf32>
      %swap3A_158 = vector.shape_cast %broadcast_in_dim3A_16 : vector<16xf32> to vector<1x16xf32>
      tpu.vector_store %arg8[%swap3A_154, %swap3A_155], %swap3A_158 {strides = array<i32>} : memref<16x1024xf32, #tpu.memory_space<vmem>>, vector<1x16xf32>,
      %swap3A_159 = arith.index_cast %scan3A_29 : i32 to index
      %swap3A_160 = arith.constant 416 : index
      %swap3A_161 = tpu.vector_load %arg8[%swap3A_159, %swap3A_160] {strides = array<i32>} : memref<16x1024xf32, #tpu.memory_space<vmem>>, vector<1x16xf32>,
      %swap3A_162 = vector.shape_cast %swap3A_161 : vector<1x16xf32> to vector<16xf32>
      %swap3A_163 = vector.shape_cast %broadcast_in_dim3A_16 : vector<16xf32> to vector<1x16xf32>
      tpu.vector_store %arg8[%swap3A_159, %swap3A_160], %swap3A_163 {strides = array<i32>} : memref<16x1024xf32, #tpu.memory_space<vmem>>, vector<1x16xf32>,
      %swap3A_164 = arith.index_cast %scan3A_29 : i32 to index
      %swap3A_165 = arith.constant 432 : index
      %swap3A_166 = tpu.vector_load %arg8[%swap3A_164, %swap3A_165] {strides = array<i32>} : memref<16x1024xf32, #tpu.memory_space<vmem>>, vector<1x16xf32>,
      %swap3A_167 = vector.shape_cast %swap3A_166 : vector<1x16xf32> to vector<16xf32>
      %swap3A_168 = vector.shape_cast %broadcast_in_dim3A_16 : vector<16xf32> to vector<1x16xf32>
      tpu.vector_store %arg8[%swap3A_164, %swap3A_165], %swap3A_168 {strides = array<i32>} : memref<16x1024xf32, #tpu.memory_space<vmem>>, vector<1x16xf32>,
      %swap3A_169 = arith.index_cast %scan3A_29 : i32 to index
      %swap3A_170 = arith.constant 448 : index
      %swap3A_171 = tpu.vector_load %arg8[%swap3A_169, %swap3A_170] {strides = array<i32>} : memref<16x1024xf32, #tpu.memory_space<vmem>>, vector<1x16xf32>,
      %swap3A_172 = vector.shape_cast %swap3A_171 : vector<1x16xf32> to vector<16xf32>
      %swap3A_173 = vector.shape_cast %broadcast_in_dim3A_16 : vector<16xf32> to vector<1x16xf32>
      tpu.vector_store %arg8[%swap3A_169, %swap3A_170], %swap3A_173 {strides = array<i32>} : memref<16x1024xf32, #tpu.memory_space<vmem>>, vector<1x16xf32>,
      %swap3A_174 = arith.index_cast %scan3A_29 : i32 to index
      %swap3A_175 = arith.constant 464 : index
      %swap3A_176 = tpu.vector_load %arg8[%swap3A_174, %swap3A_175] {strides = array<i32>} : memref<16x1024xf32, #tpu.memory_space<vmem>>, vector<1x16xf32>,
      %swap3A_177 = vector.shape_cast %swap3A_176 : vector<1x16xf32> to vector<16xf32>
      %swap3A_178 = vector.shape_cast %broadcast_in_dim3A_16 : vector<16xf32> to vector<1x16xf32>
      tpu.vector_store %arg8[%swap3A_174, %swap3A_175], %swap3A_178 {strides = array<i32>} : memref<16x1024xf32, #tpu.memory_space<vmem>>, vector<1x16xf32>,
      %swap3A_179 = arith.index_cast %scan3A_29 : i32 to index
      %swap3A_180 = arith.constant 480 : index
      %swap3A_181 = tpu.vector_load %arg8[%swap3A_179, %swap3A_180] {strides = array<i32>} : memref<16x1024xf32, #tpu.memory_space<vmem>>, vector<1x16xf32>,
      %swap3A_182 = vector.shape_cast %swap3A_181 : vector<1x16xf32> to vector<16xf32>
      %swap3A_183 = vector.shape_cast %broadcast_in_dim3A_16 : vector<16xf32> to vector<1x16xf32>
      tpu.vector_store %arg8[%swap3A_179, %swap3A_180], %swap3A_183 {strides = array<i32>} : memref<16x1024xf32, #tpu.memory_space<vmem>>, vector<1x16xf32>,
      %swap3A_184 = arith.index_cast %scan3A_29 : i32 to index
      %swap3A_185 = arith.constant 496 : index
      %swap3A_186 = tpu.vector_load %arg8[%swap3A_184, %swap3A_185] {strides = array<i32>} : memref<16x1024xf32, #tpu.memory_space<vmem>>, vector<1x16xf32>,
      %swap3A_187 = vector.shape_cast %swap3A_186 : vector<1x16xf32> to vector<16xf32>
      %swap3A_188 = vector.shape_cast %broadcast_in_dim3A_16 : vector<16xf32> to vector<1x16xf32>
      tpu.vector_store %arg8[%swap3A_184, %swap3A_185], %swap3A_188 {strides = array<i32>} : memref<16x1024xf32, #tpu.memory_space<vmem>>, vector<1x16xf32>,
      %swap3A_189 = arith.index_cast %scan3A_29 : i32 to index
      %swap3A_190 = arith.constant 512 : index
      %swap3A_191 = tpu.vector_load %arg8[%swap3A_189, %swap3A_190] {strides = array<i32>} : memref<16x1024xf32, #tpu.memory_space<vmem>>, vector<1x16xf32>,
      %swap3A_192 = vector.shape_cast %swap3A_191 : vector<1x16xf32> to vector<16xf32>
      %swap3A_193 = vector.shape_cast %broadcast_in_dim3A_16 : vector<16xf32> to vector<1x16xf32>
      tpu.vector_store %arg8[%swap3A_189, %swap3A_190], %swap3A_193 {strides = array<i32>} : memref<16x1024xf32, #tpu.memory_space<vmem>>, vector<1x16xf32>,
      %swap3A_194 = arith.index_cast %scan3A_29 : i32 to index
      %swap3A_195 = arith.constant 528 : index
      %swap3A_196 = tpu.vector_load %arg8[%swap3A_194, %swap3A_195] {strides = array<i32>} : memref<16x1024xf32, #tpu.memory_space<vmem>>, vector<1x16xf32>,
      %swap3A_197 = vector.shape_cast %swap3A_196 : vector<1x16xf32> to vector<16xf32>
      %swap3A_198 = vector.shape_cast %broadcast_in_dim3A_16 : vector<16xf32> to vector<1x16xf32>
      tpu.vector_store %arg8[%swap3A_194, %swap3A_195], %swap3A_198 {strides = array<i32>} : memref<16x1024xf32, #tpu.memory_space<vmem>>, vector<1x16xf32>,
      %swap3A_199 = arith.index_cast %scan3A_29 : i32 to index
      %swap3A_200 = arith.constant 544 : index
      %swap3A_201 = tpu.vector_load %arg8[%swap3A_199, %swap3A_200] {strides = array<i32>} : memref<16x1024xf32, #tpu.memory_space<vmem>>, vector<1x16xf32>,
      %swap3A_202 = vector.shape_cast %swap3A_201 : vector<1x16xf32> to vector<16xf32>
      %swap3A_203 = vector.shape_cast %broadcast_in_dim3A_16 : vector<16xf32> to vector<1x16xf32>
      tpu.vector_store %arg8[%swap3A_199, %swap3A_200], %swap3A_203 {strides = array<i32>} : memref<16x1024xf32, #tpu.memory_space<vmem>>, vector<1x16xf32>,
      %swap3A_204 = arith.index_cast %scan3A_29 : i32 to index
      %swap3A_205 = arith.constant 560 : index
      %swap3A_206 = tpu.vector_load %arg8[%swap3A_204, %swap3A_205] {strides = array<i32>} : memref<16x1024xf32, #tpu.memory_space<vmem>>, vector<1x16xf32>,
      %swap3A_207 = vector.shape_cast %swap3A_206 : vector<1x16xf32> to vector<16xf32>
      %swap3A_208 = vector.shape_cast %broadcast_in_dim3A_16 : vector<16xf32> to vector<1x16xf32>
      tpu.vector_store %arg8[%swap3A_204, %swap3A_205], %swap3A_208 {strides = array<i32>} : memref<16x1024xf32, #tpu.memory_space<vmem>>, vector<1x16xf32>,
      %swap3A_209 = arith.index_cast %scan3A_29 : i32 to index
      %swap3A_210 = arith.constant 576 : index
      %swap3A_211 = tpu.vector_load %arg8[%swap3A_209, %swap3A_210] {strides = array<i32>} : memref<16x1024xf32, #tpu.memory_space<vmem>>, vector<1x16xf32>,
      %swap3A_212 = vector.shape_cast %swap3A_211 : vector<1x16xf32> to vector<16xf32>
      %swap3A_213 = vector.shape_cast %broadcast_in_dim3A_16 : vector<16xf32> to vector<1x16xf32>
      tpu.vector_store %arg8[%swap3A_209, %swap3A_210], %swap3A_213 {strides = array<i32>} : memref<16x1024xf32, #tpu.memory_space<vmem>>, vector<1x16xf32>,
      %swap3A_214 = arith.index_cast %scan3A_29 : i32 to index
      %swap3A_215 = arith.constant 592 : index
      %swap3A_216 = tpu.vector_load %arg8[%swap3A_214, %swap3A_215] {strides = array<i32>} : memref<16x1024xf32, #tpu.memory_space<vmem>>, vector<1x16xf32>,
      %swap3A_217 = vector.shape_cast %swap3A_216 : vector<1x16xf32> to vector<16xf32>
      %swap3A_218 = vector.shape_cast %broadcast_in_dim3A_16 : vector<16xf32> to vector<1x16xf32>
      tpu.vector_store %arg8[%swap3A_214, %swap3A_215], %swap3A_218 {strides = array<i32>} : memref<16x1024xf32, #tpu.memory_space<vmem>>, vector<1x16xf32>,
      %swap3A_219 = arith.index_cast %scan3A_29 : i32 to index
      %swap3A_220 = arith.constant 608 : index
      %swap3A_221 = tpu.vector_load %arg8[%swap3A_219, %swap3A_220] {strides = array<i32>} : memref<16x1024xf32, #tpu.memory_space<vmem>>, vector<1x16xf32>,
      %swap3A_222 = vector.shape_cast %swap3A_221 : vector<1x16xf32> to vector<16xf32>
      %swap3A_223 = vector.shape_cast %broadcast_in_dim3A_16 : vector<16xf32> to vector<1x16xf32>
      tpu.vector_store %arg8[%swap3A_219, %swap3A_220], %swap3A_223 {strides = array<i32>} : memref<16x1024xf32, #tpu.memory_space<vmem>>, vector<1x16xf32>,
      %swap3A_224 = arith.index_cast %scan3A_29 : i32 to index
      %swap3A_225 = arith.constant 624 : index
      %swap3A_226 = tpu.vector_load %arg8[%swap3A_224, %swap3A_225] {strides = array<i32>} : memref<16x1024xf32, #tpu.memory_space<vmem>>, vector<1x16xf32>,
      %swap3A_227 = vector.shape_cast %swap3A_226 : vector<1x16xf32> to vector<16xf32>
      %swap3A_228 = vector.shape_cast %broadcast_in_dim3A_16 : vector<16xf32> to vector<1x16xf32>
      tpu.vector_store %arg8[%swap3A_224, %swap3A_225], %swap3A_228 {strides = array<i32>} : memref<16x1024xf32, #tpu.memory_space<vmem>>, vector<1x16xf32>,
      %swap3A_229 = arith.index_cast %scan3A_29 : i32 to index
      %swap3A_230 = arith.constant 640 : index
      %swap3A_231 = tpu.vector_load %arg8[%swap3A_229, %swap3A_230] {strides = array<i32>} : memref<16x1024xf32, #tpu.memory_space<vmem>>, vector<1x16xf32>,
      %swap3A_232 = vector.shape_cast %swap3A_231 : vector<1x16xf32> to vector<16xf32>
      %swap3A_233 = vector.shape_cast %broadcast_in_dim3A_16 : vector<16xf32> to vector<1x16xf32>
      tpu.vector_store %arg8[%swap3A_229, %swap3A_230], %swap3A_233 {strides = array<i32>} : memref<16x1024xf32, #tpu.memory_space<vmem>>, vector<1x16xf32>,
      %swap3A_234 = arith.index_cast %scan3A_29 : i32 to index
      %swap3A_235 = arith.constant 656 : index
      %swap3A_236 = tpu.vector_load %arg8[%swap3A_234, %swap3A_235] {strides = array<i32>} : memref<16x1024xf32, #tpu.memory_space<vmem>>, vector<1x16xf32>,
      %swap3A_237 = vector.shape_cast %swap3A_236 : vector<1x16xf32> to vector<16xf32>
      %swap3A_238 = vector.shape_cast %broadcast_in_dim3A_16 : vector<16xf32> to vector<1x16xf32>
      tpu.vector_store %arg8[%swap3A_234, %swap3A_235], %swap3A_238 {strides = array<i32>} : memref<16x1024xf32, #tpu.memory_space<vmem>>, vector<1x16xf32>,
      %swap3A_239 = arith.index_cast %scan3A_29 : i32 to index
      %swap3A_240 = arith.constant 672 : index
      %swap3A_241 = tpu.vector_load %arg8[%swap3A_239, %swap3A_240] {strides = array<i32>} : memref<16x1024xf32, #tpu.memory_space<vmem>>, vector<1x16xf32>,
      %swap3A_242 = vector.shape_cast %swap3A_241 : vector<1x16xf32> to vector<16xf32>
      %swap3A_243 = vector.shape_cast %broadcast_in_dim3A_16 : vector<16xf32> to vector<1x16xf32>
      tpu.vector_store %arg8[%swap3A_239, %swap3A_240], %swap3A_243 {strides = array<i32>} : memref<16x1024xf32, #tpu.memory_space<vmem>>, vector<1x16xf32>,
      %swap3A_244 = arith.index_cast %scan3A_29 : i32 to index
      %swap3A_245 = arith.constant 688 : index
      %swap3A_246 = tpu.vector_load %arg8[%swap3A_244, %swap3A_245] {strides = array<i32>} : memref<16x1024xf32, #tpu.memory_space<vmem>>, vector<1x16xf32>,
      %swap3A_247 = vector.shape_cast %swap3A_246 : vector<1x16xf32> to vector<16xf32>
      %swap3A_248 = vector.shape_cast %broadcast_in_dim3A_16 : vector<16xf32> to vector<1x16xf32>
      tpu.vector_store %arg8[%swap3A_244, %swap3A_245], %swap3A_248 {strides = array<i32>} : memref<16x1024xf32, #tpu.memory_space<vmem>>, vector<1x16xf32>,
      %swap3A_249 = arith.index_cast %scan3A_29 : i32 to index
      %swap3A_250 = arith.constant 704 : index
      %swap3A_251 = tpu.vector_load %arg8[%swap3A_249, %swap3A_250] {strides = array<i32>} : memref<16x1024xf32, #tpu.memory_space<vmem>>, vector<1x16xf32>,
      %swap3A_252 = vector.shape_cast %swap3A_251 : vector<1x16xf32> to vector<16xf32>
      %swap3A_253 = vector.shape_cast %broadcast_in_dim3A_16 : vector<16xf32> to vector<1x16xf32>
      tpu.vector_store %arg8[%swap3A_249, %swap3A_250], %swap3A_253 {strides = array<i32>} : memref<16x1024xf32, #tpu.memory_space<vmem>>, vector<1x16xf32>,
      %swap3A_254 = arith.index_cast %scan3A_29 : i32 to index
      %swap3A_255 = arith.constant 720 : index
      %swap3A_256 = tpu.vector_load %arg8[%swap3A_254, %swap3A_255] {strides = array<i32>} : memref<16x1024xf32, #tpu.memory_space<vmem>>, vector<1x16xf32>,
      %swap3A_257 = vector.shape_cast %swap3A_256 : vector<1x16xf32> to vector<16xf32>
      %swap3A_258 = vector.shape_cast %broadcast_in_dim3A_16 : vector<16xf32> to vector<1x16xf32>
      tpu.vector_store %arg8[%swap3A_254, %swap3A_255], %swap3A_258 {strides = array<i32>} : memref<16x1024xf32, #tpu.memory_space<vmem>>, vector<1x16xf32>,
      %swap3A_259 = arith.index_cast %scan3A_29 : i32 to index
      %swap3A_260 = arith.constant 736 : index
      %swap3A_261 = tpu.vector_load %arg8[%swap3A_259, %swap3A_260] {strides = array<i32>} : memref<16x1024xf32, #tpu.memory_space<vmem>>, vector<1x16xf32>,
      %swap3A_262 = vector.shape_cast %swap3A_261 : vector<1x16xf32> to vector<16xf32>
      %swap3A_263 = vector.shape_cast %broadcast_in_dim3A_16 : vector<16xf32> to vector<1x16xf32>
      tpu.vector_store %arg8[%swap3A_259, %swap3A_260], %swap3A_263 {strides = array<i32>} : memref<16x1024xf32, #tpu.memory_space<vmem>>, vector<1x16xf32>,
      %swap3A_264 = arith.index_cast %scan3A_29 : i32 to index
      %swap3A_265 = arith.constant 752 : index
      %swap3A_266 = tpu.vector_load %arg8[%swap3A_264, %swap3A_265] {strides = array<i32>} : memref<16x1024xf32, #tpu.memory_space<vmem>>, vector<1x16xf32>,
      %swap3A_267 = vector.shape_cast %swap3A_266 : vector<1x16xf32> to vector<16xf32>
      %swap3A_268 = vector.shape_cast %broadcast_in_dim3A_16 : vector<16xf32> to vector<1x16xf32>
      tpu.vector_store %arg8[%swap3A_264, %swap3A_265], %swap3A_268 {strides = array<i32>} : memref<16x1024xf32, #tpu.memory_space<vmem>>, vector<1x16xf32>,
      %swap3A_269 = arith.index_cast %scan3A_29 : i32 to index
      %swap3A_270 = arith.constant 768 : index
      %swap3A_271 = tpu.vector_load %arg8[%swap3A_269, %swap3A_270] {strides = array<i32>} : memref<16x1024xf32, #tpu.memory_space<vmem>>, vector<1x16xf32>,
      %swap3A_272 = vector.shape_cast %swap3A_271 : vector<1x16xf32> to vector<16xf32>
      %swap3A_273 = vector.shape_cast %broadcast_in_dim3A_16 : vector<16xf32> to vector<1x16xf32>
      tpu.vector_store %arg8[%swap3A_269, %swap3A_270], %swap3A_273 {strides = array<i32>} : memref<16x1024xf32, #tpu.memory_space<vmem>>, vector<1x16xf32>,
      %swap3A_274 = arith.index_cast %scan3A_29 : i32 to index
      %swap3A_275 = arith.constant 784 : index
      %swap3A_276 = tpu.vector_load %arg8[%swap3A_274, %swap3A_275] {strides = array<i32>} : memref<16x1024xf32, #tpu.memory_space<vmem>>, vector<1x16xf32>,
      %swap3A_277 = vector.shape_cast %swap3A_276 : vector<1x16xf32> to vector<16xf32>
      %swap3A_278 = vector.shape_cast %broadcast_in_dim3A_16 : vector<16xf32> to vector<1x16xf32>
      tpu.vector_store %arg8[%swap3A_274, %swap3A_275], %swap3A_278 {strides = array<i32>} : memref<16x1024xf32, #tpu.memory_space<vmem>>, vector<1x16xf32>,
      %swap3A_279 = arith.index_cast %scan3A_29 : i32 to index
      %swap3A_280 = arith.constant 800 : index
      %swap3A_281 = tpu.vector_load %arg8[%swap3A_279, %swap3A_280] {strides = array<i32>} : memref<16x1024xf32, #tpu.memory_space<vmem>>, vector<1x16xf32>,
      %swap3A_282 = vector.shape_cast %swap3A_281 : vector<1x16xf32> to vector<16xf32>
      %swap3A_283 = vector.shape_cast %broadcast_in_dim3A_16 : vector<16xf32> to vector<1x16xf32>
      tpu.vector_store %arg8[%swap3A_279, %swap3A_280], %swap3A_283 {strides = array<i32>} : memref<16x1024xf32, #tpu.memory_space<vmem>>, vector<1x16xf32>,
      %swap3A_284 = arith.index_cast %scan3A_29 : i32 to index
      %swap3A_285 = arith.constant 816 : index
      %swap3A_286 = tpu.vector_load %arg8[%swap3A_284, %swap3A_285] {strides = array<i32>} : memref<16x1024xf32, #tpu.memory_space<vmem>>, vector<1x16xf32>,
      %swap3A_287 = vector.shape_cast %swap3A_286 : vector<1x16xf32> to vector<16xf32>
      %swap3A_288 = vector.shape_cast %broadcast_in_dim3A_16 : vector<16xf32> to vector<1x16xf32>
      tpu.vector_store %arg8[%swap3A_284, %swap3A_285], %swap3A_288 {strides = array<i32>} : memref<16x1024xf32, #tpu.memory_space<vmem>>, vector<1x16xf32>,
      %swap3A_289 = arith.index_cast %scan3A_29 : i32 to index
      %swap3A_290 = arith.constant 832 : index
      %swap3A_291 = tpu.vector_load %arg8[%swap3A_289, %swap3A_290] {strides = array<i32>} : memref<16x1024xf32, #tpu.memory_space<vmem>>, vector<1x16xf32>,
      %swap3A_292 = vector.shape_cast %swap3A_291 : vector<1x16xf32> to vector<16xf32>
      %swap3A_293 = vector.shape_cast %broadcast_in_dim3A_16 : vector<16xf32> to vector<1x16xf32>
      tpu.vector_store %arg8[%swap3A_289, %swap3A_290], %swap3A_293 {strides = array<i32>} : memref<16x1024xf32, #tpu.memory_space<vmem>>, vector<1x16xf32>,
      %swap3A_294 = arith.index_cast %scan3A_29 : i32 to index
      %swap3A_295 = arith.constant 848 : index
      %swap3A_296 = tpu.vector_load %arg8[%swap3A_294, %swap3A_295] {strides = array<i32>} : memref<16x1024xf32, #tpu.memory_space<vmem>>, vector<1x16xf32>,
      %swap3A_297 = vector.shape_cast %swap3A_296 : vector<1x16xf32> to vector<16xf32>
      %swap3A_298 = vector.shape_cast %broadcast_in_dim3A_16 : vector<16xf32> to vector<1x16xf32>
      tpu.vector_store %arg8[%swap3A_294, %swap3A_295], %swap3A_298 {strides = array<i32>} : memref<16x1024xf32, #tpu.memory_space<vmem>>, vector<1x16xf32>,
      %swap3A_299 = arith.index_cast %scan3A_29 : i32 to index
      %swap3A_300 = arith.constant 864 : index
      %swap3A_301 = tpu.vector_load %arg8[%swap3A_299, %swap3A_300] {strides = array<i32>} : memref<16x1024xf32, #tpu.memory_space<vmem>>, vector<1x16xf32>,
      %swap3A_302 = vector.shape_cast %swap3A_301 : vector<1x16xf32> to vector<16xf32>
      %swap3A_303 = vector.shape_cast %broadcast_in_dim3A_16 : vector<16xf32> to vector<1x16xf32>
      tpu.vector_store %arg8[%swap3A_299, %swap3A_300], %swap3A_303 {strides = array<i32>} : memref<16x1024xf32, #tpu.memory_space<vmem>>, vector<1x16xf32>,
      %swap3A_304 = arith.index_cast %scan3A_29 : i32 to index
      %swap3A_305 = arith.constant 880 : index
      %swap3A_306 = tpu.vector_load %arg8[%swap3A_304, %swap3A_305] {strides = array<i32>} : memref<16x1024xf32, #tpu.memory_space<vmem>>, vector<1x16xf32>,
      %swap3A_307 = vector.shape_cast %swap3A_306 : vector<1x16xf32> to vector<16xf32>
      %swap3A_308 = vector.shape_cast %broadcast_in_dim3A_16 : vector<16xf32> to vector<1x16xf32>
      tpu.vector_store %arg8[%swap3A_304, %swap3A_305], %swap3A_308 {strides = array<i32>} : memref<16x1024xf32, #tpu.memory_space<vmem>>, vector<1x16xf32>,
      %swap3A_309 = arith.index_cast %scan3A_29 : i32 to index
      %swap3A_310 = arith.constant 896 : index
      %swap3A_311 = tpu.vector_load %arg8[%swap3A_309, %swap3A_310] {strides = array<i32>} : memref<16x1024xf32, #tpu.memory_space<vmem>>, vector<1x16xf32>,
      %swap3A_312 = vector.shape_cast %swap3A_311 : vector<1x16xf32> to vector<16xf32>
      %swap3A_313 = vector.shape_cast %broadcast_in_dim3A_16 : vector<16xf32> to vector<1x16xf32>
      tpu.vector_store %arg8[%swap3A_309, %swap3A_310], %swap3A_313 {strides = array<i32>} : memref<16x1024xf32, #tpu.memory_space<vmem>>, vector<1x16xf32>,
      %swap3A_314 = arith.index_cast %scan3A_29 : i32 to index
      %swap3A_315 = arith.constant 912 : index
      %swap3A_316 = tpu.vector_load %arg8[%swap3A_314, %swap3A_315] {strides = array<i32>} : memref<16x1024xf32, #tpu.memory_space<vmem>>, vector<1x16xf32>,
      %swap3A_317 = vector.shape_cast %swap3A_316 : vector<1x16xf32> to vector<16xf32>
      %swap3A_318 = vector.shape_cast %broadcast_in_dim3A_16 : vector<16xf32> to vector<1x16xf32>
      tpu.vector_store %arg8[%swap3A_314, %swap3A_315], %swap3A_318 {strides = array<i32>} : memref<16x1024xf32, #tpu.memory_space<vmem>>, vector<1x16xf32>,
      %swap3A_319 = arith.index_cast %scan3A_29 : i32 to index
      %swap3A_320 = arith.constant 928 : index
      %swap3A_321 = tpu.vector_load %arg8[%swap3A_319, %swap3A_320] {strides = array<i32>} : memref<16x1024xf32, #tpu.memory_space<vmem>>, vector<1x16xf32>,
      %swap3A_322 = vector.shape_cast %swap3A_321 : vector<1x16xf32> to vector<16xf32>
      %swap3A_323 = vector.shape_cast %broadcast_in_dim3A_16 : vector<16xf32> to vector<1x16xf32>
      tpu.vector_store %arg8[%swap3A_319, %swap3A_320], %swap3A_323 {strides = array<i32>} : memref<16x1024xf32, #tpu.memory_space<vmem>>, vector<1x16xf32>,
      %swap3A_324 = arith.index_cast %scan3A_29 : i32 to index
      %swap3A_325 = arith.constant 944 : index
      %swap3A_326 = tpu.vector_load %arg8[%swap3A_324, %swap3A_325] {strides = array<i32>} : memref<16x1024xf32, #tpu.memory_space<vmem>>, vector<1x16xf32>,
      %swap3A_327 = vector.shape_cast %swap3A_326 : vector<1x16xf32> to vector<16xf32>
      %swap3A_328 = vector.shape_cast %broadcast_in_dim3A_16 : vector<16xf32> to vector<1x16xf32>
      tpu.vector_store %arg8[%swap3A_324, %swap3A_325], %swap3A_328 {strides = array<i32>} : memref<16x1024xf32, #tpu.memory_space<vmem>>, vector<1x16xf32>,
      %swap3A_329 = arith.index_cast %scan3A_29 : i32 to index
      %swap3A_330 = arith.constant 960 : index
      %swap3A_331 = tpu.vector_load %arg8[%swap3A_329, %swap3A_330] {strides = array<i32>} : memref<16x1024xf32, #tpu.memory_space<vmem>>, vector<1x16xf32>,
      %swap3A_332 = vector.shape_cast %swap3A_331 : vector<1x16xf32> to vector<16xf32>
      %swap3A_333 = vector.shape_cast %broadcast_in_dim3A_16 : vector<16xf32> to vector<1x16xf32>
      tpu.vector_store %arg8[%swap3A_329, %swap3A_330], %swap3A_333 {strides = array<i32>} : memref<16x1024xf32, #tpu.memory_space<vmem>>, vector<1x16xf32>,
      %swap3A_334 = arith.index_cast %scan3A_29 : i32 to index
      %swap3A_335 = arith.constant 976 : index
      %swap3A_336 = tpu.vector_load %arg8[%swap3A_334, %swap3A_335] {strides = array<i32>} : memref<16x1024xf32, #tpu.memory_space<vmem>>, vector<1x16xf32>,
      %swap3A_337 = vector.shape_cast %swap3A_336 : vector<1x16xf32> to vector<16xf32>
      %swap3A_338 = vector.shape_cast %broadcast_in_dim3A_16 : vector<16xf32> to vector<1x16xf32>
      tpu.vector_store %arg8[%swap3A_334, %swap3A_335], %swap3A_338 {strides = array<i32>} : memref<16x1024xf32, #tpu.memory_space<vmem>>, vector<1x16xf32>,
      %swap3A_339 = arith.index_cast %scan3A_29 : i32 to index
      %swap3A_340 = arith.constant 992 : index
      %swap3A_341 = tpu.vector_load %arg8[%swap3A_339, %swap3A_340] {strides = array<i32>} : memref<16x1024xf32, #tpu.memory_space<vmem>>, vector<1x16xf32>,
      %swap3A_342 = vector.shape_cast %swap3A_341 : vector<1x16xf32> to vector<16xf32>
      %swap3A_343 = vector.shape_cast %broadcast_in_dim3A_16 : vector<16xf32> to vector<1x16xf32>
      tpu.vector_store %arg8[%swap3A_339, %swap3A_340], %swap3A_343 {strides = array<i32>} : memref<16x1024xf32, #tpu.memory_space<vmem>>, vector<1x16xf32>,
      %swap3A_344 = arith.index_cast %scan3A_29 : i32 to index
      %swap3A_345 = arith.constant 1008 : index
      %swap3A_346 = tpu.vector_load %arg8[%swap3A_344, %swap3A_345] {strides = array<i32>} : memref<16x1024xf32, #tpu.memory_space<vmem>>, vector<1x16xf32>,
      %swap3A_347 = vector.shape_cast %swap3A_346 : vector<1x16xf32> to vector<16xf32>
      %swap3A_348 = vector.shape_cast %broadcast_in_dim3A_16 : vector<16xf32> to vector<1x16xf32>
      tpu.vector_store %arg8[%swap3A_344, %swap3A_345], %swap3A_348 {strides = array<i32>} : memref<16x1024xf32, #tpu.memory_space<vmem>>, vector<1x16xf32>,
    }
    %scan3A_21 = arith.constant 16 : i32
    %dma_wait3A = tpu.memref_slice %arg3[%mul3A_2] : memref<16384xi32, #tpu.memory_space<hbm>> -> memref<160xi32, #tpu.memory_space<hbm>>
    %dma_wait3A_22 = tpu.memref_slice %arg3[%mul3A_2] : memref<16384xi32, #tpu.memory_space<hbm>> -> memref<160xi32, #tpu.memory_space<hbm>>
    tpu.wait_dma2 semaphore(%arg11 : memref<!tpu.dma_semaphore, #tpu.memory_space<semaphore_mem>>) src(%dma_wait3A_22 : memref<160xi32, #tpu.memory_space<hbm>>) dst(%arg5 : memref<160xi32, #tpu.memory_space<vmem>>)
    %scan3A_23 = arith.constant 0 : i32
    %scan3A_24 = arith.constant 0 : i32
    %scan3A_25 = arith.constant 5 : i32
    %scan3A_26 = arith.addi %scan3A_24, %scan3A_25 : i32
    %scan3A_27 = arith.constant 1 : i32
    scf.for %scan3A_29 = %scan3A_24 to %scan3A_26 step %scan3A_27  : i32 {
      %mul3A_30 = arith.constant 2 : i32
      %mul3A_31 = arith.muli %scan3A_29, %mul3A_30 : i32
      %dma_wait3A_32 = arith.constant 0 : i32
      %dma_wait3A_33 = tpu.memref_slice %arg2[%mul3A_2, %dma_wait3A_32] : memref<16384x1024xf32, #tpu.memory_space<hbm>> -> memref<16x1024xf32, #tpu.memory_space<hbm>>
      %dma_wait3A_34 = arith.constant 0 : i32
      %dma_wait3A_35 = tpu.memref_slice %arg2[%mul3A_2, %dma_wait3A_34] : memref<16384x1024xf32, #tpu.memory_space<hbm>> -> memref<16x1024xf32, #tpu.memory_space<hbm>>
      tpu.wait_dma2 semaphore(%arg9 : memref<!tpu.dma_semaphore, #tpu.memory_space<semaphore_mem>>) src(%dma_wait3A_35 : memref<16x1024xf32, #tpu.memory_space<hbm>>) dst(%arg6 : memref<16x1024xf32, #tpu.memory_space<vmem>>)
      %mul3A_36 = arith.constant 16 : i32
      %mul3A_37 = arith.muli %mul3A_31, %mul3A_36 : i32
      %get3A = arith.index_cast %mul3A_37 : i32 to index
      %get3A_38 = tpu.vector_load %arg5[%get3A] {strides = array<i32>} : memref<160xi32, #tpu.memory_space<vmem>>, vector<16xi32>,
      %get3A_39 = vector.shape_cast %get3A_38 : vector<16xi32> to vector<16xi32>
      %mul3A_40 = arith.constant 16 : i32
      %mul3A_41 = arith.muli %mul3A_31, %mul3A_40 : i32
      %add3A_42 = arith.constant 16 : i32
      %add3A_43 = arith.addi %mul3A_41, %add3A_42 : i32
      %sub3A = arith.constant 16 : i32
      %sub3A_44 = arith.subi %add3A_43, %sub3A : i32
      %get3A_45 = arith.index_cast %sub3A_44 : i32 to index
      %get3A_46 = tpu.vector_load %arg5[%get3A_45] {strides = array<i32>} : memref<160xi32, #tpu.memory_space<vmem>>, vector<16xi32>,
      %get3A_47 = vector.shape_cast %get3A_46 : vector<16xi32> to vector<16xi32>
      %slice3A = vector.extract_strided_slice %get3A_39 {offsets = [0], sizes = [1], strides = [1]} : vector<16xi32> to vector<1xi32>
      %squeeze3A = vector.extract %slice3A[0] : i32 from vector<1xi32>
      %slice3A_48 = vector.extract_strided_slice %get3A_47 {offsets = [15], sizes = [1], strides = [1]} : vector<16xi32> to vector<1xi32>
      %squeeze3A_49 = vector.extract %slice3A_48[0] : i32 from vector<1xi32>
      %eq3A = arith.cmpi eq, %squeeze3A, %squeeze3A_49 : i32
      %convert_element_type3A = arith.extui %eq3A : i1 to i32
      %cond3A = arith.constant 0 : i32
      %cond3A_50 = arith.cmpi ne, %convert_element_type3A, %cond3A : i32
      scf.if %cond3A_50 {
        %scan3A_99 = arith.constant 0 : i32
        %scan3A_100 = arith.constant 0 : i32
        %scan3A_101 = arith.constant 8 : i32
        %scan3A_102 = arith.addi %scan3A_100, %scan3A_101 : i32
        %scan3A_103 = arith.constant 1 : i32
        scf.for %scan3A_105 = %scan3A_100 to %scan3A_102 step %scan3A_103  : i32 {
          %mul3A_106 = arith.constant 8 : i32
          %mul3A_107 = arith.muli %scan3A_105, %mul3A_106 : i32
          %mul3A_108 = arith.constant 16 : i32
          %mul3A_109 = arith.muli %mul3A_107, %mul3A_108 : i32
          %add3A_110 = arith.constant 0 : i32
          %add3A_111 = arith.addi %mul3A_109, %add3A_110 : i32
          %mul3A_112 = arith.constant 8 : i32
          %mul3A_113 = arith.muli %scan3A_105, %mul3A_112 : i32
          %mul3A_114 = arith.constant 16 : i32
          %mul3A_115 = arith.muli %mul3A_113, %mul3A_114 : i32
          %add3A_116 = arith.constant 16 : i32
          %add3A_117 = arith.addi %mul3A_115, %add3A_116 : i32
          %mul3A_118 = arith.constant 8 : i32
          %mul3A_119 = arith.muli %scan3A_105, %mul3A_118 : i32
          %mul3A_120 = arith.constant 16 : i32
          %mul3A_121 = arith.muli %mul3A_119, %mul3A_120 : i32
          %add3A_122 = arith.constant 32 : i32
          %add3A_123 = arith.addi %mul3A_121, %add3A_122 : i32
          %mul3A_124 = arith.constant 8 : i32
          %mul3A_125 = arith.muli %scan3A_105, %mul3A_124 : i32
          %mul3A_126 = arith.constant 16 : i32
          %mul3A_127 = arith.muli %mul3A_125, %mul3A_126 : i32
          %add3A_128 = arith.constant 48 : i32
          %add3A_129 = arith.addi %mul3A_127, %add3A_128 : i32
          %mul3A_130 = arith.constant 8 : i32
          %mul3A_131 = arith.muli %scan3A_105, %mul3A_130 : i32
          %mul3A_132 = arith.constant 16 : i32
          %mul3A_133 = arith.muli %mul3A_131, %mul3A_132 : i32
          %add3A_134 = arith.constant 64 : i32
          %add3A_135 = arith.addi %mul3A_133, %add3A_134 : i32
          %mul3A_136 = arith.constant 8 : i32
          %mul3A_137 = arith.muli %scan3A_105, %mul3A_136 : i32
          %mul3A_138 = arith.constant 16 : i32
          %mul3A_139 = arith.muli %mul3A_137, %mul3A_138 : i32
          %add3A_140 = arith.constant 80 : i32
          %add3A_141 = arith.addi %mul3A_139, %add3A_140 : i32
          %mul3A_142 = arith.constant 8 : i32
          %mul3A_143 = arith.muli %scan3A_105, %mul3A_142 : i32
          %mul3A_144 = arith.constant 16 : i32
          %mul3A_145 = arith.muli %mul3A_143, %mul3A_144 : i32
          %add3A_146 = arith.constant 96 : i32
          %add3A_147 = arith.addi %mul3A_145, %add3A_146 : i32
          %mul3A_148 = arith.constant 8 : i32
          %mul3A_149 = arith.muli %scan3A_105, %mul3A_148 : i32
          %mul3A_150 = arith.constant 16 : i32
          %mul3A_151 = arith.muli %mul3A_149, %mul3A_150 : i32
          %add3A_152 = arith.constant 112 : i32
          %add3A_153 = arith.addi %mul3A_151, %add3A_152 : i32
          %get3A_154 = arith.constant 0 : i32
          %get3A_155 = arith.index_cast %get3A_154 : i32 to index
          %get3A_156 = arith.index_cast %add3A_111 : i32 to index
          %get3A_157 = tpu.vector_load %arg6[%get3A_155, %get3A_156] {strides = array<i32>} : memref<16x1024xf32, #tpu.memory_space<vmem>>, vector<1x16xf32>,
          %get3A_158 = vector.shape_cast %get3A_157 : vector<1x16xf32> to vector<16xf32>
          %get3A_159 = arith.constant 1 : i32
          %get3A_160 = arith.index_cast %get3A_159 : i32 to index
          %get3A_161 = arith.index_cast %add3A_111 : i32 to index
          %get3A_162 = tpu.vector_load %arg6[%get3A_160, %get3A_161] {strides = array<i32>} : memref<16x1024xf32, #tpu.memory_space<vmem>>, vector<1x16xf32>,
          %get3A_163 = vector.shape_cast %get3A_162 : vector<1x16xf32> to vector<16xf32>
          %add3A_164 = arith.addf %get3A_158, %get3A_163 : vector<16xf32>
          %get3A_165 = arith.constant 0 : i32
          %get3A_166 = arith.index_cast %get3A_165 : i32 to index
          %get3A_167 = arith.index_cast %add3A_117 : i32 to index
          %get3A_168 = tpu.vector_load %arg6[%get3A_166, %get3A_167] {strides = array<i32>} : memref<16x1024xf32, #tpu.memory_space<vmem>>, vector<1x16xf32>,
          %get3A_169 = vector.shape_cast %get3A_168 : vector<1x16xf32> to vector<16xf32>
          %get3A_170 = arith.constant 1 : i32
          %get3A_171 = arith.index_cast %get3A_170 : i32 to index
          %get3A_172 = arith.index_cast %add3A_117 : i32 to index
          %get3A_173 = tpu.vector_load %arg6[%get3A_171, %get3A_172] {strides = array<i32>} : memref<16x1024xf32, #tpu.memory_space<vmem>>, vector<1x16xf32>,
          %get3A_174 = vector.shape_cast %get3A_173 : vector<1x16xf32> to vector<16xf32>
          %add3A_175 = arith.addf %get3A_169, %get3A_174 : vector<16xf32>
          %get3A_176 = arith.constant 0 : i32
          %get3A_177 = arith.index_cast %get3A_176 : i32 to index
          %get3A_178 = arith.index_cast %add3A_123 : i32 to index
          %get3A_179 = tpu.vector_load %arg6[%get3A_177, %get3A_178] {strides = array<i32>} : memref<16x1024xf32, #tpu.memory_space<vmem>>, vector<1x16xf32>,
          %get3A_180 = vector.shape_cast %get3A_179 : vector<1x16xf32> to vector<16xf32>
          %get3A_181 = arith.constant 1 : i32
          %get3A_182 = arith.index_cast %get3A_181 : i32 to index
          %get3A_183 = arith.index_cast %add3A_123 : i32 to index
          %get3A_184 = tpu.vector_load %arg6[%get3A_182, %get3A_183] {strides = array<i32>} : memref<16x1024xf32, #tpu.memory_space<vmem>>, vector<1x16xf32>,
          %get3A_185 = vector.shape_cast %get3A_184 : vector<1x16xf32> to vector<16xf32>
          %add3A_186 = arith.addf %get3A_180, %get3A_185 : vector<16xf32>
          %get3A_187 = arith.constant 0 : i32
          %get3A_188 = arith.index_cast %get3A_187 : i32 to index
          %get3A_189 = arith.index_cast %add3A_129 : i32 to index
          %get3A_190 = tpu.vector_load %arg6[%get3A_188, %get3A_189] {strides = array<i32>} : memref<16x1024xf32, #tpu.memory_space<vmem>>, vector<1x16xf32>,
          %get3A_191 = vector.shape_cast %get3A_190 : vector<1x16xf32> to vector<16xf32>
          %get3A_192 = arith.constant 1 : i32
          %get3A_193 = arith.index_cast %get3A_192 : i32 to index
          %get3A_194 = arith.index_cast %add3A_129 : i32 to index
          %get3A_195 = tpu.vector_load %arg6[%get3A_193, %get3A_194] {strides = array<i32>} : memref<16x1024xf32, #tpu.memory_space<vmem>>, vector<1x16xf32>,
          %get3A_196 = vector.shape_cast %get3A_195 : vector<1x16xf32> to vector<16xf32>
          %add3A_197 = arith.addf %get3A_191, %get3A_196 : vector<16xf32>
          %get3A_198 = arith.constant 0 : i32
          %get3A_199 = arith.index_cast %get3A_198 : i32 to index
          %get3A_200 = arith.index_cast %add3A_135 : i32 to index
          %get3A_201 = tpu.vector_load %arg6[%get3A_199, %get3A_200] {strides = array<i32>} : memref<16x1024xf32, #tpu.memory_space<vmem>>, vector<1x16xf32>,
          %get3A_202 = vector.shape_cast %get3A_201 : vector<1x16xf32> to vector<16xf32>
          %get3A_203 = arith.constant 1 : i32
          %get3A_204 = arith.index_cast %get3A_203 : i32 to index
          %get3A_205 = arith.index_cast %add3A_135 : i32 to index
          %get3A_206 = tpu.vector_load %arg6[%get3A_204, %get3A_205] {strides = array<i32>} : memref<16x1024xf32, #tpu.memory_space<vmem>>, vector<1x16xf32>,
          %get3A_207 = vector.shape_cast %get3A_206 : vector<1x16xf32> to vector<16xf32>
          %add3A_208 = arith.addf %get3A_202, %get3A_207 : vector<16xf32>
          %get3A_209 = arith.constant 0 : i32
          %get3A_210 = arith.index_cast %get3A_209 : i32 to index
          %get3A_211 = arith.index_cast %add3A_141 : i32 to index
          %get3A_212 = tpu.vector_load %arg6[%get3A_210, %get3A_211] {strides = array<i32>} : memref<16x1024xf32, #tpu.memory_space<vmem>>, vector<1x16xf32>,
          %get3A_213 = vector.shape_cast %get3A_212 : vector<1x16xf32> to vector<16xf32>
          %get3A_214 = arith.constant 1 : i32
          %get3A_215 = arith.index_cast %get3A_214 : i32 to index
          %get3A_216 = arith.index_cast %add3A_141 : i32 to index
          %get3A_217 = tpu.vector_load %arg6[%get3A_215, %get3A_216] {strides = array<i32>} : memref<16x1024xf32, #tpu.memory_space<vmem>>, vector<1x16xf32>,
          %get3A_218 = vector.shape_cast %get3A_217 : vector<1x16xf32> to vector<16xf32>
          %add3A_219 = arith.addf %get3A_213, %get3A_218 : vector<16xf32>
          %get3A_220 = arith.constant 0 : i32
          %get3A_221 = arith.index_cast %get3A_220 : i32 to index
          %get3A_222 = arith.index_cast %add3A_147 : i32 to index
          %get3A_223 = tpu.vector_load %arg6[%get3A_221, %get3A_222] {strides = array<i32>} : memref<16x1024xf32, #tpu.memory_space<vmem>>, vector<1x16xf32>,
          %get3A_224 = vector.shape_cast %get3A_223 : vector<1x16xf32> to vector<16xf32>
          %get3A_225 = arith.constant 1 : i32
          %get3A_226 = arith.index_cast %get3A_225 : i32 to index
          %get3A_227 = arith.index_cast %add3A_147 : i32 to index
          %get3A_228 = tpu.vector_load %arg6[%get3A_226, %get3A_227] {strides = array<i32>} : memref<16x1024xf32, #tpu.memory_space<vmem>>, vector<1x16xf32>,
          %get3A_229 = vector.shape_cast %get3A_228 : vector<1x16xf32> to vector<16xf32>
          %add3A_230 = arith.addf %get3A_224, %get3A_229 : vector<16xf32>
          %get3A_231 = arith.constant 0 : i32
          %get3A_232 = arith.index_cast %get3A_231 : i32 to index
          %get3A_233 = arith.index_cast %add3A_153 : i32 to index
          %get3A_234 = tpu.vector_load %arg6[%get3A_232, %get3A_233] {strides = array<i32>} : memref<16x1024xf32, #tpu.memory_space<vmem>>, vector<1x16xf32>,
          %get3A_235 = vector.shape_cast %get3A_234 : vector<1x16xf32> to vector<16xf32>
          %get3A_236 = arith.constant 1 : i32
          %get3A_237 = arith.index_cast %get3A_236 : i32 to index
          %get3A_238 = arith.index_cast %add3A_153 : i32 to index
          %get3A_239 = tpu.vector_load %arg6[%get3A_237, %get3A_238] {strides = array<i32>} : memref<16x1024xf32, #tpu.memory_space<vmem>>, vector<1x16xf32>,
          %get3A_240 = vector.shape_cast %get3A_239 : vector<1x16xf32> to vector<16xf32>
          %add3A_241 = arith.addf %get3A_235, %get3A_240 : vector<16xf32>
          %scan3A_242 = arith.constant 1 : i32
          %scan3A_243 = arith.constant 7 : i32
          %scan3A_244 = arith.addi %scan3A_242, %scan3A_243 : i32
          %scan3A_245 = arith.constant 1 : i32
          %scan3A_246:8 = scf.for %scan3A_327 = %scan3A_242 to %scan3A_244 step %scan3A_245 iter_args(%scan3A_328 = %add3A_164, %scan3A_329 = %add3A_175, %scan3A_330 = %add3A_186, %scan3A_331 = %add3A_197, %scan3A_332 = %add3A_208, %scan3A_333 = %add3A_219, %scan3A_334 = %add3A_230, %scan3A_335 = %add3A_241) -> (vector<16xf32>, vector<16xf32>, vector<16xf32>, vector<16xf32>, vector<16xf32>, vector<16xf32>, vector<16xf32>, vector<16xf32>)  : i32 {
            %mul3A_336 = arith.constant 2 : i32
            %mul3A_337 = arith.muli %scan3A_327, %mul3A_336 : i32
            %get3A_338 = arith.index_cast %mul3A_337 : i32 to index
            %get3A_339 = arith.index_cast %add3A_111 : i32 to index
            %get3A_340 = tpu.vector_load %arg6[%get3A_338, %get3A_339] {strides = array<i32>} : memref<16x1024xf32, #tpu.memory_space<vmem>>, vector<1x16xf32>,
            %get3A_341 = vector.shape_cast %get3A_340 : vector<1x16xf32> to vector<16xf32>
            %add3A_342 = arith.addf %scan3A_328, %get3A_341 : vector<16xf32>
            %add3A_343 = arith.constant 1 : i32
            %add3A_344 = arith.addi %mul3A_337, %add3A_343 : i32
            %get3A_345 = arith.index_cast %add3A_344 : i32 to index
            %get3A_346 = arith.index_cast %add3A_111 : i32 to index
            %get3A_347 = tpu.vector_load %arg6[%get3A_345, %get3A_346] {strides = array<i32>} : memref<16x1024xf32, #tpu.memory_space<vmem>>, vector<1x16xf32>,
            %get3A_348 = vector.shape_cast %get3A_347 : vector<1x16xf32> to vector<16xf32>
            %add3A_349 = arith.addf %add3A_342, %get3A_348 : vector<16xf32>
            %get3A_350 = arith.index_cast %mul3A_337 : i32 to index
            %get3A_351 = arith.index_cast %add3A_117 : i32 to index
            %get3A_352 = tpu.vector_load %arg6[%get3A_350, %get3A_351] {strides = array<i32>} : memref<16x1024xf32, #tpu.memory_space<vmem>>, vector<1x16xf32>,
            %get3A_353 = vector.shape_cast %get3A_352 : vector<1x16xf32> to vector<16xf32>
            %add3A_354 = arith.addf %scan3A_329, %get3A_353 : vector<16xf32>
            %add3A_355 = arith.constant 1 : i32
            %add3A_356 = arith.addi %mul3A_337, %add3A_355 : i32
            %get3A_357 = arith.index_cast %add3A_356 : i32 to index
            %get3A_358 = arith.index_cast %add3A_117 : i32 to index
            %get3A_359 = tpu.vector_load %arg6[%get3A_357, %get3A_358] {strides = array<i32>} : memref<16x1024xf32, #tpu.memory_space<vmem>>, vector<1x16xf32>,
            %get3A_360 = vector.shape_cast %get3A_359 : vector<1x16xf32> to vector<16xf32>
            %add3A_361 = arith.addf %add3A_354, %get3A_360 : vector<16xf32>
            %get3A_362 = arith.index_cast %mul3A_337 : i32 to index
            %get3A_363 = arith.index_cast %add3A_123 : i32 to index
            %get3A_364 = tpu.vector_load %arg6[%get3A_362, %get3A_363] {strides = array<i32>} : memref<16x1024xf32, #tpu.memory_space<vmem>>, vector<1x16xf32>,
            %get3A_365 = vector.shape_cast %get3A_364 : vector<1x16xf32> to vector<16xf32>
            %add3A_366 = arith.addf %scan3A_330, %get3A_365 : vector<16xf32>
            %add3A_367 = arith.constant 1 : i32
            %add3A_368 = arith.addi %mul3A_337, %add3A_367 : i32
            %get3A_369 = arith.index_cast %add3A_368 : i32 to index
            %get3A_370 = arith.index_cast %add3A_123 : i32 to index
            %get3A_371 = tpu.vector_load %arg6[%get3A_369, %get3A_370] {strides = array<i32>} : memref<16x1024xf32, #tpu.memory_space<vmem>>, vector<1x16xf32>,
            %get3A_372 = vector.shape_cast %get3A_371 : vector<1x16xf32> to vector<16xf32>
            %add3A_373 = arith.addf %add3A_366, %get3A_372 : vector<16xf32>
            %get3A_374 = arith.index_cast %mul3A_337 : i32 to index
            %get3A_375 = arith.index_cast %add3A_129 : i32 to index
            %get3A_376 = tpu.vector_load %arg6[%get3A_374, %get3A_375] {strides = array<i32>} : memref<16x1024xf32, #tpu.memory_space<vmem>>, vector<1x16xf32>,
            %get3A_377 = vector.shape_cast %get3A_376 : vector<1x16xf32> to vector<16xf32>
            %add3A_378 = arith.addf %scan3A_331, %get3A_377 : vector<16xf32>
            %add3A_379 = arith.constant 1 : i32
            %add3A_380 = arith.addi %mul3A_337, %add3A_379 : i32
            %get3A_381 = arith.index_cast %add3A_380 : i32 to index
            %get3A_382 = arith.index_cast %add3A_129 : i32 to index
            %get3A_383 = tpu.vector_load %arg6[%get3A_381, %get3A_382] {strides = array<i32>} : memref<16x1024xf32, #tpu.memory_space<vmem>>, vector<1x16xf32>,
            %get3A_384 = vector.shape_cast %get3A_383 : vector<1x16xf32> to vector<16xf32>
            %add3A_385 = arith.addf %add3A_378, %get3A_384 : vector<16xf32>
            %get3A_386 = arith.index_cast %mul3A_337 : i32 to index
            %get3A_387 = arith.index_cast %add3A_135 : i32 to index
            %get3A_388 = tpu.vector_load %arg6[%get3A_386, %get3A_387] {strides = array<i32>} : memref<16x1024xf32, #tpu.memory_space<vmem>>, vector<1x16xf32>,
            %get3A_389 = vector.shape_cast %get3A_388 : vector<1x16xf32> to vector<16xf32>
            %add3A_390 = arith.addf %scan3A_332, %get3A_389 : vector<16xf32>
            %add3A_391 = arith.constant 1 : i32
            %add3A_392 = arith.addi %mul3A_337, %add3A_391 : i32
            %get3A_393 = arith.index_cast %add3A_392 : i32 to index
            %get3A_394 = arith.index_cast %add3A_135 : i32 to index
            %get3A_395 = tpu.vector_load %arg6[%get3A_393, %get3A_394] {strides = array<i32>} : memref<16x1024xf32, #tpu.memory_space<vmem>>, vector<1x16xf32>,
            %get3A_396 = vector.shape_cast %get3A_395 : vector<1x16xf32> to vector<16xf32>
            %add3A_397 = arith.addf %add3A_390, %get3A_396 : vector<16xf32>
            %get3A_398 = arith.index_cast %mul3A_337 : i32 to index
            %get3A_399 = arith.index_cast %add3A_141 : i32 to index
            %get3A_400 = tpu.vector_load %arg6[%get3A_398, %get3A_399] {strides = array<i32>} : memref<16x1024xf32, #tpu.memory_space<vmem>>, vector<1x16xf32>,
            %get3A_401 = vector.shape_cast %get3A_400 : vector<1x16xf32> to vector<16xf32>
            %add3A_402 = arith.addf %scan3A_333, %get3A_401 : vector<16xf32>
            %add3A_403 = arith.constant 1 : i32
            %add3A_404 = arith.addi %mul3A_337, %add3A_403 : i32
            %get3A_405 = arith.index_cast %add3A_404 : i32 to index
            %get3A_406 = arith.index_cast %add3A_141 : i32 to index
            %get3A_407 = tpu.vector_load %arg6[%get3A_405, %get3A_406] {strides = array<i32>} : memref<16x1024xf32, #tpu.memory_space<vmem>>, vector<1x16xf32>,
            %get3A_408 = vector.shape_cast %get3A_407 : vector<1x16xf32> to vector<16xf32>
            %add3A_409 = arith.addf %add3A_402, %get3A_408 : vector<16xf32>
            %get3A_410 = arith.index_cast %mul3A_337 : i32 to index
            %get3A_411 = arith.index_cast %add3A_147 : i32 to index
            %get3A_412 = tpu.vector_load %arg6[%get3A_410, %get3A_411] {strides = array<i32>} : memref<16x1024xf32, #tpu.memory_space<vmem>>, vector<1x16xf32>,
            %get3A_413 = vector.shape_cast %get3A_412 : vector<1x16xf32> to vector<16xf32>
            %add3A_414 = arith.addf %scan3A_334, %get3A_413 : vector<16xf32>
            %add3A_415 = arith.constant 1 : i32
            %add3A_416 = arith.addi %mul3A_337, %add3A_415 : i32
            %get3A_417 = arith.index_cast %add3A_416 : i32 to index
            %get3A_418 = arith.index_cast %add3A_147 : i32 to index
            %get3A_419 = tpu.vector_load %arg6[%get3A_417, %get3A_418] {strides = array<i32>} : memref<16x1024xf32, #tpu.memory_space<vmem>>, vector<1x16xf32>,
            %get3A_420 = vector.shape_cast %get3A_419 : vector<1x16xf32> to vector<16xf32>
            %add3A_421 = arith.addf %add3A_414, %get3A_420 : vector<16xf32>
            %get3A_422 = arith.index_cast %mul3A_337 : i32 to index
            %get3A_423 = arith.index_cast %add3A_153 : i32 to index
            %get3A_424 = tpu.vector_load %arg6[%get3A_422, %get3A_423] {strides = array<i32>} : memref<16x1024xf32, #tpu.memory_space<vmem>>, vector<1x16xf32>,
            %get3A_425 = vector.shape_cast %get3A_424 : vector<1x16xf32> to vector<16xf32>
            %add3A_426 = arith.addf %scan3A_335, %get3A_425 : vector<16xf32>
            %add3A_427 = arith.constant 1 : i32
            %add3A_428 = arith.addi %mul3A_337, %add3A_427 : i32
            %get3A_429 = arith.index_cast %add3A_428 : i32 to index
            %get3A_430 = arith.index_cast %add3A_153 : i32 to index
            %get3A_431 = tpu.vector_load %arg6[%get3A_429, %get3A_430] {strides = array<i32>} : memref<16x1024xf32, #tpu.memory_space<vmem>>, vector<1x16xf32>,
            %get3A_432 = vector.shape_cast %get3A_431 : vector<1x16xf32> to vector<16xf32>
            %add3A_433 = arith.addf %add3A_426, %get3A_432 : vector<16xf32>
            scf.yield %add3A_349, %add3A_361, %add3A_373, %add3A_385, %add3A_397, %add3A_409, %add3A_421, %add3A_433 : vector<16xf32>, vector<16xf32>, vector<16xf32>, vector<16xf32>, vector<16xf32>, vector<16xf32>, vector<16xf32>, vector<16xf32>
          }
          %scan3A_247 = arith.constant 7 : i32
          %get3A_248 = arith.index_cast %squeeze3A : i32 to index
          %get3A_249 = arith.index_cast %add3A_111 : i32 to index
          %get3A_250 = tpu.vector_load %arg8[%get3A_248, %get3A_249] {strides = array<i32>} : memref<16x1024xf32, #tpu.memory_space<vmem>>, vector<1x16xf32>,
          %get3A_251 = vector.shape_cast %get3A_250 : vector<1x16xf32> to vector<16xf32>
          %add3A_252 = arith.addf %get3A_251, %scan3A_246#0 : vector<16xf32>
          %swap3A = arith.index_cast %squeeze3A : i32 to index
          %swap3A_253 = arith.index_cast %add3A_111 : i32 to index
          %swap3A_254 = tpu.vector_load %arg8[%swap3A, %swap3A_253] {strides = array<i32>} : memref<16x1024xf32, #tpu.memory_space<vmem>>, vector<1x16xf32>,
          %swap3A_255 = vector.shape_cast %swap3A_254 : vector<1x16xf32> to vector<16xf32>
          %swap3A_256 = vector.shape_cast %add3A_252 : vector<16xf32> to vector<1x16xf32>
          tpu.vector_store %arg8[%swap3A, %swap3A_253], %swap3A_256 {strides = array<i32>} : memref<16x1024xf32, #tpu.memory_space<vmem>>, vector<1x16xf32>,
          %get3A_257 = arith.index_cast %squeeze3A : i32 to index
          %get3A_258 = arith.index_cast %add3A_117 : i32 to index
          %get3A_259 = tpu.vector_load %arg8[%get3A_257, %get3A_258] {strides = array<i32>} : memref<16x1024xf32, #tpu.memory_space<vmem>>, vector<1x16xf32>,
          %get3A_260 = vector.shape_cast %get3A_259 : vector<1x16xf32> to vector<16xf32>
          %add3A_261 = arith.addf %get3A_260, %scan3A_246#1 : vector<16xf32>
          %swap3A_262 = arith.index_cast %squeeze3A : i32 to index
          %swap3A_263 = arith.index_cast %add3A_117 : i32 to index
          %swap3A_264 = tpu.vector_load %arg8[%swap3A_262, %swap3A_263] {strides = array<i32>} : memref<16x1024xf32, #tpu.memory_space<vmem>>, vector<1x16xf32>,
          %swap3A_265 = vector.shape_cast %swap3A_264 : vector<1x16xf32> to vector<16xf32>
          %swap3A_266 = vector.shape_cast %add3A_261 : vector<16xf32> to vector<1x16xf32>
          tpu.vector_store %arg8[%swap3A_262, %swap3A_263], %swap3A_266 {strides = array<i32>} : memref<16x1024xf32, #tpu.memory_space<vmem>>, vector<1x16xf32>,
          %get3A_267 = arith.index_cast %squeeze3A : i32 to index
          %get3A_268 = arith.index_cast %add3A_123 : i32 to index
          %get3A_269 = tpu.vector_load %arg8[%get3A_267, %get3A_268] {strides = array<i32>} : memref<16x1024xf32, #tpu.memory_space<vmem>>, vector<1x16xf32>,
          %get3A_270 = vector.shape_cast %get3A_269 : vector<1x16xf32> to vector<16xf32>
          %add3A_271 = arith.addf %get3A_270, %scan3A_246#2 : vector<16xf32>
          %swap3A_272 = arith.index_cast %squeeze3A : i32 to index
          %swap3A_273 = arith.index_cast %add3A_123 : i32 to index
          %swap3A_274 = tpu.vector_load %arg8[%swap3A_272, %swap3A_273] {strides = array<i32>} : memref<16x1024xf32, #tpu.memory_space<vmem>>, vector<1x16xf32>,
          %swap3A_275 = vector.shape_cast %swap3A_274 : vector<1x16xf32> to vector<16xf32>
          %swap3A_276 = vector.shape_cast %add3A_271 : vector<16xf32> to vector<1x16xf32>
          tpu.vector_store %arg8[%swap3A_272, %swap3A_273], %swap3A_276 {strides = array<i32>} : memref<16x1024xf32, #tpu.memory_space<vmem>>, vector<1x16xf32>,
          %get3A_277 = arith.index_cast %squeeze3A : i32 to index
          %get3A_278 = arith.index_cast %add3A_129 : i32 to index
          %get3A_279 = tpu.vector_load %arg8[%get3A_277, %get3A_278] {strides = array<i32>} : memref<16x1024xf32, #tpu.memory_space<vmem>>, vector<1x16xf32>,
          %get3A_280 = vector.shape_cast %get3A_279 : vector<1x16xf32> to vector<16xf32>
          %add3A_281 = arith.addf %get3A_280, %scan3A_246#3 : vector<16xf32>
          %swap3A_282 = arith.index_cast %squeeze3A : i32 to index
          %swap3A_283 = arith.index_cast %add3A_129 : i32 to index
          %swap3A_284 = tpu.vector_load %arg8[%swap3A_282, %swap3A_283] {strides = array<i32>} : memref<16x1024xf32, #tpu.memory_space<vmem>>, vector<1x16xf32>,
          %swap3A_285 = vector.shape_cast %swap3A_284 : vector<1x16xf32> to vector<16xf32>
          %swap3A_286 = vector.shape_cast %add3A_281 : vector<16xf32> to vector<1x16xf32>
          tpu.vector_store %arg8[%swap3A_282, %swap3A_283], %swap3A_286 {strides = array<i32>} : memref<16x1024xf32, #tpu.memory_space<vmem>>, vector<1x16xf32>,
          %get3A_287 = arith.index_cast %squeeze3A : i32 to index
          %get3A_288 = arith.index_cast %add3A_135 : i32 to index
          %get3A_289 = tpu.vector_load %arg8[%get3A_287, %get3A_288] {strides = array<i32>} : memref<16x1024xf32, #tpu.memory_space<vmem>>, vector<1x16xf32>,
          %get3A_290 = vector.shape_cast %get3A_289 : vector<1x16xf32> to vector<16xf32>
          %add3A_291 = arith.addf %get3A_290, %scan3A_246#4 : vector<16xf32>
          %swap3A_292 = arith.index_cast %squeeze3A : i32 to index
          %swap3A_293 = arith.index_cast %add3A_135 : i32 to index
          %swap3A_294 = tpu.vector_load %arg8[%swap3A_292, %swap3A_293] {strides = array<i32>} : memref<16x1024xf32, #tpu.memory_space<vmem>>, vector<1x16xf32>,
          %swap3A_295 = vector.shape_cast %swap3A_294 : vector<1x16xf32> to vector<16xf32>
          %swap3A_296 = vector.shape_cast %add3A_291 : vector<16xf32> to vector<1x16xf32>
          tpu.vector_store %arg8[%swap3A_292, %swap3A_293], %swap3A_296 {strides = array<i32>} : memref<16x1024xf32, #tpu.memory_space<vmem>>, vector<1x16xf32>,
          %get3A_297 = arith.index_cast %squeeze3A : i32 to index
          %get3A_298 = arith.index_cast %add3A_141 : i32 to index
          %get3A_299 = tpu.vector_load %arg8[%get3A_297, %get3A_298] {strides = array<i32>} : memref<16x1024xf32, #tpu.memory_space<vmem>>, vector<1x16xf32>,
          %get3A_300 = vector.shape_cast %get3A_299 : vector<1x16xf32> to vector<16xf32>
          %add3A_301 = arith.addf %get3A_300, %scan3A_246#5 : vector<16xf32>
          %swap3A_302 = arith.index_cast %squeeze3A : i32 to index
          %swap3A_303 = arith.index_cast %add3A_141 : i32 to index
          %swap3A_304 = tpu.vector_load %arg8[%swap3A_302, %swap3A_303] {strides = array<i32>} : memref<16x1024xf32, #tpu.memory_space<vmem>>, vector<1x16xf32>,
          %swap3A_305 = vector.shape_cast %swap3A_304 : vector<1x16xf32> to vector<16xf32>
          %swap3A_306 = vector.shape_cast %add3A_301 : vector<16xf32> to vector<1x16xf32>
          tpu.vector_store %arg8[%swap3A_302, %swap3A_303], %swap3A_306 {strides = array<i32>} : memref<16x1024xf32, #tpu.memory_space<vmem>>, vector<1x16xf32>,
          %get3A_307 = arith.index_cast %squeeze3A : i32 to index
          %get3A_308 = arith.index_cast %add3A_147 : i32 to index
          %get3A_309 = tpu.vector_load %arg8[%get3A_307, %get3A_308] {strides = array<i32>} : memref<16x1024xf32, #tpu.memory_space<vmem>>, vector<1x16xf32>,
          %get3A_310 = vector.shape_cast %get3A_309 : vector<1x16xf32> to vector<16xf32>
          %add3A_311 = arith.addf %get3A_310, %scan3A_246#6 : vector<16xf32>
          %swap3A_312 = arith.index_cast %squeeze3A : i32 to index
          %swap3A_313 = arith.index_cast %add3A_147 : i32 to index
          %swap3A_314 = tpu.vector_load %arg8[%swap3A_312, %swap3A_313] {strides = array<i32>} : memref<16x1024xf32, #tpu.memory_space<vmem>>, vector<1x16xf32>,
          %swap3A_315 = vector.shape_cast %swap3A_314 : vector<1x16xf32> to vector<16xf32>
          %swap3A_316 = vector.shape_cast %add3A_311 : vector<16xf32> to vector<1x16xf32>
          tpu.vector_store %arg8[%swap3A_312, %swap3A_313], %swap3A_316 {strides = array<i32>} : memref<16x1024xf32, #tpu.memory_space<vmem>>, vector<1x16xf32>,
          %get3A_317 = arith.index_cast %squeeze3A : i32 to index
          %get3A_318 = arith.index_cast %add3A_153 : i32 to index
          %get3A_319 = tpu.vector_load %arg8[%get3A_317, %get3A_318] {strides = array<i32>} : memref<16x1024xf32, #tpu.memory_space<vmem>>, vector<1x16xf32>,
          %get3A_320 = vector.shape_cast %get3A_319 : vector<1x16xf32> to vector<16xf32>
          %add3A_321 = arith.addf %get3A_320, %scan3A_246#7 : vector<16xf32>
          %swap3A_322 = arith.index_cast %squeeze3A : i32 to index
          %swap3A_323 = arith.index_cast %add3A_153 : i32 to index
          %swap3A_324 = tpu.vector_load %arg8[%swap3A_322, %swap3A_323] {strides = array<i32>} : memref<16x1024xf32, #tpu.memory_space<vmem>>, vector<1x16xf32>,
          %swap3A_325 = vector.shape_cast %swap3A_324 : vector<1x16xf32> to vector<16xf32>
          %swap3A_326 = vector.shape_cast %add3A_321 : vector<16xf32> to vector<1x16xf32>
          tpu.vector_store %arg8[%swap3A_322, %swap3A_323], %swap3A_326 {strides = array<i32>} : memref<16x1024xf32, #tpu.memory_space<vmem>>, vector<1x16xf32>,
        }
        %scan3A_104 = arith.constant 8 : i32
      } else {
      }
      %ne3A = arith.cmpi ne, %squeeze3A, %squeeze3A_49 : i32
      %convert_element_type3A_51 = arith.extui %ne3A : i1 to i32
      %cond3A_52 = arith.constant 0 : i32
      %cond3A_53 = arith.cmpi ne, %convert_element_type3A_51, %cond3A_52 : i32
      scf.if %cond3A_53 {
        %mul3A_99 = arith.constant 16 : i32
        %mul3A_100 = arith.muli %mul3A_31, %mul3A_99 : i32
        %add3A_101 = arith.constant 0 : i32
        %add3A_102 = arith.addi %mul3A_100, %add3A_101 : i32
        %get3A_103 = arith.index_cast %add3A_102 : i32 to index
        %get3A_104 = tpu.vector_load %arg5[%get3A_103] {strides = array<i32>} : memref<160xi32, #tpu.memory_space<vmem>>, vector<16xi32>,
        %get3A_105 = vector.shape_cast %get3A_104 : vector<16xi32> to vector<16xi32>
        %slice3A_106 = vector.extract_strided_slice %get3A_105 {offsets = [0], sizes = [1], strides = [1]} : vector<16xi32> to vector<1xi32>
        %squeeze3A_107 = vector.extract %slice3A_106[0] : i32 from vector<1xi32>
        %slice3A_108 = vector.extract_strided_slice %get3A_105 {offsets = [1], sizes = [1], strides = [1]} : vector<16xi32> to vector<1xi32>
        %squeeze3A_109 = vector.extract %slice3A_108[0] : i32 from vector<1xi32>
        %slice3A_110 = vector.extract_strided_slice %get3A_105 {offsets = [2], sizes = [1], strides = [1]} : vector<16xi32> to vector<1xi32>
        %squeeze3A_111 = vector.extract %slice3A_110[0] : i32 from vector<1xi32>
        %slice3A_112 = vector.extract_strided_slice %get3A_105 {offsets = [3], sizes = [1], strides = [1]} : vector<16xi32> to vector<1xi32>
        %squeeze3A_113 = vector.extract %slice3A_112[0] : i32 from vector<1xi32>
        %slice3A_114 = vector.extract_strided_slice %get3A_105 {offsets = [4], sizes = [1], strides = [1]} : vector<16xi32> to vector<1xi32>
        %squeeze3A_115 = vector.extract %slice3A_114[0] : i32 from vector<1xi32>
        %slice3A_116 = vector.extract_strided_slice %get3A_105 {offsets = [5], sizes = [1], strides = [1]} : vector<16xi32> to vector<1xi32>
        %squeeze3A_117 = vector.extract %slice3A_116[0] : i32 from vector<1xi32>
        %slice3A_118 = vector.extract_strided_slice %get3A_105 {offsets = [6], sizes = [1], strides = [1]} : vector<16xi32> to vector<1xi32>
        %squeeze3A_119 = vector.extract %slice3A_118[0] : i32 from vector<1xi32>
        %slice3A_120 = vector.extract_strided_slice %get3A_105 {offsets = [7], sizes = [1], strides = [1]} : vector<16xi32> to vector<1xi32>
        %squeeze3A_121 = vector.extract %slice3A_120[0] : i32 from vector<1xi32>
        %slice3A_122 = vector.extract_strided_slice %get3A_105 {offsets = [8], sizes = [1], strides = [1]} : vector<16xi32> to vector<1xi32>
        %squeeze3A_123 = vector.extract %slice3A_122[0] : i32 from vector<1xi32>
        %slice3A_124 = vector.extract_strided_slice %get3A_105 {offsets = [9], sizes = [1], strides = [1]} : vector<16xi32> to vector<1xi32>
        %squeeze3A_125 = vector.extract %slice3A_124[0] : i32 from vector<1xi32>
        %slice3A_126 = vector.extract_strided_slice %get3A_105 {offsets = [10], sizes = [1], strides = [1]} : vector<16xi32> to vector<1xi32>
        %squeeze3A_127 = vector.extract %slice3A_126[0] : i32 from vector<1xi32>
        %slice3A_128 = vector.extract_strided_slice %get3A_105 {offsets = [11], sizes = [1], strides = [1]} : vector<16xi32> to vector<1xi32>
        %squeeze3A_129 = vector.extract %slice3A_128[0] : i32 from vector<1xi32>
        %slice3A_130 = vector.extract_strided_slice %get3A_105 {offsets = [12], sizes = [1], strides = [1]} : vector<16xi32> to vector<1xi32>
        %squeeze3A_131 = vector.extract %slice3A_130[0] : i32 from vector<1xi32>
        %slice3A_132 = vector.extract_strided_slice %get3A_105 {offsets = [13], sizes = [1], strides = [1]} : vector<16xi32> to vector<1xi32>
        %squeeze3A_133 = vector.extract %slice3A_132[0] : i32 from vector<1xi32>
        %slice3A_134 = vector.extract_strided_slice %get3A_105 {offsets = [14], sizes = [1], strides = [1]} : vector<16xi32> to vector<1xi32>
        %squeeze3A_135 = vector.extract %slice3A_134[0] : i32 from vector<1xi32>
        %slice3A_136 = vector.extract_strided_slice %get3A_105 {offsets = [15], sizes = [1], strides = [1]} : vector<16xi32> to vector<1xi32>
        %squeeze3A_137 = vector.extract %slice3A_136[0] : i32 from vector<1xi32>
        %scan3A_138 = arith.constant 0 : i32
        %scan3A_139 = arith.constant 0 : i32
        %scan3A_140 = arith.constant 16 : i32
        %scan3A_141 = arith.addi %scan3A_139, %scan3A_140 : i32
        %scan3A_142 = arith.constant 1 : i32
        %scan3A_143 = scf.for %scan3A_145 = %scan3A_139 to %scan3A_141 step %scan3A_142 iter_args(%scan3A_146 = %scan3A_138) -> (i32)  : i32 {
          %le3A = arith.cmpi sle, %squeeze3A_107, %scan3A_145 : i32
          %convert_element_type3A_147 = arith.extui %le3A : i1 to i32
          %add3A_148 = arith.constant 0 : i32
          %add3A_149 = arith.addi %add3A_148, %convert_element_type3A_147 : i32
          %le3A_150 = arith.cmpi sle, %squeeze3A_109, %scan3A_145 : i32
          %convert_element_type3A_151 = arith.extui %le3A_150 : i1 to i32
          %add3A_152 = arith.addi %add3A_149, %convert_element_type3A_151 : i32
          %le3A_153 = arith.cmpi sle, %squeeze3A_111, %scan3A_145 : i32
          %convert_element_type3A_154 = arith.extui %le3A_153 : i1 to i32
          %add3A_155 = arith.addi %add3A_152, %convert_element_type3A_154 : i32
          %le3A_156 = arith.cmpi sle, %squeeze3A_113, %scan3A_145 : i32
          %convert_element_type3A_157 = arith.extui %le3A_156 : i1 to i32
          %add3A_158 = arith.addi %add3A_155, %convert_element_type3A_157 : i32
          %le3A_159 = arith.cmpi sle, %squeeze3A_115, %scan3A_145 : i32
          %convert_element_type3A_160 = arith.extui %le3A_159 : i1 to i32
          %add3A_161 = arith.addi %add3A_158, %convert_element_type3A_160 : i32
          %le3A_162 = arith.cmpi sle, %squeeze3A_117, %scan3A_145 : i32
          %convert_element_type3A_163 = arith.extui %le3A_162 : i1 to i32
          %add3A_164 = arith.addi %add3A_161, %convert_element_type3A_163 : i32
          %le3A_165 = arith.cmpi sle, %squeeze3A_119, %scan3A_145 : i32
          %convert_element_type3A_166 = arith.extui %le3A_165 : i1 to i32
          %add3A_167 = arith.addi %add3A_164, %convert_element_type3A_166 : i32
          %le3A_168 = arith.cmpi sle, %squeeze3A_121, %scan3A_145 : i32
          %convert_element_type3A_169 = arith.extui %le3A_168 : i1 to i32
          %add3A_170 = arith.addi %add3A_167, %convert_element_type3A_169 : i32
          %le3A_171 = arith.cmpi sle, %squeeze3A_123, %scan3A_145 : i32
          %convert_element_type3A_172 = arith.extui %le3A_171 : i1 to i32
          %add3A_173 = arith.addi %add3A_170, %convert_element_type3A_172 : i32
          %le3A_174 = arith.cmpi sle, %squeeze3A_125, %scan3A_145 : i32
          %convert_element_type3A_175 = arith.extui %le3A_174 : i1 to i32
          %add3A_176 = arith.addi %add3A_173, %convert_element_type3A_175 : i32
          %le3A_177 = arith.cmpi sle, %squeeze3A_127, %scan3A_145 : i32
          %convert_element_type3A_178 = arith.extui %le3A_177 : i1 to i32
          %add3A_179 = arith.addi %add3A_176, %convert_element_type3A_178 : i32
          %le3A_180 = arith.cmpi sle, %squeeze3A_129, %scan3A_145 : i32
          %convert_element_type3A_181 = arith.extui %le3A_180 : i1 to i32
          %add3A_182 = arith.addi %add3A_179, %convert_element_type3A_181 : i32
          %le3A_183 = arith.cmpi sle, %squeeze3A_131, %scan3A_145 : i32
          %convert_element_type3A_184 = arith.extui %le3A_183 : i1 to i32
          %add3A_185 = arith.addi %add3A_182, %convert_element_type3A_184 : i32
          %le3A_186 = arith.cmpi sle, %squeeze3A_133, %scan3A_145 : i32
          %convert_element_type3A_187 = arith.extui %le3A_186 : i1 to i32
          %add3A_188 = arith.addi %add3A_185, %convert_element_type3A_187 : i32
          %le3A_189 = arith.cmpi sle, %squeeze3A_135, %scan3A_145 : i32
          %convert_element_type3A_190 = arith.extui %le3A_189 : i1 to i32
          %add3A_191 = arith.addi %add3A_188, %convert_element_type3A_190 : i32
          %le3A_192 = arith.cmpi sle, %squeeze3A_137, %scan3A_145 : i32
          %convert_element_type3A_193 = arith.extui %le3A_192 : i1 to i32
          %add3A_194 = arith.addi %add3A_191, %convert_element_type3A_193 : i32
          %gt3A = arith.cmpi sgt, %add3A_194, %scan3A_146 : i32
          %convert_element_type3A_195 = arith.extui %gt3A : i1 to i32
          %cond3A_196 = arith.constant 0 : i32
          %cond3A_197 = arith.cmpi ne, %convert_element_type3A_195, %cond3A_196 : i32
          scf.if %cond3A_197 {
            %while3A = arith.constant 0 : i32
            %while3A_198 = arith.subi %add3A_194, %scan3A_146 : i32
            %while3A_199 = arith.addi %scan3A_146, %while3A_198 : i32
            %while3A_200 = arith.constant 1 : i32
            %while3A_201 = arith.divsi %while3A_198, %while3A_200 : i32
            %while3A_202 = arith.muli %while3A_201, %while3A_200 : i32
            %while3A_203 = arith.addi %scan3A_146, %while3A_202 : i32
            %while3A_204 = arith.constant 1 : i32
            scf.for %while3A_206 = %scan3A_146 to %while3A_203 step %while3A_204  : i32 {
              %scan3A_207 = arith.constant 0 : i32
              %scan3A_208 = arith.constant 0 : i32
              %scan3A_209 = arith.constant 8 : i32
              %scan3A_210 = arith.addi %scan3A_208, %scan3A_209 : i32
              %scan3A_211 = arith.constant 1 : i32
              scf.for %scan3A_213 = %scan3A_208 to %scan3A_210 step %scan3A_211  : i32 {
                %mul3A_214 = arith.constant 8 : i32
                %mul3A_215 = arith.muli %scan3A_213, %mul3A_214 : i32
                %mul3A_216 = arith.constant 16 : i32
                %mul3A_217 = arith.muli %mul3A_215, %mul3A_216 : i32
                %add3A_218 = arith.constant 0 : i32
                %add3A_219 = arith.addi %mul3A_217, %add3A_218 : i32
                %get3A_220 = arith.index_cast %scan3A_145 : i32 to index
                %get3A_221 = arith.index_cast %add3A_219 : i32 to index
                %get3A_222 = tpu.vector_load %arg8[%get3A_220, %get3A_221] {strides = array<i32>} : memref<16x1024xf32, #tpu.memory_space<vmem>>, vector<1x16xf32>,
                %get3A_223 = vector.shape_cast %get3A_222 : vector<1x16xf32> to vector<16xf32>
                %get3A_224 = arith.index_cast %while3A_206 : i32 to index
                %get3A_225 = arith.index_cast %add3A_219 : i32 to index
                %get3A_226 = tpu.vector_load %arg6[%get3A_224, %get3A_225] {strides = array<i32>} : memref<16x1024xf32, #tpu.memory_space<vmem>>, vector<1x16xf32>,
                %get3A_227 = vector.shape_cast %get3A_226 : vector<1x16xf32> to vector<16xf32>
                %add3A_228 = arith.addf %get3A_223, %get3A_227 : vector<16xf32>
                %swap3A = arith.index_cast %scan3A_145 : i32 to index
                %swap3A_229 = arith.index_cast %add3A_219 : i32 to index
                %swap3A_230 = tpu.vector_load %arg8[%swap3A, %swap3A_229] {strides = array<i32>} : memref<16x1024xf32, #tpu.memory_space<vmem>>, vector<1x16xf32>,
                %swap3A_231 = vector.shape_cast %swap3A_230 : vector<1x16xf32> to vector<16xf32>
                %swap3A_232 = vector.shape_cast %add3A_228 : vector<16xf32> to vector<1x16xf32>
                tpu.vector_store %arg8[%swap3A, %swap3A_229], %swap3A_232 {strides = array<i32>} : memref<16x1024xf32, #tpu.memory_space<vmem>>, vector<1x16xf32>,
                %mul3A_233 = arith.constant 8 : i32
                %mul3A_234 = arith.muli %scan3A_213, %mul3A_233 : i32
                %mul3A_235 = arith.constant 16 : i32
                %mul3A_236 = arith.muli %mul3A_234, %mul3A_235 : i32
                %add3A_237 = arith.constant 16 : i32
                %add3A_238 = arith.addi %mul3A_236, %add3A_237 : i32
                %get3A_239 = arith.index_cast %scan3A_145 : i32 to index
                %get3A_240 = arith.index_cast %add3A_238 : i32 to index
                %get3A_241 = tpu.vector_load %arg8[%get3A_239, %get3A_240] {strides = array<i32>} : memref<16x1024xf32, #tpu.memory_space<vmem>>, vector<1x16xf32>,
                %get3A_242 = vector.shape_cast %get3A_241 : vector<1x16xf32> to vector<16xf32>
                %get3A_243 = arith.index_cast %while3A_206 : i32 to index
                %get3A_244 = arith.index_cast %add3A_238 : i32 to index
                %get3A_245 = tpu.vector_load %arg6[%get3A_243, %get3A_244] {strides = array<i32>} : memref<16x1024xf32, #tpu.memory_space<vmem>>, vector<1x16xf32>,
                %get3A_246 = vector.shape_cast %get3A_245 : vector<1x16xf32> to vector<16xf32>
                %add3A_247 = arith.addf %get3A_242, %get3A_246 : vector<16xf32>
                %swap3A_248 = arith.index_cast %scan3A_145 : i32 to index
                %swap3A_249 = arith.index_cast %add3A_238 : i32 to index
                %swap3A_250 = tpu.vector_load %arg8[%swap3A_248, %swap3A_249] {strides = array<i32>} : memref<16x1024xf32, #tpu.memory_space<vmem>>, vector<1x16xf32>,
                %swap3A_251 = vector.shape_cast %swap3A_250 : vector<1x16xf32> to vector<16xf32>
                %swap3A_252 = vector.shape_cast %add3A_247 : vector<16xf32> to vector<1x16xf32>
                tpu.vector_store %arg8[%swap3A_248, %swap3A_249], %swap3A_252 {strides = array<i32>} : memref<16x1024xf32, #tpu.memory_space<vmem>>, vector<1x16xf32>,
                %mul3A_253 = arith.constant 8 : i32
                %mul3A_254 = arith.muli %scan3A_213, %mul3A_253 : i32
                %mul3A_255 = arith.constant 16 : i32
                %mul3A_256 = arith.muli %mul3A_254, %mul3A_255 : i32
                %add3A_257 = arith.constant 32 : i32
                %add3A_258 = arith.addi %mul3A_256, %add3A_257 : i32
                %get3A_259 = arith.index_cast %scan3A_145 : i32 to index
                %get3A_260 = arith.index_cast %add3A_258 : i32 to index
                %get3A_261 = tpu.vector_load %arg8[%get3A_259, %get3A_260] {strides = array<i32>} : memref<16x1024xf32, #tpu.memory_space<vmem>>, vector<1x16xf32>,
                %get3A_262 = vector.shape_cast %get3A_261 : vector<1x16xf32> to vector<16xf32>
                %get3A_263 = arith.index_cast %while3A_206 : i32 to index
                %get3A_264 = arith.index_cast %add3A_258 : i32 to index
                %get3A_265 = tpu.vector_load %arg6[%get3A_263, %get3A_264] {strides = array<i32>} : memref<16x1024xf32, #tpu.memory_space<vmem>>, vector<1x16xf32>,
                %get3A_266 = vector.shape_cast %get3A_265 : vector<1x16xf32> to vector<16xf32>
                %add3A_267 = arith.addf %get3A_262, %get3A_266 : vector<16xf32>
                %swap3A_268 = arith.index_cast %scan3A_145 : i32 to index
                %swap3A_269 = arith.index_cast %add3A_258 : i32 to index
                %swap3A_270 = tpu.vector_load %arg8[%swap3A_268, %swap3A_269] {strides = array<i32>} : memref<16x1024xf32, #tpu.memory_space<vmem>>, vector<1x16xf32>,
                %swap3A_271 = vector.shape_cast %swap3A_270 : vector<1x16xf32> to vector<16xf32>
                %swap3A_272 = vector.shape_cast %add3A_267 : vector<16xf32> to vector<1x16xf32>
                tpu.vector_store %arg8[%swap3A_268, %swap3A_269], %swap3A_272 {strides = array<i32>} : memref<16x1024xf32, #tpu.memory_space<vmem>>, vector<1x16xf32>,
                %mul3A_273 = arith.constant 8 : i32
                %mul3A_274 = arith.muli %scan3A_213, %mul3A_273 : i32
                %mul3A_275 = arith.constant 16 : i32
                %mul3A_276 = arith.muli %mul3A_274, %mul3A_275 : i32
                %add3A_277 = arith.constant 48 : i32
                %add3A_278 = arith.addi %mul3A_276, %add3A_277 : i32
                %get3A_279 = arith.index_cast %scan3A_145 : i32 to index
                %get3A_280 = arith.index_cast %add3A_278 : i32 to index
                %get3A_281 = tpu.vector_load %arg8[%get3A_279, %get3A_280] {strides = array<i32>} : memref<16x1024xf32, #tpu.memory_space<vmem>>, vector<1x16xf32>,
                %get3A_282 = vector.shape_cast %get3A_281 : vector<1x16xf32> to vector<16xf32>
                %get3A_283 = arith.index_cast %while3A_206 : i32 to index
                %get3A_284 = arith.index_cast %add3A_278 : i32 to index
                %get3A_285 = tpu.vector_load %arg6[%get3A_283, %get3A_284] {strides = array<i32>} : memref<16x1024xf32, #tpu.memory_space<vmem>>, vector<1x16xf32>,
                %get3A_286 = vector.shape_cast %get3A_285 : vector<1x16xf32> to vector<16xf32>
                %add3A_287 = arith.addf %get3A_282, %get3A_286 : vector<16xf32>
                %swap3A_288 = arith.index_cast %scan3A_145 : i32 to index
                %swap3A_289 = arith.index_cast %add3A_278 : i32 to index
                %swap3A_290 = tpu.vector_load %arg8[%swap3A_288, %swap3A_289] {strides = array<i32>} : memref<16x1024xf32, #tpu.memory_space<vmem>>, vector<1x16xf32>,
                %swap3A_291 = vector.shape_cast %swap3A_290 : vector<1x16xf32> to vector<16xf32>
                %swap3A_292 = vector.shape_cast %add3A_287 : vector<16xf32> to vector<1x16xf32>
                tpu.vector_store %arg8[%swap3A_288, %swap3A_289], %swap3A_292 {strides = array<i32>} : memref<16x1024xf32, #tpu.memory_space<vmem>>, vector<1x16xf32>,
                %mul3A_293 = arith.constant 8 : i32
                %mul3A_294 = arith.muli %scan3A_213, %mul3A_293 : i32
                %mul3A_295 = arith.constant 16 : i32
                %mul3A_296 = arith.muli %mul3A_294, %mul3A_295 : i32
                %add3A_297 = arith.constant 64 : i32
                %add3A_298 = arith.addi %mul3A_296, %add3A_297 : i32
                %get3A_299 = arith.index_cast %scan3A_145 : i32 to index
                %get3A_300 = arith.index_cast %add3A_298 : i32 to index
                %get3A_301 = tpu.vector_load %arg8[%get3A_299, %get3A_300] {strides = array<i32>} : memref<16x1024xf32, #tpu.memory_space<vmem>>, vector<1x16xf32>,
                %get3A_302 = vector.shape_cast %get3A_301 : vector<1x16xf32> to vector<16xf32>
                %get3A_303 = arith.index_cast %while3A_206 : i32 to index
                %get3A_304 = arith.index_cast %add3A_298 : i32 to index
                %get3A_305 = tpu.vector_load %arg6[%get3A_303, %get3A_304] {strides = array<i32>} : memref<16x1024xf32, #tpu.memory_space<vmem>>, vector<1x16xf32>,
                %get3A_306 = vector.shape_cast %get3A_305 : vector<1x16xf32> to vector<16xf32>
                %add3A_307 = arith.addf %get3A_302, %get3A_306 : vector<16xf32>
                %swap3A_308 = arith.index_cast %scan3A_145 : i32 to index
                %swap3A_309 = arith.index_cast %add3A_298 : i32 to index
                %swap3A_310 = tpu.vector_load %arg8[%swap3A_308, %swap3A_309] {strides = array<i32>} : memref<16x1024xf32, #tpu.memory_space<vmem>>, vector<1x16xf32>,
                %swap3A_311 = vector.shape_cast %swap3A_310 : vector<1x16xf32> to vector<16xf32>
                %swap3A_312 = vector.shape_cast %add3A_307 : vector<16xf32> to vector<1x16xf32>
                tpu.vector_store %arg8[%swap3A_308, %swap3A_309], %swap3A_312 {strides = array<i32>} : memref<16x1024xf32, #tpu.memory_space<vmem>>, vector<1x16xf32>,
                %mul3A_313 = arith.constant 8 : i32
                %mul3A_314 = arith.muli %scan3A_213, %mul3A_313 : i32
                %mul3A_315 = arith.constant 16 : i32
                %mul3A_316 = arith.muli %mul3A_314, %mul3A_315 : i32
                %add3A_317 = arith.constant 80 : i32
                %add3A_318 = arith.addi %mul3A_316, %add3A_317 : i32
                %get3A_319 = arith.index_cast %scan3A_145 : i32 to index
                %get3A_320 = arith.index_cast %add3A_318 : i32 to index
                %get3A_321 = tpu.vector_load %arg8[%get3A_319, %get3A_320] {strides = array<i32>} : memref<16x1024xf32, #tpu.memory_space<vmem>>, vector<1x16xf32>,
                %get3A_322 = vector.shape_cast %get3A_321 : vector<1x16xf32> to vector<16xf32>
                %get3A_323 = arith.index_cast %while3A_206 : i32 to index
                %get3A_324 = arith.index_cast %add3A_318 : i32 to index
                %get3A_325 = tpu.vector_load %arg6[%get3A_323, %get3A_324] {strides = array<i32>} : memref<16x1024xf32, #tpu.memory_space<vmem>>, vector<1x16xf32>,
                %get3A_326 = vector.shape_cast %get3A_325 : vector<1x16xf32> to vector<16xf32>
                %add3A_327 = arith.addf %get3A_322, %get3A_326 : vector<16xf32>
                %swap3A_328 = arith.index_cast %scan3A_145 : i32 to index
                %swap3A_329 = arith.index_cast %add3A_318 : i32 to index
                %swap3A_330 = tpu.vector_load %arg8[%swap3A_328, %swap3A_329] {strides = array<i32>} : memref<16x1024xf32, #tpu.memory_space<vmem>>, vector<1x16xf32>,
                %swap3A_331 = vector.shape_cast %swap3A_330 : vector<1x16xf32> to vector<16xf32>
                %swap3A_332 = vector.shape_cast %add3A_327 : vector<16xf32> to vector<1x16xf32>
                tpu.vector_store %arg8[%swap3A_328, %swap3A_329], %swap3A_332 {strides = array<i32>} : memref<16x1024xf32, #tpu.memory_space<vmem>>, vector<1x16xf32>,
                %mul3A_333 = arith.constant 8 : i32
                %mul3A_334 = arith.muli %scan3A_213, %mul3A_333 : i32
                %mul3A_335 = arith.constant 16 : i32
                %mul3A_336 = arith.muli %mul3A_334, %mul3A_335 : i32
                %add3A_337 = arith.constant 96 : i32
                %add3A_338 = arith.addi %mul3A_336, %add3A_337 : i32
                %get3A_339 = arith.index_cast %scan3A_145 : i32 to index
                %get3A_340 = arith.index_cast %add3A_338 : i32 to index
                %get3A_341 = tpu.vector_load %arg8[%get3A_339, %get3A_340] {strides = array<i32>} : memref<16x1024xf32, #tpu.memory_space<vmem>>, vector<1x16xf32>,
                %get3A_342 = vector.shape_cast %get3A_341 : vector<1x16xf32> to vector<16xf32>
                %get3A_343 = arith.index_cast %while3A_206 : i32 to index
                %get3A_344 = arith.index_cast %add3A_338 : i32 to index
                %get3A_345 = tpu.vector_load %arg6[%get3A_343, %get3A_344] {strides = array<i32>} : memref<16x1024xf32, #tpu.memory_space<vmem>>, vector<1x16xf32>,
                %get3A_346 = vector.shape_cast %get3A_345 : vector<1x16xf32> to vector<16xf32>
                %add3A_347 = arith.addf %get3A_342, %get3A_346 : vector<16xf32>
                %swap3A_348 = arith.index_cast %scan3A_145 : i32 to index
                %swap3A_349 = arith.index_cast %add3A_338 : i32 to index
                %swap3A_350 = tpu.vector_load %arg8[%swap3A_348, %swap3A_349] {strides = array<i32>} : memref<16x1024xf32, #tpu.memory_space<vmem>>, vector<1x16xf32>,
                %swap3A_351 = vector.shape_cast %swap3A_350 : vector<1x16xf32> to vector<16xf32>
                %swap3A_352 = vector.shape_cast %add3A_347 : vector<16xf32> to vector<1x16xf32>
                tpu.vector_store %arg8[%swap3A_348, %swap3A_349], %swap3A_352 {strides = array<i32>} : memref<16x1024xf32, #tpu.memory_space<vmem>>, vector<1x16xf32>,
                %mul3A_353 = arith.constant 8 : i32
                %mul3A_354 = arith.muli %scan3A_213, %mul3A_353 : i32
                %mul3A_355 = arith.constant 16 : i32
                %mul3A_356 = arith.muli %mul3A_354, %mul3A_355 : i32
                %add3A_357 = arith.constant 112 : i32
                %add3A_358 = arith.addi %mul3A_356, %add3A_357 : i32
                %get3A_359 = arith.index_cast %scan3A_145 : i32 to index
                %get3A_360 = arith.index_cast %add3A_358 : i32 to index
                %get3A_361 = tpu.vector_load %arg8[%get3A_359, %get3A_360] {strides = array<i32>} : memref<16x1024xf32, #tpu.memory_space<vmem>>, vector<1x16xf32>,
                %get3A_362 = vector.shape_cast %get3A_361 : vector<1x16xf32> to vector<16xf32>
                %get3A_363 = arith.index_cast %while3A_206 : i32 to index
                %get3A_364 = arith.index_cast %add3A_358 : i32 to index
                %get3A_365 = tpu.vector_load %arg6[%get3A_363, %get3A_364] {strides = array<i32>} : memref<16x1024xf32, #tpu.memory_space<vmem>>, vector<1x16xf32>,
                %get3A_366 = vector.shape_cast %get3A_365 : vector<1x16xf32> to vector<16xf32>
                %add3A_367 = arith.addf %get3A_362, %get3A_366 : vector<16xf32>
                %swap3A_368 = arith.index_cast %scan3A_145 : i32 to index
                %swap3A_369 = arith.index_cast %add3A_358 : i32 to index
                %swap3A_370 = tpu.vector_load %arg8[%swap3A_368, %swap3A_369] {strides = array<i32>} : memref<16x1024xf32, #tpu.memory_space<vmem>>, vector<1x16xf32>,
                %swap3A_371 = vector.shape_cast %swap3A_370 : vector<1x16xf32> to vector<16xf32>
                %swap3A_372 = vector.shape_cast %add3A_367 : vector<16xf32> to vector<1x16xf32>
                tpu.vector_store %arg8[%swap3A_368, %swap3A_369], %swap3A_372 {strides = array<i32>} : memref<16x1024xf32, #tpu.memory_space<vmem>>, vector<1x16xf32>,
              }
              %scan3A_212 = arith.constant 8 : i32
            }
            %while3A_205 = arith.constant 1 : i32
            scf.for %while3A_206 = %while3A_203 to %while3A_199 step %while3A_205  : i32 {
              %scan3A_207 = arith.constant 0 : i32
              %scan3A_208 = arith.constant 0 : i32
              %scan3A_209 = arith.constant 8 : i32
              %scan3A_210 = arith.addi %scan3A_208, %scan3A_209 : i32
              %scan3A_211 = arith.constant 1 : i32
              scf.for %scan3A_213 = %scan3A_208 to %scan3A_210 step %scan3A_211  : i32 {
                %mul3A_214 = arith.constant 8 : i32
                %mul3A_215 = arith.muli %scan3A_213, %mul3A_214 : i32
                %mul3A_216 = arith.constant 16 : i32
                %mul3A_217 = arith.muli %mul3A_215, %mul3A_216 : i32
                %add3A_218 = arith.constant 0 : i32
                %add3A_219 = arith.addi %mul3A_217, %add3A_218 : i32
                %get3A_220 = arith.index_cast %scan3A_145 : i32 to index
                %get3A_221 = arith.index_cast %add3A_219 : i32 to index
                %get3A_222 = tpu.vector_load %arg8[%get3A_220, %get3A_221] {strides = array<i32>} : memref<16x1024xf32, #tpu.memory_space<vmem>>, vector<1x16xf32>,
                %get3A_223 = vector.shape_cast %get3A_222 : vector<1x16xf32> to vector<16xf32>
                %get3A_224 = arith.index_cast %while3A_206 : i32 to index
                %get3A_225 = arith.index_cast %add3A_219 : i32 to index
                %get3A_226 = tpu.vector_load %arg6[%get3A_224, %get3A_225] {strides = array<i32>} : memref<16x1024xf32, #tpu.memory_space<vmem>>, vector<1x16xf32>,
                %get3A_227 = vector.shape_cast %get3A_226 : vector<1x16xf32> to vector<16xf32>
                %add3A_228 = arith.addf %get3A_223, %get3A_227 : vector<16xf32>
                %swap3A = arith.index_cast %scan3A_145 : i32 to index
                %swap3A_229 = arith.index_cast %add3A_219 : i32 to index
                %swap3A_230 = tpu.vector_load %arg8[%swap3A, %swap3A_229] {strides = array<i32>} : memref<16x1024xf32, #tpu.memory_space<vmem>>, vector<1x16xf32>,
                %swap3A_231 = vector.shape_cast %swap3A_230 : vector<1x16xf32> to vector<16xf32>
                %swap3A_232 = vector.shape_cast %add3A_228 : vector<16xf32> to vector<1x16xf32>
                tpu.vector_store %arg8[%swap3A, %swap3A_229], %swap3A_232 {strides = array<i32>} : memref<16x1024xf32, #tpu.memory_space<vmem>>, vector<1x16xf32>,
                %mul3A_233 = arith.constant 8 : i32
                %mul3A_234 = arith.muli %scan3A_213, %mul3A_233 : i32
                %mul3A_235 = arith.constant 16 : i32
                %mul3A_236 = arith.muli %mul3A_234, %mul3A_235 : i32
                %add3A_237 = arith.constant 16 : i32
                %add3A_238 = arith.addi %mul3A_236, %add3A_237 : i32
                %get3A_239 = arith.index_cast %scan3A_145 : i32 to index
                %get3A_240 = arith.index_cast %add3A_238 : i32 to index
                %get3A_241 = tpu.vector_load %arg8[%get3A_239, %get3A_240] {strides = array<i32>} : memref<16x1024xf32, #tpu.memory_space<vmem>>, vector<1x16xf32>,
                %get3A_242 = vector.shape_cast %get3A_241 : vector<1x16xf32> to vector<16xf32>
                %get3A_243 = arith.index_cast %while3A_206 : i32 to index
                %get3A_244 = arith.index_cast %add3A_238 : i32 to index
                %get3A_245 = tpu.vector_load %arg6[%get3A_243, %get3A_244] {strides = array<i32>} : memref<16x1024xf32, #tpu.memory_space<vmem>>, vector<1x16xf32>,
                %get3A_246 = vector.shape_cast %get3A_245 : vector<1x16xf32> to vector<16xf32>
                %add3A_247 = arith.addf %get3A_242, %get3A_246 : vector<16xf32>
                %swap3A_248 = arith.index_cast %scan3A_145 : i32 to index
                %swap3A_249 = arith.index_cast %add3A_238 : i32 to index
                %swap3A_250 = tpu.vector_load %arg8[%swap3A_248, %swap3A_249] {strides = array<i32>} : memref<16x1024xf32, #tpu.memory_space<vmem>>, vector<1x16xf32>,
                %swap3A_251 = vector.shape_cast %swap3A_250 : vector<1x16xf32> to vector<16xf32>
                %swap3A_252 = vector.shape_cast %add3A_247 : vector<16xf32> to vector<1x16xf32>
                tpu.vector_store %arg8[%swap3A_248, %swap3A_249], %swap3A_252 {strides = array<i32>} : memref<16x1024xf32, #tpu.memory_space<vmem>>, vector<1x16xf32>,
                %mul3A_253 = arith.constant 8 : i32
                %mul3A_254 = arith.muli %scan3A_213, %mul3A_253 : i32
                %mul3A_255 = arith.constant 16 : i32
                %mul3A_256 = arith.muli %mul3A_254, %mul3A_255 : i32
                %add3A_257 = arith.constant 32 : i32
                %add3A_258 = arith.addi %mul3A_256, %add3A_257 : i32
                %get3A_259 = arith.index_cast %scan3A_145 : i32 to index
                %get3A_260 = arith.index_cast %add3A_258 : i32 to index
                %get3A_261 = tpu.vector_load %arg8[%get3A_259, %get3A_260] {strides = array<i32>} : memref<16x1024xf32, #tpu.memory_space<vmem>>, vector<1x16xf32>,
                %get3A_262 = vector.shape_cast %get3A_261 : vector<1x16xf32> to vector<16xf32>
                %get3A_263 = arith.index_cast %while3A_206 : i32 to index
                %get3A_264 = arith.index_cast %add3A_258 : i32 to index
                %get3A_265 = tpu.vector_load %arg6[%get3A_263, %get3A_264] {strides = array<i32>} : memref<16x1024xf32, #tpu.memory_space<vmem>>, vector<1x16xf32>,
                %get3A_266 = vector.shape_cast %get3A_265 : vector<1x16xf32> to vector<16xf32>
                %add3A_267 = arith.addf %get3A_262, %get3A_266 : vector<16xf32>
                %swap3A_268 = arith.index_cast %scan3A_145 : i32 to index
                %swap3A_269 = arith.index_cast %add3A_258 : i32 to index
                %swap3A_270 = tpu.vector_load %arg8[%swap3A_268, %swap3A_269] {strides = array<i32>} : memref<16x1024xf32, #tpu.memory_space<vmem>>, vector<1x16xf32>,
                %swap3A_271 = vector.shape_cast %swap3A_270 : vector<1x16xf32> to vector<16xf32>
                %swap3A_272 = vector.shape_cast %add3A_267 : vector<16xf32> to vector<1x16xf32>
                tpu.vector_store %arg8[%swap3A_268, %swap3A_269], %swap3A_272 {strides = array<i32>} : memref<16x1024xf32, #tpu.memory_space<vmem>>, vector<1x16xf32>,
                %mul3A_273 = arith.constant 8 : i32
                %mul3A_274 = arith.muli %scan3A_213, %mul3A_273 : i32
                %mul3A_275 = arith.constant 16 : i32
                %mul3A_276 = arith.muli %mul3A_274, %mul3A_275 : i32
                %add3A_277 = arith.constant 48 : i32
                %add3A_278 = arith.addi %mul3A_276, %add3A_277 : i32
                %get3A_279 = arith.index_cast %scan3A_145 : i32 to index
                %get3A_280 = arith.index_cast %add3A_278 : i32 to index
                %get3A_281 = tpu.vector_load %arg8[%get3A_279, %get3A_280] {strides = array<i32>} : memref<16x1024xf32, #tpu.memory_space<vmem>>, vector<1x16xf32>,
                %get3A_282 = vector.shape_cast %get3A_281 : vector<1x16xf32> to vector<16xf32>
                %get3A_283 = arith.index_cast %while3A_206 : i32 to index
                %get3A_284 = arith.index_cast %add3A_278 : i32 to index
                %get3A_285 = tpu.vector_load %arg6[%get3A_283, %get3A_284] {strides = array<i32>} : memref<16x1024xf32, #tpu.memory_space<vmem>>, vector<1x16xf32>,
                %get3A_286 = vector.shape_cast %get3A_285 : vector<1x16xf32> to vector<16xf32>
                %add3A_287 = arith.addf %get3A_282, %get3A_286 : vector<16xf32>
                %swap3A_288 = arith.index_cast %scan3A_145 : i32 to index
                %swap3A_289 = arith.index_cast %add3A_278 : i32 to index
                %swap3A_290 = tpu.vector_load %arg8[%swap3A_288, %swap3A_289] {strides = array<i32>} : memref<16x1024xf32, #tpu.memory_space<vmem>>, vector<1x16xf32>,
                %swap3A_291 = vector.shape_cast %swap3A_290 : vector<1x16xf32> to vector<16xf32>
                %swap3A_292 = vector.shape_cast %add3A_287 : vector<16xf32> to vector<1x16xf32>
                tpu.vector_store %arg8[%swap3A_288, %swap3A_289], %swap3A_292 {strides = array<i32>} : memref<16x1024xf32, #tpu.memory_space<vmem>>, vector<1x16xf32>,
                %mul3A_293 = arith.constant 8 : i32
                %mul3A_294 = arith.muli %scan3A_213, %mul3A_293 : i32
                %mul3A_295 = arith.constant 16 : i32
                %mul3A_296 = arith.muli %mul3A_294, %mul3A_295 : i32
                %add3A_297 = arith.constant 64 : i32
                %add3A_298 = arith.addi %mul3A_296, %add3A_297 : i32
                %get3A_299 = arith.index_cast %scan3A_145 : i32 to index
                %get3A_300 = arith.index_cast %add3A_298 : i32 to index
                %get3A_301 = tpu.vector_load %arg8[%get3A_299, %get3A_300] {strides = array<i32>} : memref<16x1024xf32, #tpu.memory_space<vmem>>, vector<1x16xf32>,
                %get3A_302 = vector.shape_cast %get3A_301 : vector<1x16xf32> to vector<16xf32>
                %get3A_303 = arith.index_cast %while3A_206 : i32 to index
                %get3A_304 = arith.index_cast %add3A_298 : i32 to index
                %get3A_305 = tpu.vector_load %arg6[%get3A_303, %get3A_304] {strides = array<i32>} : memref<16x1024xf32, #tpu.memory_space<vmem>>, vector<1x16xf32>,
                %get3A_306 = vector.shape_cast %get3A_305 : vector<1x16xf32> to vector<16xf32>
                %add3A_307 = arith.addf %get3A_302, %get3A_306 : vector<16xf32>
                %swap3A_308 = arith.index_cast %scan3A_145 : i32 to index
                %swap3A_309 = arith.index_cast %add3A_298 : i32 to index
                %swap3A_310 = tpu.vector_load %arg8[%swap3A_308, %swap3A_309] {strides = array<i32>} : memref<16x1024xf32, #tpu.memory_space<vmem>>, vector<1x16xf32>,
                %swap3A_311 = vector.shape_cast %swap3A_310 : vector<1x16xf32> to vector<16xf32>
                %swap3A_312 = vector.shape_cast %add3A_307 : vector<16xf32> to vector<1x16xf32>
                tpu.vector_store %arg8[%swap3A_308, %swap3A_309], %swap3A_312 {strides = array<i32>} : memref<16x1024xf32, #tpu.memory_space<vmem>>, vector<1x16xf32>,
                %mul3A_313 = arith.constant 8 : i32
                %mul3A_314 = arith.muli %scan3A_213, %mul3A_313 : i32
                %mul3A_315 = arith.constant 16 : i32
                %mul3A_316 = arith.muli %mul3A_314, %mul3A_315 : i32
                %add3A_317 = arith.constant 80 : i32
                %add3A_318 = arith.addi %mul3A_316, %add3A_317 : i32
                %get3A_319 = arith.index_cast %scan3A_145 : i32 to index
                %get3A_320 = arith.index_cast %add3A_318 : i32 to index
                %get3A_321 = tpu.vector_load %arg8[%get3A_319, %get3A_320] {strides = array<i32>} : memref<16x1024xf32, #tpu.memory_space<vmem>>, vector<1x16xf32>,
                %get3A_322 = vector.shape_cast %get3A_321 : vector<1x16xf32> to vector<16xf32>
                %get3A_323 = arith.index_cast %while3A_206 : i32 to index
                %get3A_324 = arith.index_cast %add3A_318 : i32 to index
                %get3A_325 = tpu.vector_load %arg6[%get3A_323, %get3A_324] {strides = array<i32>} : memref<16x1024xf32, #tpu.memory_space<vmem>>, vector<1x16xf32>,
                %get3A_326 = vector.shape_cast %get3A_325 : vector<1x16xf32> to vector<16xf32>
                %add3A_327 = arith.addf %get3A_322, %get3A_326 : vector<16xf32>
                %swap3A_328 = arith.index_cast %scan3A_145 : i32 to index
                %swap3A_329 = arith.index_cast %add3A_318 : i32 to index
                %swap3A_330 = tpu.vector_load %arg8[%swap3A_328, %swap3A_329] {strides = array<i32>} : memref<16x1024xf32, #tpu.memory_space<vmem>>, vector<1x16xf32>,
                %swap3A_331 = vector.shape_cast %swap3A_330 : vector<1x16xf32> to vector<16xf32>
                %swap3A_332 = vector.shape_cast %add3A_327 : vector<16xf32> to vector<1x16xf32>
                tpu.vector_store %arg8[%swap3A_328, %swap3A_329], %swap3A_332 {strides = array<i32>} : memref<16x1024xf32, #tpu.memory_space<vmem>>, vector<1x16xf32>,
                %mul3A_333 = arith.constant 8 : i32
                %mul3A_334 = arith.muli %scan3A_213, %mul3A_333 : i32
                %mul3A_335 = arith.constant 16 : i32
                %mul3A_336 = arith.muli %mul3A_334, %mul3A_335 : i32
                %add3A_337 = arith.constant 96 : i32
                %add3A_338 = arith.addi %mul3A_336, %add3A_337 : i32
                %get3A_339 = arith.index_cast %scan3A_145 : i32 to index
                %get3A_340 = arith.index_cast %add3A_338 : i32 to index
                %get3A_341 = tpu.vector_load %arg8[%get3A_339, %get3A_340] {strides = array<i32>} : memref<16x1024xf32, #tpu.memory_space<vmem>>, vector<1x16xf32>,
                %get3A_342 = vector.shape_cast %get3A_341 : vector<1x16xf32> to vector<16xf32>
                %get3A_343 = arith.index_cast %while3A_206 : i32 to index
                %get3A_344 = arith.index_cast %add3A_338 : i32 to index
                %get3A_345 = tpu.vector_load %arg6[%get3A_343, %get3A_344] {strides = array<i32>} : memref<16x1024xf32, #tpu.memory_space<vmem>>, vector<1x16xf32>,
                %get3A_346 = vector.shape_cast %get3A_345 : vector<1x16xf32> to vector<16xf32>
                %add3A_347 = arith.addf %get3A_342, %get3A_346 : vector<16xf32>
                %swap3A_348 = arith.index_cast %scan3A_145 : i32 to index
                %swap3A_349 = arith.index_cast %add3A_338 : i32 to index
                %swap3A_350 = tpu.vector_load %arg8[%swap3A_348, %swap3A_349] {strides = array<i32>} : memref<16x1024xf32, #tpu.memory_space<vmem>>, vector<1x16xf32>,
                %swap3A_351 = vector.shape_cast %swap3A_350 : vector<1x16xf32> to vector<16xf32>
                %swap3A_352 = vector.shape_cast %add3A_347 : vector<16xf32> to vector<1x16xf32>
                tpu.vector_store %arg8[%swap3A_348, %swap3A_349], %swap3A_352 {strides = array<i32>} : memref<16x1024xf32, #tpu.memory_space<vmem>>, vector<1x16xf32>,
                %mul3A_353 = arith.constant 8 : i32
                %mul3A_354 = arith.muli %scan3A_213, %mul3A_353 : i32
                %mul3A_355 = arith.constant 16 : i32
                %mul3A_356 = arith.muli %mul3A_354, %mul3A_355 : i32
                %add3A_357 = arith.constant 112 : i32
                %add3A_358 = arith.addi %mul3A_356, %add3A_357 : i32
                %get3A_359 = arith.index_cast %scan3A_145 : i32 to index
                %get3A_360 = arith.index_cast %add3A_358 : i32 to index
                %get3A_361 = tpu.vector_load %arg8[%get3A_359, %get3A_360] {strides = array<i32>} : memref<16x1024xf32, #tpu.memory_space<vmem>>, vector<1x16xf32>,
                %get3A_362 = vector.shape_cast %get3A_361 : vector<1x16xf32> to vector<16xf32>
                %get3A_363 = arith.index_cast %while3A_206 : i32 to index
                %get3A_364 = arith.index_cast %add3A_358 : i32 to index
                %get3A_365 = tpu.vector_load %arg6[%get3A_363, %get3A_364] {strides = array<i32>} : memref<16x1024xf32, #tpu.memory_space<vmem>>, vector<1x16xf32>,
                %get3A_366 = vector.shape_cast %get3A_365 : vector<1x16xf32> to vector<16xf32>
                %add3A_367 = arith.addf %get3A_362, %get3A_366 : vector<16xf32>
                %swap3A_368 = arith.index_cast %scan3A_145 : i32 to index
                %swap3A_369 = arith.index_cast %add3A_358 : i32 to index
                %swap3A_370 = tpu.vector_load %arg8[%swap3A_368, %swap3A_369] {strides = array<i32>} : memref<16x1024xf32, #tpu.memory_space<vmem>>, vector<1x16xf32>,
                %swap3A_371 = vector.shape_cast %swap3A_370 : vector<1x16xf32> to vector<16xf32>
                %swap3A_372 = vector.shape_cast %add3A_367 : vector<16xf32> to vector<1x16xf32>
                tpu.vector_store %arg8[%swap3A_368, %swap3A_369], %swap3A_372 {strides = array<i32>} : memref<16x1024xf32, #tpu.memory_space<vmem>>, vector<1x16xf32>,
              }
              %scan3A_212 = arith.constant 8 : i32
            }
          } else {
          }
          scf.yield %add3A_194 : i32
        }
        %scan3A_144 = arith.constant 16 : i32
      } else {
      }
      %add3A_54 = arith.constant 2 : i32
      %add3A_55 = arith.addi %mul3A_31, %add3A_54 : i32
      %lt3A = arith.constant 10 : i32
      %lt3A_56 = arith.cmpi slt, %add3A_55, %lt3A : i32
      %convert_element_type3A_57 = arith.extui %lt3A_56 : i1 to i32
      %cond3A_58 = arith.constant 0 : i32
      %cond3A_59 = arith.cmpi ne, %convert_element_type3A_57, %cond3A_58 : i32
      scf.if %cond3A_59 {
        %add3A_99 = arith.constant 2 : i32
        %add3A_100 = arith.addi %mul3A_31, %add3A_99 : i32
        %mul3A_101 = arith.constant 16 : i32
        %mul3A_102 = arith.muli %add3A_100, %mul3A_101 : i32
        %add3A_103 = arith.addi %mul3A_2, %mul3A_102 : i32
        %dma_start3A_104 = arith.constant 0 : i32
        %dma_start3A_105 = tpu.memref_slice %arg2[%add3A_103, %dma_start3A_104] : memref<16384x1024xf32, #tpu.memory_space<hbm>> -> memref<16x1024xf32, #tpu.memory_space<hbm>>
        %dma_start3A_106 = arith.constant 0 : i32
        %dma_start3A_107 = tpu.memref_slice %arg2[%add3A_103, %dma_start3A_106] : memref<16384x1024xf32, #tpu.memory_space<hbm>> -> memref<16x1024xf32, #tpu.memory_space<hbm>>
        tpu.enqueue_dma source(%dma_start3A_107 : memref<16x1024xf32, #tpu.memory_space<hbm>>) target(%arg6 : memref<16x1024xf32, #tpu.memory_space<vmem>>) target_semaphore(%arg9 : memref<!tpu.dma_semaphore, #tpu.memory_space<semaphore_mem>>)
      } else {
      }
      %dma_wait3A_60 = arith.constant 0 : i32
      %dma_wait3A_61 = tpu.memref_slice %arg2[%mul3A_2, %dma_wait3A_60] : memref<16384x1024xf32, #tpu.memory_space<hbm>> -> memref<16x1024xf32, #tpu.memory_space<hbm>>
      %dma_wait3A_62 = arith.constant 0 : i32
      %dma_wait3A_63 = tpu.memref_slice %arg2[%mul3A_2, %dma_wait3A_62] : memref<16384x1024xf32, #tpu.memory_space<hbm>> -> memref<16x1024xf32, #tpu.memory_space<hbm>>
      tpu.wait_dma2 semaphore(%arg10 : memref<!tpu.dma_semaphore, #tpu.memory_space<semaphore_mem>>) src(%dma_wait3A_63 : memref<16x1024xf32, #tpu.memory_space<hbm>>) dst(%arg7 : memref<16x1024xf32, #tpu.memory_space<vmem>>)
      %add3A_64 = arith.constant 1 : i32
      %add3A_65 = arith.addi %mul3A_31, %add3A_64 : i32
      %mul3A_66 = arith.constant 16 : i32
      %mul3A_67 = arith.muli %add3A_65, %mul3A_66 : i32
      %get3A_68 = arith.index_cast %mul3A_67 : i32 to index
      %get3A_69 = tpu.vector_load %arg5[%get3A_68] {strides = array<i32>} : memref<160xi32, #tpu.memory_space<vmem>>, vector<16xi32>,
      %get3A_70 = vector.shape_cast %get3A_69 : vector<16xi32> to vector<16xi32>
      %mul3A_71 = arith.constant 16 : i32
      %mul3A_72 = arith.muli %add3A_65, %mul3A_71 : i32
      %add3A_73 = arith.constant 16 : i32
      %add3A_74 = arith.addi %mul3A_72, %add3A_73 : i32
      %sub3A_75 = arith.constant 16 : i32
      %sub3A_76 = arith.subi %add3A_74, %sub3A_75 : i32
      %get3A_77 = arith.index_cast %sub3A_76 : i32 to index
      %get3A_78 = tpu.vector_load %arg5[%get3A_77] {strides = array<i32>} : memref<160xi32, #tpu.memory_space<vmem>>, vector<16xi32>,
      %get3A_79 = vector.shape_cast %get3A_78 : vector<16xi32> to vector<16xi32>
      %slice3A_80 = vector.extract_strided_slice %get3A_70 {offsets = [0], sizes = [1], strides = [1]} : vector<16xi32> to vector<1xi32>
      %squeeze3A_81 = vector.extract %slice3A_80[0] : i32 from vector<1xi32>
      %slice3A_82 = vector.extract_strided_slice %get3A_79 {offsets = [15], sizes = [1], strides = [1]} : vector<16xi32> to vector<1xi32>
      %squeeze3A_83 = vector.extract %slice3A_82[0] : i32 from vector<1xi32>
      %eq3A_84 = arith.cmpi eq, %squeeze3A_81, %squeeze3A_83 : i32
      %convert_element_type3A_85 = arith.extui %eq3A_84 : i1 to i32
      %cond3A_86 = arith.constant 0 : i32
      %cond3A_87 = arith.cmpi ne, %convert_element_type3A_85, %cond3A_86 : i32
      scf.if %cond3A_87 {
        %scan3A_99 = arith.constant 0 : i32
        %scan3A_100 = arith.constant 0 : i32
        %scan3A_101 = arith.constant 8 : i32
        %scan3A_102 = arith.addi %scan3A_100, %scan3A_101 : i32
        %scan3A_103 = arith.constant 1 : i32
        scf.for %scan3A_105 = %scan3A_100 to %scan3A_102 step %scan3A_103  : i32 {
          %mul3A_106 = arith.constant 8 : i32
          %mul3A_107 = arith.muli %scan3A_105, %mul3A_106 : i32
          %mul3A_108 = arith.constant 16 : i32
          %mul3A_109 = arith.muli %mul3A_107, %mul3A_108 : i32
          %add3A_110 = arith.constant 0 : i32
          %add3A_111 = arith.addi %mul3A_109, %add3A_110 : i32
          %mul3A_112 = arith.constant 8 : i32
          %mul3A_113 = arith.muli %scan3A_105, %mul3A_112 : i32
          %mul3A_114 = arith.constant 16 : i32
          %mul3A_115 = arith.muli %mul3A_113, %mul3A_114 : i32
          %add3A_116 = arith.constant 16 : i32
          %add3A_117 = arith.addi %mul3A_115, %add3A_116 : i32
          %mul3A_118 = arith.constant 8 : i32
          %mul3A_119 = arith.muli %scan3A_105, %mul3A_118 : i32
          %mul3A_120 = arith.constant 16 : i32
          %mul3A_121 = arith.muli %mul3A_119, %mul3A_120 : i32
          %add3A_122 = arith.constant 32 : i32
          %add3A_123 = arith.addi %mul3A_121, %add3A_122 : i32
          %mul3A_124 = arith.constant 8 : i32
          %mul3A_125 = arith.muli %scan3A_105, %mul3A_124 : i32
          %mul3A_126 = arith.constant 16 : i32
          %mul3A_127 = arith.muli %mul3A_125, %mul3A_126 : i32
          %add3A_128 = arith.constant 48 : i32
          %add3A_129 = arith.addi %mul3A_127, %add3A_128 : i32
          %mul3A_130 = arith.constant 8 : i32
          %mul3A_131 = arith.muli %scan3A_105, %mul3A_130 : i32
          %mul3A_132 = arith.constant 16 : i32
          %mul3A_133 = arith.muli %mul3A_131, %mul3A_132 : i32
          %add3A_134 = arith.constant 64 : i32
          %add3A_135 = arith.addi %mul3A_133, %add3A_134 : i32
          %mul3A_136 = arith.constant 8 : i32
          %mul3A_137 = arith.muli %scan3A_105, %mul3A_136 : i32
          %mul3A_138 = arith.constant 16 : i32
          %mul3A_139 = arith.muli %mul3A_137, %mul3A_138 : i32
          %add3A_140 = arith.constant 80 : i32
          %add3A_141 = arith.addi %mul3A_139, %add3A_140 : i32
          %mul3A_142 = arith.constant 8 : i32
          %mul3A_143 = arith.muli %scan3A_105, %mul3A_142 : i32
          %mul3A_144 = arith.constant 16 : i32
          %mul3A_145 = arith.muli %mul3A_143, %mul3A_144 : i32
          %add3A_146 = arith.constant 96 : i32
          %add3A_147 = arith.addi %mul3A_145, %add3A_146 : i32
          %mul3A_148 = arith.constant 8 : i32
          %mul3A_149 = arith.muli %scan3A_105, %mul3A_148 : i32
          %mul3A_150 = arith.constant 16 : i32
          %mul3A_151 = arith.muli %mul3A_149, %mul3A_150 : i32
          %add3A_152 = arith.constant 112 : i32
          %add3A_153 = arith.addi %mul3A_151, %add3A_152 : i32
          %get3A_154 = arith.constant 0 : i32
          %get3A_155 = arith.index_cast %get3A_154 : i32 to index
          %get3A_156 = arith.index_cast %add3A_111 : i32 to index
          %get3A_157 = tpu.vector_load %arg7[%get3A_155, %get3A_156] {strides = array<i32>} : memref<16x1024xf32, #tpu.memory_space<vmem>>, vector<1x16xf32>,
          %get3A_158 = vector.shape_cast %get3A_157 : vector<1x16xf32> to vector<16xf32>
          %get3A_159 = arith.constant 1 : i32
          %get3A_160 = arith.index_cast %get3A_159 : i32 to index
          %get3A_161 = arith.index_cast %add3A_111 : i32 to index
          %get3A_162 = tpu.vector_load %arg7[%get3A_160, %get3A_161] {strides = array<i32>} : memref<16x1024xf32, #tpu.memory_space<vmem>>, vector<1x16xf32>,
          %get3A_163 = vector.shape_cast %get3A_162 : vector<1x16xf32> to vector<16xf32>
          %add3A_164 = arith.addf %get3A_158, %get3A_163 : vector<16xf32>
          %get3A_165 = arith.constant 0 : i32
          %get3A_166 = arith.index_cast %get3A_165 : i32 to index
          %get3A_167 = arith.index_cast %add3A_117 : i32 to index
          %get3A_168 = tpu.vector_load %arg7[%get3A_166, %get3A_167] {strides = array<i32>} : memref<16x1024xf32, #tpu.memory_space<vmem>>, vector<1x16xf32>,
          %get3A_169 = vector.shape_cast %get3A_168 : vector<1x16xf32> to vector<16xf32>
          %get3A_170 = arith.constant 1 : i32
          %get3A_171 = arith.index_cast %get3A_170 : i32 to index
          %get3A_172 = arith.index_cast %add3A_117 : i32 to index
          %get3A_173 = tpu.vector_load %arg7[%get3A_171, %get3A_172] {strides = array<i32>} : memref<16x1024xf32, #tpu.memory_space<vmem>>, vector<1x16xf32>,
          %get3A_174 = vector.shape_cast %get3A_173 : vector<1x16xf32> to vector<16xf32>
          %add3A_175 = arith.addf %get3A_169, %get3A_174 : vector<16xf32>
          %get3A_176 = arith.constant 0 : i32
          %get3A_177 = arith.index_cast %get3A_176 : i32 to index
          %get3A_178 = arith.index_cast %add3A_123 : i32 to index
          %get3A_179 = tpu.vector_load %arg7[%get3A_177, %get3A_178] {strides = array<i32>} : memref<16x1024xf32, #tpu.memory_space<vmem>>, vector<1x16xf32>,
          %get3A_180 = vector.shape_cast %get3A_179 : vector<1x16xf32> to vector<16xf32>
          %get3A_181 = arith.constant 1 : i32
          %get3A_182 = arith.index_cast %get3A_181 : i32 to index
          %get3A_183 = arith.index_cast %add3A_123 : i32 to index
          %get3A_184 = tpu.vector_load %arg7[%get3A_182, %get3A_183] {strides = array<i32>} : memref<16x1024xf32, #tpu.memory_space<vmem>>, vector<1x16xf32>,
          %get3A_185 = vector.shape_cast %get3A_184 : vector<1x16xf32> to vector<16xf32>
          %add3A_186 = arith.addf %get3A_180, %get3A_185 : vector<16xf32>
          %get3A_187 = arith.constant 0 : i32
          %get3A_188 = arith.index_cast %get3A_187 : i32 to index
          %get3A_189 = arith.index_cast %add3A_129 : i32 to index
          %get3A_190 = tpu.vector_load %arg7[%get3A_188, %get3A_189] {strides = array<i32>} : memref<16x1024xf32, #tpu.memory_space<vmem>>, vector<1x16xf32>,
          %get3A_191 = vector.shape_cast %get3A_190 : vector<1x16xf32> to vector<16xf32>
          %get3A_192 = arith.constant 1 : i32
          %get3A_193 = arith.index_cast %get3A_192 : i32 to index
          %get3A_194 = arith.index_cast %add3A_129 : i32 to index
          %get3A_195 = tpu.vector_load %arg7[%get3A_193, %get3A_194] {strides = array<i32>} : memref<16x1024xf32, #tpu.memory_space<vmem>>, vector<1x16xf32>,
          %get3A_196 = vector.shape_cast %get3A_195 : vector<1x16xf32> to vector<16xf32>
          %add3A_197 = arith.addf %get3A_191, %get3A_196 : vector<16xf32>
          %get3A_198 = arith.constant 0 : i32
          %get3A_199 = arith.index_cast %get3A_198 : i32 to index
          %get3A_200 = arith.index_cast %add3A_135 : i32 to index
          %get3A_201 = tpu.vector_load %arg7[%get3A_199, %get3A_200] {strides = array<i32>} : memref<16x1024xf32, #tpu.memory_space<vmem>>, vector<1x16xf32>,
          %get3A_202 = vector.shape_cast %get3A_201 : vector<1x16xf32> to vector<16xf32>
          %get3A_203 = arith.constant 1 : i32
          %get3A_204 = arith.index_cast %get3A_203 : i32 to index
          %get3A_205 = arith.index_cast %add3A_135 : i32 to index
          %get3A_206 = tpu.vector_load %arg7[%get3A_204, %get3A_205] {strides = array<i32>} : memref<16x1024xf32, #tpu.memory_space<vmem>>, vector<1x16xf32>,
          %get3A_207 = vector.shape_cast %get3A_206 : vector<1x16xf32> to vector<16xf32>
          %add3A_208 = arith.addf %get3A_202, %get3A_207 : vector<16xf32>
          %get3A_209 = arith.constant 0 : i32
          %get3A_210 = arith.index_cast %get3A_209 : i32 to index
          %get3A_211 = arith.index_cast %add3A_141 : i32 to index
          %get3A_212 = tpu.vector_load %arg7[%get3A_210, %get3A_211] {strides = array<i32>} : memref<16x1024xf32, #tpu.memory_space<vmem>>, vector<1x16xf32>,
          %get3A_213 = vector.shape_cast %get3A_212 : vector<1x16xf32> to vector<16xf32>
          %get3A_214 = arith.constant 1 : i32
          %get3A_215 = arith.index_cast %get3A_214 : i32 to index
          %get3A_216 = arith.index_cast %add3A_141 : i32 to index
          %get3A_217 = tpu.vector_load %arg7[%get3A_215, %get3A_216] {strides = array<i32>} : memref<16x1024xf32, #tpu.memory_space<vmem>>, vector<1x16xf32>,
          %get3A_218 = vector.shape_cast %get3A_217 : vector<1x16xf32> to vector<16xf32>
          %add3A_219 = arith.addf %get3A_213, %get3A_218 : vector<16xf32>
          %get3A_220 = arith.constant 0 : i32
          %get3A_221 = arith.index_cast %get3A_220 : i32 to index
          %get3A_222 = arith.index_cast %add3A_147 : i32 to index
          %get3A_223 = tpu.vector_load %arg7[%get3A_221, %get3A_222] {strides = array<i32>} : memref<16x1024xf32, #tpu.memory_space<vmem>>, vector<1x16xf32>,
          %get3A_224 = vector.shape_cast %get3A_223 : vector<1x16xf32> to vector<16xf32>
          %get3A_225 = arith.constant 1 : i32
          %get3A_226 = arith.index_cast %get3A_225 : i32 to index
          %get3A_227 = arith.index_cast %add3A_147 : i32 to index
          %get3A_228 = tpu.vector_load %arg7[%get3A_226, %get3A_227] {strides = array<i32>} : memref<16x1024xf32, #tpu.memory_space<vmem>>, vector<1x16xf32>,
          %get3A_229 = vector.shape_cast %get3A_228 : vector<1x16xf32> to vector<16xf32>
          %add3A_230 = arith.addf %get3A_224, %get3A_229 : vector<16xf32>
          %get3A_231 = arith.constant 0 : i32
          %get3A_232 = arith.index_cast %get3A_231 : i32 to index
          %get3A_233 = arith.index_cast %add3A_153 : i32 to index
          %get3A_234 = tpu.vector_load %arg7[%get3A_232, %get3A_233] {strides = array<i32>} : memref<16x1024xf32, #tpu.memory_space<vmem>>, vector<1x16xf32>,
          %get3A_235 = vector.shape_cast %get3A_234 : vector<1x16xf32> to vector<16xf32>
          %get3A_236 = arith.constant 1 : i32
          %get3A_237 = arith.index_cast %get3A_236 : i32 to index
          %get3A_238 = arith.index_cast %add3A_153 : i32 to index
          %get3A_239 = tpu.vector_load %arg7[%get3A_237, %get3A_238] {strides = array<i32>} : memref<16x1024xf32, #tpu.memory_space<vmem>>, vector<1x16xf32>,
          %get3A_240 = vector.shape_cast %get3A_239 : vector<1x16xf32> to vector<16xf32>
          %add3A_241 = arith.addf %get3A_235, %get3A_240 : vector<16xf32>
          %scan3A_242 = arith.constant 1 : i32
          %scan3A_243 = arith.constant 7 : i32
          %scan3A_244 = arith.addi %scan3A_242, %scan3A_243 : i32
          %scan3A_245 = arith.constant 1 : i32
          %scan3A_246:8 = scf.for %scan3A_327 = %scan3A_242 to %scan3A_244 step %scan3A_245 iter_args(%scan3A_328 = %add3A_164, %scan3A_329 = %add3A_175, %scan3A_330 = %add3A_186, %scan3A_331 = %add3A_197, %scan3A_332 = %add3A_208, %scan3A_333 = %add3A_219, %scan3A_334 = %add3A_230, %scan3A_335 = %add3A_241) -> (vector<16xf32>, vector<16xf32>, vector<16xf32>, vector<16xf32>, vector<16xf32>, vector<16xf32>, vector<16xf32>, vector<16xf32>)  : i32 {
            %mul3A_336 = arith.constant 2 : i32
            %mul3A_337 = arith.muli %scan3A_327, %mul3A_336 : i32
            %get3A_338 = arith.index_cast %mul3A_337 : i32 to index
            %get3A_339 = arith.index_cast %add3A_111 : i32 to index
            %get3A_340 = tpu.vector_load %arg7[%get3A_338, %get3A_339] {strides = array<i32>} : memref<16x1024xf32, #tpu.memory_space<vmem>>, vector<1x16xf32>,
            %get3A_341 = vector.shape_cast %get3A_340 : vector<1x16xf32> to vector<16xf32>
            %add3A_342 = arith.addf %scan3A_328, %get3A_341 : vector<16xf32>
            %add3A_343 = arith.constant 1 : i32
            %add3A_344 = arith.addi %mul3A_337, %add3A_343 : i32
            %get3A_345 = arith.index_cast %add3A_344 : i32 to index
            %get3A_346 = arith.index_cast %add3A_111 : i32 to index
            %get3A_347 = tpu.vector_load %arg7[%get3A_345, %get3A_346] {strides = array<i32>} : memref<16x1024xf32, #tpu.memory_space<vmem>>, vector<1x16xf32>,
            %get3A_348 = vector.shape_cast %get3A_347 : vector<1x16xf32> to vector<16xf32>
            %add3A_349 = arith.addf %add3A_342, %get3A_348 : vector<16xf32>
            %get3A_350 = arith.index_cast %mul3A_337 : i32 to index
            %get3A_351 = arith.index_cast %add3A_117 : i32 to index
            %get3A_352 = tpu.vector_load %arg7[%get3A_350, %get3A_351] {strides = array<i32>} : memref<16x1024xf32, #tpu.memory_space<vmem>>, vector<1x16xf32>,
            %get3A_353 = vector.shape_cast %get3A_352 : vector<1x16xf32> to vector<16xf32>
            %add3A_354 = arith.addf %scan3A_329, %get3A_353 : vector<16xf32>
            %add3A_355 = arith.constant 1 : i32
            %add3A_356 = arith.addi %mul3A_337, %add3A_355 : i32
            %get3A_357 = arith.index_cast %add3A_356 : i32 to index
            %get3A_358 = arith.index_cast %add3A_117 : i32 to index
            %get3A_359 = tpu.vector_load %arg7[%get3A_357, %get3A_358] {strides = array<i32>} : memref<16x1024xf32, #tpu.memory_space<vmem>>, vector<1x16xf32>,
            %get3A_360 = vector.shape_cast %get3A_359 : vector<1x16xf32> to vector<16xf32>
            %add3A_361 = arith.addf %add3A_354, %get3A_360 : vector<16xf32>
            %get3A_362 = arith.index_cast %mul3A_337 : i32 to index
            %get3A_363 = arith.index_cast %add3A_123 : i32 to index
            %get3A_364 = tpu.vector_load %arg7[%get3A_362, %get3A_363] {strides = array<i32>} : memref<16x1024xf32, #tpu.memory_space<vmem>>, vector<1x16xf32>,
            %get3A_365 = vector.shape_cast %get3A_364 : vector<1x16xf32> to vector<16xf32>
            %add3A_366 = arith.addf %scan3A_330, %get3A_365 : vector<16xf32>
            %add3A_367 = arith.constant 1 : i32
            %add3A_368 = arith.addi %mul3A_337, %add3A_367 : i32
            %get3A_369 = arith.index_cast %add3A_368 : i32 to index
            %get3A_370 = arith.index_cast %add3A_123 : i32 to index
            %get3A_371 = tpu.vector_load %arg7[%get3A_369, %get3A_370] {strides = array<i32>} : memref<16x1024xf32, #tpu.memory_space<vmem>>, vector<1x16xf32>,
            %get3A_372 = vector.shape_cast %get3A_371 : vector<1x16xf32> to vector<16xf32>
            %add3A_373 = arith.addf %add3A_366, %get3A_372 : vector<16xf32>
            %get3A_374 = arith.index_cast %mul3A_337 : i32 to index
            %get3A_375 = arith.index_cast %add3A_129 : i32 to index
            %get3A_376 = tpu.vector_load %arg7[%get3A_374, %get3A_375] {strides = array<i32>} : memref<16x1024xf32, #tpu.memory_space<vmem>>, vector<1x16xf32>,
            %get3A_377 = vector.shape_cast %get3A_376 : vector<1x16xf32> to vector<16xf32>
            %add3A_378 = arith.addf %scan3A_331, %get3A_377 : vector<16xf32>
            %add3A_379 = arith.constant 1 : i32
            %add3A_380 = arith.addi %mul3A_337, %add3A_379 : i32
            %get3A_381 = arith.index_cast %add3A_380 : i32 to index
            %get3A_382 = arith.index_cast %add3A_129 : i32 to index
            %get3A_383 = tpu.vector_load %arg7[%get3A_381, %get3A_382] {strides = array<i32>} : memref<16x1024xf32, #tpu.memory_space<vmem>>, vector<1x16xf32>,
            %get3A_384 = vector.shape_cast %get3A_383 : vector<1x16xf32> to vector<16xf32>
            %add3A_385 = arith.addf %add3A_378, %get3A_384 : vector<16xf32>
            %get3A_386 = arith.index_cast %mul3A_337 : i32 to index
            %get3A_387 = arith.index_cast %add3A_135 : i32 to index
            %get3A_388 = tpu.vector_load %arg7[%get3A_386, %get3A_387] {strides = array<i32>} : memref<16x1024xf32, #tpu.memory_space<vmem>>, vector<1x16xf32>,
            %get3A_389 = vector.shape_cast %get3A_388 : vector<1x16xf32> to vector<16xf32>
            %add3A_390 = arith.addf %scan3A_332, %get3A_389 : vector<16xf32>
            %add3A_391 = arith.constant 1 : i32
            %add3A_392 = arith.addi %mul3A_337, %add3A_391 : i32
            %get3A_393 = arith.index_cast %add3A_392 : i32 to index
            %get3A_394 = arith.index_cast %add3A_135 : i32 to index
            %get3A_395 = tpu.vector_load %arg7[%get3A_393, %get3A_394] {strides = array<i32>} : memref<16x1024xf32, #tpu.memory_space<vmem>>, vector<1x16xf32>,
            %get3A_396 = vector.shape_cast %get3A_395 : vector<1x16xf32> to vector<16xf32>
            %add3A_397 = arith.addf %add3A_390, %get3A_396 : vector<16xf32>
            %get3A_398 = arith.index_cast %mul3A_337 : i32 to index
            %get3A_399 = arith.index_cast %add3A_141 : i32 to index
            %get3A_400 = tpu.vector_load %arg7[%get3A_398, %get3A_399] {strides = array<i32>} : memref<16x1024xf32, #tpu.memory_space<vmem>>, vector<1x16xf32>,
            %get3A_401 = vector.shape_cast %get3A_400 : vector<1x16xf32> to vector<16xf32>
            %add3A_402 = arith.addf %scan3A_333, %get3A_401 : vector<16xf32>
            %add3A_403 = arith.constant 1 : i32
            %add3A_404 = arith.addi %mul3A_337, %add3A_403 : i32
            %get3A_405 = arith.index_cast %add3A_404 : i32 to index
            %get3A_406 = arith.index_cast %add3A_141 : i32 to index
            %get3A_407 = tpu.vector_load %arg7[%get3A_405, %get3A_406] {strides = array<i32>} : memref<16x1024xf32, #tpu.memory_space<vmem>>, vector<1x16xf32>,
            %get3A_408 = vector.shape_cast %get3A_407 : vector<1x16xf32> to vector<16xf32>
            %add3A_409 = arith.addf %add3A_402, %get3A_408 : vector<16xf32>
            %get3A_410 = arith.index_cast %mul3A_337 : i32 to index
            %get3A_411 = arith.index_cast %add3A_147 : i32 to index
            %get3A_412 = tpu.vector_load %arg7[%get3A_410, %get3A_411] {strides = array<i32>} : memref<16x1024xf32, #tpu.memory_space<vmem>>, vector<1x16xf32>,
            %get3A_413 = vector.shape_cast %get3A_412 : vector<1x16xf32> to vector<16xf32>
            %add3A_414 = arith.addf %scan3A_334, %get3A_413 : vector<16xf32>
            %add3A_415 = arith.constant 1 : i32
            %add3A_416 = arith.addi %mul3A_337, %add3A_415 : i32
            %get3A_417 = arith.index_cast %add3A_416 : i32 to index
            %get3A_418 = arith.index_cast %add3A_147 : i32 to index
            %get3A_419 = tpu.vector_load %arg7[%get3A_417, %get3A_418] {strides = array<i32>} : memref<16x1024xf32, #tpu.memory_space<vmem>>, vector<1x16xf32>,
            %get3A_420 = vector.shape_cast %get3A_419 : vector<1x16xf32> to vector<16xf32>
            %add3A_421 = arith.addf %add3A_414, %get3A_420 : vector<16xf32>
            %get3A_422 = arith.index_cast %mul3A_337 : i32 to index
            %get3A_423 = arith.index_cast %add3A_153 : i32 to index
            %get3A_424 = tpu.vector_load %arg7[%get3A_422, %get3A_423] {strides = array<i32>} : memref<16x1024xf32, #tpu.memory_space<vmem>>, vector<1x16xf32>,
            %get3A_425 = vector.shape_cast %get3A_424 : vector<1x16xf32> to vector<16xf32>
            %add3A_426 = arith.addf %scan3A_335, %get3A_425 : vector<16xf32>
            %add3A_427 = arith.constant 1 : i32
            %add3A_428 = arith.addi %mul3A_337, %add3A_427 : i32
            %get3A_429 = arith.index_cast %add3A_428 : i32 to index
            %get3A_430 = arith.index_cast %add3A_153 : i32 to index
            %get3A_431 = tpu.vector_load %arg7[%get3A_429, %get3A_430] {strides = array<i32>} : memref<16x1024xf32, #tpu.memory_space<vmem>>, vector<1x16xf32>,
            %get3A_432 = vector.shape_cast %get3A_431 : vector<1x16xf32> to vector<16xf32>
            %add3A_433 = arith.addf %add3A_426, %get3A_432 : vector<16xf32>
            scf.yield %add3A_349, %add3A_361, %add3A_373, %add3A_385, %add3A_397, %add3A_409, %add3A_421, %add3A_433 : vector<16xf32>, vector<16xf32>, vector<16xf32>, vector<16xf32>, vector<16xf32>, vector<16xf32>, vector<16xf32>, vector<16xf32>
          }
          %scan3A_247 = arith.constant 7 : i32
          %get3A_248 = arith.index_cast %squeeze3A_81 : i32 to index
          %get3A_249 = arith.index_cast %add3A_111 : i32 to index
          %get3A_250 = tpu.vector_load %arg8[%get3A_248, %get3A_249] {strides = array<i32>} : memref<16x1024xf32, #tpu.memory_space<vmem>>, vector<1x16xf32>,
          %get3A_251 = vector.shape_cast %get3A_250 : vector<1x16xf32> to vector<16xf32>
          %add3A_252 = arith.addf %get3A_251, %scan3A_246#0 : vector<16xf32>
          %swap3A = arith.index_cast %squeeze3A_81 : i32 to index
          %swap3A_253 = arith.index_cast %add3A_111 : i32 to index
          %swap3A_254 = tpu.vector_load %arg8[%swap3A, %swap3A_253] {strides = array<i32>} : memref<16x1024xf32, #tpu.memory_space<vmem>>, vector<1x16xf32>,
          %swap3A_255 = vector.shape_cast %swap3A_254 : vector<1x16xf32> to vector<16xf32>
          %swap3A_256 = vector.shape_cast %add3A_252 : vector<16xf32> to vector<1x16xf32>
          tpu.vector_store %arg8[%swap3A, %swap3A_253], %swap3A_256 {strides = array<i32>} : memref<16x1024xf32, #tpu.memory_space<vmem>>, vector<1x16xf32>,
          %get3A_257 = arith.index_cast %squeeze3A_81 : i32 to index
          %get3A_258 = arith.index_cast %add3A_117 : i32 to index
          %get3A_259 = tpu.vector_load %arg8[%get3A_257, %get3A_258] {strides = array<i32>} : memref<16x1024xf32, #tpu.memory_space<vmem>>, vector<1x16xf32>,
          %get3A_260 = vector.shape_cast %get3A_259 : vector<1x16xf32> to vector<16xf32>
          %add3A_261 = arith.addf %get3A_260, %scan3A_246#1 : vector<16xf32>
          %swap3A_262 = arith.index_cast %squeeze3A_81 : i32 to index
          %swap3A_263 = arith.index_cast %add3A_117 : i32 to index
          %swap3A_264 = tpu.vector_load %arg8[%swap3A_262, %swap3A_263] {strides = array<i32>} : memref<16x1024xf32, #tpu.memory_space<vmem>>, vector<1x16xf32>,
          %swap3A_265 = vector.shape_cast %swap3A_264 : vector<1x16xf32> to vector<16xf32>
          %swap3A_266 = vector.shape_cast %add3A_261 : vector<16xf32> to vector<1x16xf32>
          tpu.vector_store %arg8[%swap3A_262, %swap3A_263], %swap3A_266 {strides = array<i32>} : memref<16x1024xf32, #tpu.memory_space<vmem>>, vector<1x16xf32>,
          %get3A_267 = arith.index_cast %squeeze3A_81 : i32 to index
          %get3A_268 = arith.index_cast %add3A_123 : i32 to index
          %get3A_269 = tpu.vector_load %arg8[%get3A_267, %get3A_268] {strides = array<i32>} : memref<16x1024xf32, #tpu.memory_space<vmem>>, vector<1x16xf32>,
          %get3A_270 = vector.shape_cast %get3A_269 : vector<1x16xf32> to vector<16xf32>
          %add3A_271 = arith.addf %get3A_270, %scan3A_246#2 : vector<16xf32>
          %swap3A_272 = arith.index_cast %squeeze3A_81 : i32 to index
          %swap3A_273 = arith.index_cast %add3A_123 : i32 to index
          %swap3A_274 = tpu.vector_load %arg8[%swap3A_272, %swap3A_273] {strides = array<i32>} : memref<16x1024xf32, #tpu.memory_space<vmem>>, vector<1x16xf32>,
          %swap3A_275 = vector.shape_cast %swap3A_274 : vector<1x16xf32> to vector<16xf32>
          %swap3A_276 = vector.shape_cast %add3A_271 : vector<16xf32> to vector<1x16xf32>
          tpu.vector_store %arg8[%swap3A_272, %swap3A_273], %swap3A_276 {strides = array<i32>} : memref<16x1024xf32, #tpu.memory_space<vmem>>, vector<1x16xf32>,
          %get3A_277 = arith.index_cast %squeeze3A_81 : i32 to index
          %get3A_278 = arith.index_cast %add3A_129 : i32 to index
          %get3A_279 = tpu.vector_load %arg8[%get3A_277, %get3A_278] {strides = array<i32>} : memref<16x1024xf32, #tpu.memory_space<vmem>>, vector<1x16xf32>,
          %get3A_280 = vector.shape_cast %get3A_279 : vector<1x16xf32> to vector<16xf32>
          %add3A_281 = arith.addf %get3A_280, %scan3A_246#3 : vector<16xf32>
          %swap3A_282 = arith.index_cast %squeeze3A_81 : i32 to index
          %swap3A_283 = arith.index_cast %add3A_129 : i32 to index
          %swap3A_284 = tpu.vector_load %arg8[%swap3A_282, %swap3A_283] {strides = array<i32>} : memref<16x1024xf32, #tpu.memory_space<vmem>>, vector<1x16xf32>,
          %swap3A_285 = vector.shape_cast %swap3A_284 : vector<1x16xf32> to vector<16xf32>
          %swap3A_286 = vector.shape_cast %add3A_281 : vector<16xf32> to vector<1x16xf32>
          tpu.vector_store %arg8[%swap3A_282, %swap3A_283], %swap3A_286 {strides = array<i32>} : memref<16x1024xf32, #tpu.memory_space<vmem>>, vector<1x16xf32>,
          %get3A_287 = arith.index_cast %squeeze3A_81 : i32 to index
          %get3A_288 = arith.index_cast %add3A_135 : i32 to index
          %get3A_289 = tpu.vector_load %arg8[%get3A_287, %get3A_288] {strides = array<i32>} : memref<16x1024xf32, #tpu.memory_space<vmem>>, vector<1x16xf32>,
          %get3A_290 = vector.shape_cast %get3A_289 : vector<1x16xf32> to vector<16xf32>
          %add3A_291 = arith.addf %get3A_290, %scan3A_246#4 : vector<16xf32>
          %swap3A_292 = arith.index_cast %squeeze3A_81 : i32 to index
          %swap3A_293 = arith.index_cast %add3A_135 : i32 to index
          %swap3A_294 = tpu.vector_load %arg8[%swap3A_292, %swap3A_293] {strides = array<i32>} : memref<16x1024xf32, #tpu.memory_space<vmem>>, vector<1x16xf32>,
          %swap3A_295 = vector.shape_cast %swap3A_294 : vector<1x16xf32> to vector<16xf32>
          %swap3A_296 = vector.shape_cast %add3A_291 : vector<16xf32> to vector<1x16xf32>
          tpu.vector_store %arg8[%swap3A_292, %swap3A_293], %swap3A_296 {strides = array<i32>} : memref<16x1024xf32, #tpu.memory_space<vmem>>, vector<1x16xf32>,
          %get3A_297 = arith.index_cast %squeeze3A_81 : i32 to index
          %get3A_298 = arith.index_cast %add3A_141 : i32 to index
          %get3A_299 = tpu.vector_load %arg8[%get3A_297, %get3A_298] {strides = array<i32>} : memref<16x1024xf32, #tpu.memory_space<vmem>>, vector<1x16xf32>,
          %get3A_300 = vector.shape_cast %get3A_299 : vector<1x16xf32> to vector<16xf32>
          %add3A_301 = arith.addf %get3A_300, %scan3A_246#5 : vector<16xf32>
          %swap3A_302 = arith.index_cast %squeeze3A_81 : i32 to index
          %swap3A_303 = arith.index_cast %add3A_141 : i32 to index
          %swap3A_304 = tpu.vector_load %arg8[%swap3A_302, %swap3A_303] {strides = array<i32>} : memref<16x1024xf32, #tpu.memory_space<vmem>>, vector<1x16xf32>,
          %swap3A_305 = vector.shape_cast %swap3A_304 : vector<1x16xf32> to vector<16xf32>
          %swap3A_306 = vector.shape_cast %add3A_301 : vector<16xf32> to vector<1x16xf32>
          tpu.vector_store %arg8[%swap3A_302, %swap3A_303], %swap3A_306 {strides = array<i32>} : memref<16x1024xf32, #tpu.memory_space<vmem>>, vector<1x16xf32>,
          %get3A_307 = arith.index_cast %squeeze3A_81 : i32 to index
          %get3A_308 = arith.index_cast %add3A_147 : i32 to index
          %get3A_309 = tpu.vector_load %arg8[%get3A_307, %get3A_308] {strides = array<i32>} : memref<16x1024xf32, #tpu.memory_space<vmem>>, vector<1x16xf32>,
          %get3A_310 = vector.shape_cast %get3A_309 : vector<1x16xf32> to vector<16xf32>
          %add3A_311 = arith.addf %get3A_310, %scan3A_246#6 : vector<16xf32>
          %swap3A_312 = arith.index_cast %squeeze3A_81 : i32 to index
          %swap3A_313 = arith.index_cast %add3A_147 : i32 to index
          %swap3A_314 = tpu.vector_load %arg8[%swap3A_312, %swap3A_313] {strides = array<i32>} : memref<16x1024xf32, #tpu.memory_space<vmem>>, vector<1x16xf32>,
          %swap3A_315 = vector.shape_cast %swap3A_314 : vector<1x16xf32> to vector<16xf32>
          %swap3A_316 = vector.shape_cast %add3A_311 : vector<16xf32> to vector<1x16xf32>
          tpu.vector_store %arg8[%swap3A_312, %swap3A_313], %swap3A_316 {strides = array<i32>} : memref<16x1024xf32, #tpu.memory_space<vmem>>, vector<1x16xf32>,
          %get3A_317 = arith.index_cast %squeeze3A_81 : i32 to index
          %get3A_318 = arith.index_cast %add3A_153 : i32 to index
          %get3A_319 = tpu.vector_load %arg8[%get3A_317, %get3A_318] {strides = array<i32>} : memref<16x1024xf32, #tpu.memory_space<vmem>>, vector<1x16xf32>,
          %get3A_320 = vector.shape_cast %get3A_319 : vector<1x16xf32> to vector<16xf32>
          %add3A_321 = arith.addf %get3A_320, %scan3A_246#7 : vector<16xf32>
          %swap3A_322 = arith.index_cast %squeeze3A_81 : i32 to index
          %swap3A_323 = arith.index_cast %add3A_153 : i32 to index
          %swap3A_324 = tpu.vector_load %arg8[%swap3A_322, %swap3A_323] {strides = array<i32>} : memref<16x1024xf32, #tpu.memory_space<vmem>>, vector<1x16xf32>,
          %swap3A_325 = vector.shape_cast %swap3A_324 : vector<1x16xf32> to vector<16xf32>
          %swap3A_326 = vector.shape_cast %add3A_321 : vector<16xf32> to vector<1x16xf32>
          tpu.vector_store %arg8[%swap3A_322, %swap3A_323], %swap3A_326 {strides = array<i32>} : memref<16x1024xf32, #tpu.memory_space<vmem>>, vector<1x16xf32>,
        }
        %scan3A_104 = arith.constant 8 : i32
      } else {
      }
      %ne3A_88 = arith.cmpi ne, %squeeze3A_81, %squeeze3A_83 : i32
      %convert_element_type3A_89 = arith.extui %ne3A_88 : i1 to i32
      %cond3A_90 = arith.constant 0 : i32
      %cond3A_91 = arith.cmpi ne, %convert_element_type3A_89, %cond3A_90 : i32
      scf.if %cond3A_91 {
        %mul3A_99 = arith.constant 16 : i32
        %mul3A_100 = arith.muli %add3A_65, %mul3A_99 : i32
        %add3A_101 = arith.constant 0 : i32
        %add3A_102 = arith.addi %mul3A_100, %add3A_101 : i32
        %get3A_103 = arith.index_cast %add3A_102 : i32 to index
        %get3A_104 = tpu.vector_load %arg5[%get3A_103] {strides = array<i32>} : memref<160xi32, #tpu.memory_space<vmem>>, vector<16xi32>,
        %get3A_105 = vector.shape_cast %get3A_104 : vector<16xi32> to vector<16xi32>
        %slice3A_106 = vector.extract_strided_slice %get3A_105 {offsets = [0], sizes = [1], strides = [1]} : vector<16xi32> to vector<1xi32>
        %squeeze3A_107 = vector.extract %slice3A_106[0] : i32 from vector<1xi32>
        %slice3A_108 = vector.extract_strided_slice %get3A_105 {offsets = [1], sizes = [1], strides = [1]} : vector<16xi32> to vector<1xi32>
        %squeeze3A_109 = vector.extract %slice3A_108[0] : i32 from vector<1xi32>
        %slice3A_110 = vector.extract_strided_slice %get3A_105 {offsets = [2], sizes = [1], strides = [1]} : vector<16xi32> to vector<1xi32>
        %squeeze3A_111 = vector.extract %slice3A_110[0] : i32 from vector<1xi32>
        %slice3A_112 = vector.extract_strided_slice %get3A_105 {offsets = [3], sizes = [1], strides = [1]} : vector<16xi32> to vector<1xi32>
        %squeeze3A_113 = vector.extract %slice3A_112[0] : i32 from vector<1xi32>
        %slice3A_114 = vector.extract_strided_slice %get3A_105 {offsets = [4], sizes = [1], strides = [1]} : vector<16xi32> to vector<1xi32>
        %squeeze3A_115 = vector.extract %slice3A_114[0] : i32 from vector<1xi32>
        %slice3A_116 = vector.extract_strided_slice %get3A_105 {offsets = [5], sizes = [1], strides = [1]} : vector<16xi32> to vector<1xi32>
        %squeeze3A_117 = vector.extract %slice3A_116[0] : i32 from vector<1xi32>
        %slice3A_118 = vector.extract_strided_slice %get3A_105 {offsets = [6], sizes = [1], strides = [1]} : vector<16xi32> to vector<1xi32>
        %squeeze3A_119 = vector.extract %slice3A_118[0] : i32 from vector<1xi32>
        %slice3A_120 = vector.extract_strided_slice %get3A_105 {offsets = [7], sizes = [1], strides = [1]} : vector<16xi32> to vector<1xi32>
        %squeeze3A_121 = vector.extract %slice3A_120[0] : i32 from vector<1xi32>
        %slice3A_122 = vector.extract_strided_slice %get3A_105 {offsets = [8], sizes = [1], strides = [1]} : vector<16xi32> to vector<1xi32>
        %squeeze3A_123 = vector.extract %slice3A_122[0] : i32 from vector<1xi32>
        %slice3A_124 = vector.extract_strided_slice %get3A_105 {offsets = [9], sizes = [1], strides = [1]} : vector<16xi32> to vector<1xi32>
        %squeeze3A_125 = vector.extract %slice3A_124[0] : i32 from vector<1xi32>
        %slice3A_126 = vector.extract_strided_slice %get3A_105 {offsets = [10], sizes = [1], strides = [1]} : vector<16xi32> to vector<1xi32>
        %squeeze3A_127 = vector.extract %slice3A_126[0] : i32 from vector<1xi32>
        %slice3A_128 = vector.extract_strided_slice %get3A_105 {offsets = [11], sizes = [1], strides = [1]} : vector<16xi32> to vector<1xi32>
        %squeeze3A_129 = vector.extract %slice3A_128[0] : i32 from vector<1xi32>
        %slice3A_130 = vector.extract_strided_slice %get3A_105 {offsets = [12], sizes = [1], strides = [1]} : vector<16xi32> to vector<1xi32>
        %squeeze3A_131 = vector.extract %slice3A_130[0] : i32 from vector<1xi32>
        %slice3A_132 = vector.extract_strided_slice %get3A_105 {offsets = [13], sizes = [1], strides = [1]} : vector<16xi32> to vector<1xi32>
        %squeeze3A_133 = vector.extract %slice3A_132[0] : i32 from vector<1xi32>
        %slice3A_134 = vector.extract_strided_slice %get3A_105 {offsets = [14], sizes = [1], strides = [1]} : vector<16xi32> to vector<1xi32>
        %squeeze3A_135 = vector.extract %slice3A_134[0] : i32 from vector<1xi32>
        %slice3A_136 = vector.extract_strided_slice %get3A_105 {offsets = [15], sizes = [1], strides = [1]} : vector<16xi32> to vector<1xi32>
        %squeeze3A_137 = vector.extract %slice3A_136[0] : i32 from vector<1xi32>
        %scan3A_138 = arith.constant 0 : i32
        %scan3A_139 = arith.constant 0 : i32
        %scan3A_140 = arith.constant 16 : i32
        %scan3A_141 = arith.addi %scan3A_139, %scan3A_140 : i32
        %scan3A_142 = arith.constant 1 : i32
        %scan3A_143 = scf.for %scan3A_145 = %scan3A_139 to %scan3A_141 step %scan3A_142 iter_args(%scan3A_146 = %scan3A_138) -> (i32)  : i32 {
          %le3A = arith.cmpi sle, %squeeze3A_107, %scan3A_145 : i32
          %convert_element_type3A_147 = arith.extui %le3A : i1 to i32
          %add3A_148 = arith.constant 0 : i32
          %add3A_149 = arith.addi %add3A_148, %convert_element_type3A_147 : i32
          %le3A_150 = arith.cmpi sle, %squeeze3A_109, %scan3A_145 : i32
          %convert_element_type3A_151 = arith.extui %le3A_150 : i1 to i32
          %add3A_152 = arith.addi %add3A_149, %convert_element_type3A_151 : i32
          %le3A_153 = arith.cmpi sle, %squeeze3A_111, %scan3A_145 : i32
          %convert_element_type3A_154 = arith.extui %le3A_153 : i1 to i32
          %add3A_155 = arith.addi %add3A_152, %convert_element_type3A_154 : i32
          %le3A_156 = arith.cmpi sle, %squeeze3A_113, %scan3A_145 : i32
          %convert_element_type3A_157 = arith.extui %le3A_156 : i1 to i32
          %add3A_158 = arith.addi %add3A_155, %convert_element_type3A_157 : i32
          %le3A_159 = arith.cmpi sle, %squeeze3A_115, %scan3A_145 : i32
          %convert_element_type3A_160 = arith.extui %le3A_159 : i1 to i32
          %add3A_161 = arith.addi %add3A_158, %convert_element_type3A_160 : i32
          %le3A_162 = arith.cmpi sle, %squeeze3A_117, %scan3A_145 : i32
          %convert_element_type3A_163 = arith.extui %le3A_162 : i1 to i32
          %add3A_164 = arith.addi %add3A_161, %convert_element_type3A_163 : i32
          %le3A_165 = arith.cmpi sle, %squeeze3A_119, %scan3A_145 : i32
          %convert_element_type3A_166 = arith.extui %le3A_165 : i1 to i32
          %add3A_167 = arith.addi %add3A_164, %convert_element_type3A_166 : i32
          %le3A_168 = arith.cmpi sle, %squeeze3A_121, %scan3A_145 : i32
          %convert_element_type3A_169 = arith.extui %le3A_168 : i1 to i32
          %add3A_170 = arith.addi %add3A_167, %convert_element_type3A_169 : i32
          %le3A_171 = arith.cmpi sle, %squeeze3A_123, %scan3A_145 : i32
          %convert_element_type3A_172 = arith.extui %le3A_171 : i1 to i32
          %add3A_173 = arith.addi %add3A_170, %convert_element_type3A_172 : i32
          %le3A_174 = arith.cmpi sle, %squeeze3A_125, %scan3A_145 : i32
          %convert_element_type3A_175 = arith.extui %le3A_174 : i1 to i32
          %add3A_176 = arith.addi %add3A_173, %convert_element_type3A_175 : i32
          %le3A_177 = arith.cmpi sle, %squeeze3A_127, %scan3A_145 : i32
          %convert_element_type3A_178 = arith.extui %le3A_177 : i1 to i32
          %add3A_179 = arith.addi %add3A_176, %convert_element_type3A_178 : i32
          %le3A_180 = arith.cmpi sle, %squeeze3A_129, %scan3A_145 : i32
          %convert_element_type3A_181 = arith.extui %le3A_180 : i1 to i32
          %add3A_182 = arith.addi %add3A_179, %convert_element_type3A_181 : i32
          %le3A_183 = arith.cmpi sle, %squeeze3A_131, %scan3A_145 : i32
          %convert_element_type3A_184 = arith.extui %le3A_183 : i1 to i32
          %add3A_185 = arith.addi %add3A_182, %convert_element_type3A_184 : i32
          %le3A_186 = arith.cmpi sle, %squeeze3A_133, %scan3A_145 : i32
          %convert_element_type3A_187 = arith.extui %le3A_186 : i1 to i32
          %add3A_188 = arith.addi %add3A_185, %convert_element_type3A_187 : i32
          %le3A_189 = arith.cmpi sle, %squeeze3A_135, %scan3A_145 : i32
          %convert_element_type3A_190 = arith.extui %le3A_189 : i1 to i32
          %add3A_191 = arith.addi %add3A_188, %convert_element_type3A_190 : i32
          %le3A_192 = arith.cmpi sle, %squeeze3A_137, %scan3A_145 : i32
          %convert_element_type3A_193 = arith.extui %le3A_192 : i1 to i32
          %add3A_194 = arith.addi %add3A_191, %convert_element_type3A_193 : i32
          %gt3A = arith.cmpi sgt, %add3A_194, %scan3A_146 : i32
          %convert_element_type3A_195 = arith.extui %gt3A : i1 to i32
          %cond3A_196 = arith.constant 0 : i32
          %cond3A_197 = arith.cmpi ne, %convert_element_type3A_195, %cond3A_196 : i32
          scf.if %cond3A_197 {
            %while3A = arith.constant 0 : i32
            %while3A_198 = arith.subi %add3A_194, %scan3A_146 : i32
            %while3A_199 = arith.addi %scan3A_146, %while3A_198 : i32
            %while3A_200 = arith.constant 1 : i32
            %while3A_201 = arith.divsi %while3A_198, %while3A_200 : i32
            %while3A_202 = arith.muli %while3A_201, %while3A_200 : i32
            %while3A_203 = arith.addi %scan3A_146, %while3A_202 : i32
            %while3A_204 = arith.constant 1 : i32
            scf.for %while3A_206 = %scan3A_146 to %while3A_203 step %while3A_204  : i32 {
              %scan3A_207 = arith.constant 0 : i32
              %scan3A_208 = arith.constant 0 : i32
              %scan3A_209 = arith.constant 8 : i32
              %scan3A_210 = arith.addi %scan3A_208, %scan3A_209 : i32
              %scan3A_211 = arith.constant 1 : i32
              scf.for %scan3A_213 = %scan3A_208 to %scan3A_210 step %scan3A_211  : i32 {
                %mul3A_214 = arith.constant 8 : i32
                %mul3A_215 = arith.muli %scan3A_213, %mul3A_214 : i32
                %mul3A_216 = arith.constant 16 : i32
                %mul3A_217 = arith.muli %mul3A_215, %mul3A_216 : i32
                %add3A_218 = arith.constant 0 : i32
                %add3A_219 = arith.addi %mul3A_217, %add3A_218 : i32
                %get3A_220 = arith.index_cast %scan3A_145 : i32 to index
                %get3A_221 = arith.index_cast %add3A_219 : i32 to index
                %get3A_222 = tpu.vector_load %arg8[%get3A_220, %get3A_221] {strides = array<i32>} : memref<16x1024xf32, #tpu.memory_space<vmem>>, vector<1x16xf32>,
                %get3A_223 = vector.shape_cast %get3A_222 : vector<1x16xf32> to vector<16xf32>
                %get3A_224 = arith.index_cast %while3A_206 : i32 to index
                %get3A_225 = arith.index_cast %add3A_219 : i32 to index
                %get3A_226 = tpu.vector_load %arg7[%get3A_224, %get3A_225] {strides = array<i32>} : memref<16x1024xf32, #tpu.memory_space<vmem>>, vector<1x16xf32>,
                %get3A_227 = vector.shape_cast %get3A_226 : vector<1x16xf32> to vector<16xf32>
                %add3A_228 = arith.addf %get3A_223, %get3A_227 : vector<16xf32>
                %swap3A = arith.index_cast %scan3A_145 : i32 to index
                %swap3A_229 = arith.index_cast %add3A_219 : i32 to index
                %swap3A_230 = tpu.vector_load %arg8[%swap3A, %swap3A_229] {strides = array<i32>} : memref<16x1024xf32, #tpu.memory_space<vmem>>, vector<1x16xf32>,
                %swap3A_231 = vector.shape_cast %swap3A_230 : vector<1x16xf32> to vector<16xf32>
                %swap3A_232 = vector.shape_cast %add3A_228 : vector<16xf32> to vector<1x16xf32>
                tpu.vector_store %arg8[%swap3A, %swap3A_229], %swap3A_232 {strides = array<i32>} : memref<16x1024xf32, #tpu.memory_space<vmem>>, vector<1x16xf32>,
                %mul3A_233 = arith.constant 8 : i32
                %mul3A_234 = arith.muli %scan3A_213, %mul3A_233 : i32
                %mul3A_235 = arith.constant 16 : i32
                %mul3A_236 = arith.muli %mul3A_234, %mul3A_235 : i32
                %add3A_237 = arith.constant 16 : i32
                %add3A_238 = arith.addi %mul3A_236, %add3A_237 : i32
                %get3A_239 = arith.index_cast %scan3A_145 : i32 to index
                %get3A_240 = arith.index_cast %add3A_238 : i32 to index
                %get3A_241 = tpu.vector_load %arg8[%get3A_239, %get3A_240] {strides = array<i32>} : memref<16x1024xf32, #tpu.memory_space<vmem>>, vector<1x16xf32>,
                %get3A_242 = vector.shape_cast %get3A_241 : vector<1x16xf32> to vector<16xf32>
                %get3A_243 = arith.index_cast %while3A_206 : i32 to index
                %get3A_244 = arith.index_cast %add3A_238 : i32 to index
                %get3A_245 = tpu.vector_load %arg7[%get3A_243, %get3A_244] {strides = array<i32>} : memref<16x1024xf32, #tpu.memory_space<vmem>>, vector<1x16xf32>,
                %get3A_246 = vector.shape_cast %get3A_245 : vector<1x16xf32> to vector<16xf32>
                %add3A_247 = arith.addf %get3A_242, %get3A_246 : vector<16xf32>
                %swap3A_248 = arith.index_cast %scan3A_145 : i32 to index
                %swap3A_249 = arith.index_cast %add3A_238 : i32 to index
                %swap3A_250 = tpu.vector_load %arg8[%swap3A_248, %swap3A_249] {strides = array<i32>} : memref<16x1024xf32, #tpu.memory_space<vmem>>, vector<1x16xf32>,
                %swap3A_251 = vector.shape_cast %swap3A_250 : vector<1x16xf32> to vector<16xf32>
                %swap3A_252 = vector.shape_cast %add3A_247 : vector<16xf32> to vector<1x16xf32>
                tpu.vector_store %arg8[%swap3A_248, %swap3A_249], %swap3A_252 {strides = array<i32>} : memref<16x1024xf32, #tpu.memory_space<vmem>>, vector<1x16xf32>,
                %mul3A_253 = arith.constant 8 : i32
                %mul3A_254 = arith.muli %scan3A_213, %mul3A_253 : i32
                %mul3A_255 = arith.constant 16 : i32
                %mul3A_256 = arith.muli %mul3A_254, %mul3A_255 : i32
                %add3A_257 = arith.constant 32 : i32
                %add3A_258 = arith.addi %mul3A_256, %add3A_257 : i32
                %get3A_259 = arith.index_cast %scan3A_145 : i32 to index
                %get3A_260 = arith.index_cast %add3A_258 : i32 to index
                %get3A_261 = tpu.vector_load %arg8[%get3A_259, %get3A_260] {strides = array<i32>} : memref<16x1024xf32, #tpu.memory_space<vmem>>, vector<1x16xf32>,
                %get3A_262 = vector.shape_cast %get3A_261 : vector<1x16xf32> to vector<16xf32>
                %get3A_263 = arith.index_cast %while3A_206 : i32 to index
                %get3A_264 = arith.index_cast %add3A_258 : i32 to index
                %get3A_265 = tpu.vector_load %arg7[%get3A_263, %get3A_264] {strides = array<i32>} : memref<16x1024xf32, #tpu.memory_space<vmem>>, vector<1x16xf32>,
                %get3A_266 = vector.shape_cast %get3A_265 : vector<1x16xf32> to vector<16xf32>
                %add3A_267 = arith.addf %get3A_262, %get3A_266 : vector<16xf32>
                %swap3A_268 = arith.index_cast %scan3A_145 : i32 to index
                %swap3A_269 = arith.index_cast %add3A_258 : i32 to index
                %swap3A_270 = tpu.vector_load %arg8[%swap3A_268, %swap3A_269] {strides = array<i32>} : memref<16x1024xf32, #tpu.memory_space<vmem>>, vector<1x16xf32>,
                %swap3A_271 = vector.shape_cast %swap3A_270 : vector<1x16xf32> to vector<16xf32>
                %swap3A_272 = vector.shape_cast %add3A_267 : vector<16xf32> to vector<1x16xf32>
                tpu.vector_store %arg8[%swap3A_268, %swap3A_269], %swap3A_272 {strides = array<i32>} : memref<16x1024xf32, #tpu.memory_space<vmem>>, vector<1x16xf32>,
                %mul3A_273 = arith.constant 8 : i32
                %mul3A_274 = arith.muli %scan3A_213, %mul3A_273 : i32
                %mul3A_275 = arith.constant 16 : i32
                %mul3A_276 = arith.muli %mul3A_274, %mul3A_275 : i32
                %add3A_277 = arith.constant 48 : i32
                %add3A_278 = arith.addi %mul3A_276, %add3A_277 : i32
                %get3A_279 = arith.index_cast %scan3A_145 : i32 to index
                %get3A_280 = arith.index_cast %add3A_278 : i32 to index
                %get3A_281 = tpu.vector_load %arg8[%get3A_279, %get3A_280] {strides = array<i32>} : memref<16x1024xf32, #tpu.memory_space<vmem>>, vector<1x16xf32>,
                %get3A_282 = vector.shape_cast %get3A_281 : vector<1x16xf32> to vector<16xf32>
                %get3A_283 = arith.index_cast %while3A_206 : i32 to index
                %get3A_284 = arith.index_cast %add3A_278 : i32 to index
                %get3A_285 = tpu.vector_load %arg7[%get3A_283, %get3A_284] {strides = array<i32>} : memref<16x1024xf32, #tpu.memory_space<vmem>>, vector<1x16xf32>,
                %get3A_286 = vector.shape_cast %get3A_285 : vector<1x16xf32> to vector<16xf32>
                %add3A_287 = arith.addf %get3A_282, %get3A_286 : vector<16xf32>
                %swap3A_288 = arith.index_cast %scan3A_145 : i32 to index
                %swap3A_289 = arith.index_cast %add3A_278 : i32 to index
                %swap3A_290 = tpu.vector_load %arg8[%swap3A_288, %swap3A_289] {strides = array<i32>} : memref<16x1024xf32, #tpu.memory_space<vmem>>, vector<1x16xf32>,
                %swap3A_291 = vector.shape_cast %swap3A_290 : vector<1x16xf32> to vector<16xf32>
                %swap3A_292 = vector.shape_cast %add3A_287 : vector<16xf32> to vector<1x16xf32>
                tpu.vector_store %arg8[%swap3A_288, %swap3A_289], %swap3A_292 {strides = array<i32>} : memref<16x1024xf32, #tpu.memory_space<vmem>>, vector<1x16xf32>,
                %mul3A_293 = arith.constant 8 : i32
                %mul3A_294 = arith.muli %scan3A_213, %mul3A_293 : i32
                %mul3A_295 = arith.constant 16 : i32
                %mul3A_296 = arith.muli %mul3A_294, %mul3A_295 : i32
                %add3A_297 = arith.constant 64 : i32
                %add3A_298 = arith.addi %mul3A_296, %add3A_297 : i32
                %get3A_299 = arith.index_cast %scan3A_145 : i32 to index
                %get3A_300 = arith.index_cast %add3A_298 : i32 to index
                %get3A_301 = tpu.vector_load %arg8[%get3A_299, %get3A_300] {strides = array<i32>} : memref<16x1024xf32, #tpu.memory_space<vmem>>, vector<1x16xf32>,
                %get3A_302 = vector.shape_cast %get3A_301 : vector<1x16xf32> to vector<16xf32>
                %get3A_303 = arith.index_cast %while3A_206 : i32 to index
                %get3A_304 = arith.index_cast %add3A_298 : i32 to index
                %get3A_305 = tpu.vector_load %arg7[%get3A_303, %get3A_304] {strides = array<i32>} : memref<16x1024xf32, #tpu.memory_space<vmem>>, vector<1x16xf32>,
                %get3A_306 = vector.shape_cast %get3A_305 : vector<1x16xf32> to vector<16xf32>
                %add3A_307 = arith.addf %get3A_302, %get3A_306 : vector<16xf32>
                %swap3A_308 = arith.index_cast %scan3A_145 : i32 to index
                %swap3A_309 = arith.index_cast %add3A_298 : i32 to index
                %swap3A_310 = tpu.vector_load %arg8[%swap3A_308, %swap3A_309] {strides = array<i32>} : memref<16x1024xf32, #tpu.memory_space<vmem>>, vector<1x16xf32>,
                %swap3A_311 = vector.shape_cast %swap3A_310 : vector<1x16xf32> to vector<16xf32>
                %swap3A_312 = vector.shape_cast %add3A_307 : vector<16xf32> to vector<1x16xf32>
                tpu.vector_store %arg8[%swap3A_308, %swap3A_309], %swap3A_312 {strides = array<i32>} : memref<16x1024xf32, #tpu.memory_space<vmem>>, vector<1x16xf32>,
                %mul3A_313 = arith.constant 8 : i32
                %mul3A_314 = arith.muli %scan3A_213, %mul3A_313 : i32
                %mul3A_315 = arith.constant 16 : i32
                %mul3A_316 = arith.muli %mul3A_314, %mul3A_315 : i32
                %add3A_317 = arith.constant 80 : i32
                %add3A_318 = arith.addi %mul3A_316, %add3A_317 : i32
                %get3A_319 = arith.index_cast %scan3A_145 : i32 to index
                %get3A_320 = arith.index_cast %add3A_318 : i32 to index
                %get3A_321 = tpu.vector_load %arg8[%get3A_319, %get3A_320] {strides = array<i32>} : memref<16x1024xf32, #tpu.memory_space<vmem>>, vector<1x16xf32>,
                %get3A_322 = vector.shape_cast %get3A_321 : vector<1x16xf32> to vector<16xf32>
                %get3A_323 = arith.index_cast %while3A_206 : i32 to index
                %get3A_324 = arith.index_cast %add3A_318 : i32 to index
                %get3A_325 = tpu.vector_load %arg7[%get3A_323, %get3A_324] {strides = array<i32>} : memref<16x1024xf32, #tpu.memory_space<vmem>>, vector<1x16xf32>,
                %get3A_326 = vector.shape_cast %get3A_325 : vector<1x16xf32> to vector<16xf32>
                %add3A_327 = arith.addf %get3A_322, %get3A_326 : vector<16xf32>
                %swap3A_328 = arith.index_cast %scan3A_145 : i32 to index
                %swap3A_329 = arith.index_cast %add3A_318 : i32 to index
                %swap3A_330 = tpu.vector_load %arg8[%swap3A_328, %swap3A_329] {strides = array<i32>} : memref<16x1024xf32, #tpu.memory_space<vmem>>, vector<1x16xf32>,
                %swap3A_331 = vector.shape_cast %swap3A_330 : vector<1x16xf32> to vector<16xf32>
                %swap3A_332 = vector.shape_cast %add3A_327 : vector<16xf32> to vector<1x16xf32>
                tpu.vector_store %arg8[%swap3A_328, %swap3A_329], %swap3A_332 {strides = array<i32>} : memref<16x1024xf32, #tpu.memory_space<vmem>>, vector<1x16xf32>,
                %mul3A_333 = arith.constant 8 : i32
                %mul3A_334 = arith.muli %scan3A_213, %mul3A_333 : i32
                %mul3A_335 = arith.constant 16 : i32
                %mul3A_336 = arith.muli %mul3A_334, %mul3A_335 : i32
                %add3A_337 = arith.constant 96 : i32
                %add3A_338 = arith.addi %mul3A_336, %add3A_337 : i32
                %get3A_339 = arith.index_cast %scan3A_145 : i32 to index
                %get3A_340 = arith.index_cast %add3A_338 : i32 to index
                %get3A_341 = tpu.vector_load %arg8[%get3A_339, %get3A_340] {strides = array<i32>} : memref<16x1024xf32, #tpu.memory_space<vmem>>, vector<1x16xf32>,
                %get3A_342 = vector.shape_cast %get3A_341 : vector<1x16xf32> to vector<16xf32>
                %get3A_343 = arith.index_cast %while3A_206 : i32 to index
                %get3A_344 = arith.index_cast %add3A_338 : i32 to index
                %get3A_345 = tpu.vector_load %arg7[%get3A_343, %get3A_344] {strides = array<i32>} : memref<16x1024xf32, #tpu.memory_space<vmem>>, vector<1x16xf32>,
                %get3A_346 = vector.shape_cast %get3A_345 : vector<1x16xf32> to vector<16xf32>
                %add3A_347 = arith.addf %get3A_342, %get3A_346 : vector<16xf32>
                %swap3A_348 = arith.index_cast %scan3A_145 : i32 to index
                %swap3A_349 = arith.index_cast %add3A_338 : i32 to index
                %swap3A_350 = tpu.vector_load %arg8[%swap3A_348, %swap3A_349] {strides = array<i32>} : memref<16x1024xf32, #tpu.memory_space<vmem>>, vector<1x16xf32>,
                %swap3A_351 = vector.shape_cast %swap3A_350 : vector<1x16xf32> to vector<16xf32>
                %swap3A_352 = vector.shape_cast %add3A_347 : vector<16xf32> to vector<1x16xf32>
                tpu.vector_store %arg8[%swap3A_348, %swap3A_349], %swap3A_352 {strides = array<i32>} : memref<16x1024xf32, #tpu.memory_space<vmem>>, vector<1x16xf32>,
                %mul3A_353 = arith.constant 8 : i32
                %mul3A_354 = arith.muli %scan3A_213, %mul3A_353 : i32
                %mul3A_355 = arith.constant 16 : i32
                %mul3A_356 = arith.muli %mul3A_354, %mul3A_355 : i32
                %add3A_357 = arith.constant 112 : i32
                %add3A_358 = arith.addi %mul3A_356, %add3A_357 : i32
                %get3A_359 = arith.index_cast %scan3A_145 : i32 to index
                %get3A_360 = arith.index_cast %add3A_358 : i32 to index
                %get3A_361 = tpu.vector_load %arg8[%get3A_359, %get3A_360] {strides = array<i32>} : memref<16x1024xf32, #tpu.memory_space<vmem>>, vector<1x16xf32>,
                %get3A_362 = vector.shape_cast %get3A_361 : vector<1x16xf32> to vector<16xf32>
                %get3A_363 = arith.index_cast %while3A_206 : i32 to index
                %get3A_364 = arith.index_cast %add3A_358 : i32 to index
                %get3A_365 = tpu.vector_load %arg7[%get3A_363, %get3A_364] {strides = array<i32>} : memref<16x1024xf32, #tpu.memory_space<vmem>>, vector<1x16xf32>,
                %get3A_366 = vector.shape_cast %get3A_365 : vector<1x16xf32> to vector<16xf32>
                %add3A_367 = arith.addf %get3A_362, %get3A_366 : vector<16xf32>
                %swap3A_368 = arith.index_cast %scan3A_145 : i32 to index
                %swap3A_369 = arith.index_cast %add3A_358 : i32 to index
                %swap3A_370 = tpu.vector_load %arg8[%swap3A_368, %swap3A_369] {strides = array<i32>} : memref<16x1024xf32, #tpu.memory_space<vmem>>, vector<1x16xf32>,
                %swap3A_371 = vector.shape_cast %swap3A_370 : vector<1x16xf32> to vector<16xf32>
                %swap3A_372 = vector.shape_cast %add3A_367 : vector<16xf32> to vector<1x16xf32>
                tpu.vector_store %arg8[%swap3A_368, %swap3A_369], %swap3A_372 {strides = array<i32>} : memref<16x1024xf32, #tpu.memory_space<vmem>>, vector<1x16xf32>,
              }
              %scan3A_212 = arith.constant 8 : i32
            }
            %while3A_205 = arith.constant 1 : i32
            scf.for %while3A_206 = %while3A_203 to %while3A_199 step %while3A_205  : i32 {
              %scan3A_207 = arith.constant 0 : i32
              %scan3A_208 = arith.constant 0 : i32
              %scan3A_209 = arith.constant 8 : i32
              %scan3A_210 = arith.addi %scan3A_208, %scan3A_209 : i32
              %scan3A_211 = arith.constant 1 : i32
              scf.for %scan3A_213 = %scan3A_208 to %scan3A_210 step %scan3A_211  : i32 {
                %mul3A_214 = arith.constant 8 : i32
                %mul3A_215 = arith.muli %scan3A_213, %mul3A_214 : i32
                %mul3A_216 = arith.constant 16 : i32
                %mul3A_217 = arith.muli %mul3A_215, %mul3A_216 : i32
                %add3A_218 = arith.constant 0 : i32
                %add3A_219 = arith.addi %mul3A_217, %add3A_218 : i32
                %get3A_220 = arith.index_cast %scan3A_145 : i32 to index
                %get3A_221 = arith.index_cast %add3A_219 : i32 to index
                %get3A_222 = tpu.vector_load %arg8[%get3A_220, %get3A_221] {strides = array<i32>} : memref<16x1024xf32, #tpu.memory_space<vmem>>, vector<1x16xf32>,
                %get3A_223 = vector.shape_cast %get3A_222 : vector<1x16xf32> to vector<16xf32>
                %get3A_224 = arith.index_cast %while3A_206 : i32 to index
                %get3A_225 = arith.index_cast %add3A_219 : i32 to index
                %get3A_226 = tpu.vector_load %arg7[%get3A_224, %get3A_225] {strides = array<i32>} : memref<16x1024xf32, #tpu.memory_space<vmem>>, vector<1x16xf32>,
                %get3A_227 = vector.shape_cast %get3A_226 : vector<1x16xf32> to vector<16xf32>
                %add3A_228 = arith.addf %get3A_223, %get3A_227 : vector<16xf32>
                %swap3A = arith.index_cast %scan3A_145 : i32 to index
                %swap3A_229 = arith.index_cast %add3A_219 : i32 to index
                %swap3A_230 = tpu.vector_load %arg8[%swap3A, %swap3A_229] {strides = array<i32>} : memref<16x1024xf32, #tpu.memory_space<vmem>>, vector<1x16xf32>,
                %swap3A_231 = vector.shape_cast %swap3A_230 : vector<1x16xf32> to vector<16xf32>
                %swap3A_232 = vector.shape_cast %add3A_228 : vector<16xf32> to vector<1x16xf32>
                tpu.vector_store %arg8[%swap3A, %swap3A_229], %swap3A_232 {strides = array<i32>} : memref<16x1024xf32, #tpu.memory_space<vmem>>, vector<1x16xf32>,
                %mul3A_233 = arith.constant 8 : i32
                %mul3A_234 = arith.muli %scan3A_213, %mul3A_233 : i32
                %mul3A_235 = arith.constant 16 : i32
                %mul3A_236 = arith.muli %mul3A_234, %mul3A_235 : i32
                %add3A_237 = arith.constant 16 : i32
                %add3A_238 = arith.addi %mul3A_236, %add3A_237 : i32
                %get3A_239 = arith.index_cast %scan3A_145 : i32 to index
                %get3A_240 = arith.index_cast %add3A_238 : i32 to index
                %get3A_241 = tpu.vector_load %arg8[%get3A_239, %get3A_240] {strides = array<i32>} : memref<16x1024xf32, #tpu.memory_space<vmem>>, vector<1x16xf32>,
                %get3A_242 = vector.shape_cast %get3A_241 : vector<1x16xf32> to vector<16xf32>
                %get3A_243 = arith.index_cast %while3A_206 : i32 to index
                %get3A_244 = arith.index_cast %add3A_238 : i32 to index
                %get3A_245 = tpu.vector_load %arg7[%get3A_243, %get3A_244] {strides = array<i32>} : memref<16x1024xf32, #tpu.memory_space<vmem>>, vector<1x16xf32>,
                %get3A_246 = vector.shape_cast %get3A_245 : vector<1x16xf32> to vector<16xf32>
                %add3A_247 = arith.addf %get3A_242, %get3A_246 : vector<16xf32>
                %swap3A_248 = arith.index_cast %scan3A_145 : i32 to index
                %swap3A_249 = arith.index_cast %add3A_238 : i32 to index
                %swap3A_250 = tpu.vector_load %arg8[%swap3A_248, %swap3A_249] {strides = array<i32>} : memref<16x1024xf32, #tpu.memory_space<vmem>>, vector<1x16xf32>,
                %swap3A_251 = vector.shape_cast %swap3A_250 : vector<1x16xf32> to vector<16xf32>
                %swap3A_252 = vector.shape_cast %add3A_247 : vector<16xf32> to vector<1x16xf32>
                tpu.vector_store %arg8[%swap3A_248, %swap3A_249], %swap3A_252 {strides = array<i32>} : memref<16x1024xf32, #tpu.memory_space<vmem>>, vector<1x16xf32>,
                %mul3A_253 = arith.constant 8 : i32
                %mul3A_254 = arith.muli %scan3A_213, %mul3A_253 : i32
                %mul3A_255 = arith.constant 16 : i32
                %mul3A_256 = arith.muli %mul3A_254, %mul3A_255 : i32
                %add3A_257 = arith.constant 32 : i32
                %add3A_258 = arith.addi %mul3A_256, %add3A_257 : i32
                %get3A_259 = arith.index_cast %scan3A_145 : i32 to index
                %get3A_260 = arith.index_cast %add3A_258 : i32 to index
                %get3A_261 = tpu.vector_load %arg8[%get3A_259, %get3A_260] {strides = array<i32>} : memref<16x1024xf32, #tpu.memory_space<vmem>>, vector<1x16xf32>,
                %get3A_262 = vector.shape_cast %get3A_261 : vector<1x16xf32> to vector<16xf32>
                %get3A_263 = arith.index_cast %while3A_206 : i32 to index
                %get3A_264 = arith.index_cast %add3A_258 : i32 to index
                %get3A_265 = tpu.vector_load %arg7[%get3A_263, %get3A_264] {strides = array<i32>} : memref<16x1024xf32, #tpu.memory_space<vmem>>, vector<1x16xf32>,
                %get3A_266 = vector.shape_cast %get3A_265 : vector<1x16xf32> to vector<16xf32>
                %add3A_267 = arith.addf %get3A_262, %get3A_266 : vector<16xf32>
                %swap3A_268 = arith.index_cast %scan3A_145 : i32 to index
                %swap3A_269 = arith.index_cast %add3A_258 : i32 to index
                %swap3A_270 = tpu.vector_load %arg8[%swap3A_268, %swap3A_269] {strides = array<i32>} : memref<16x1024xf32, #tpu.memory_space<vmem>>, vector<1x16xf32>,
                %swap3A_271 = vector.shape_cast %swap3A_270 : vector<1x16xf32> to vector<16xf32>
                %swap3A_272 = vector.shape_cast %add3A_267 : vector<16xf32> to vector<1x16xf32>
                tpu.vector_store %arg8[%swap3A_268, %swap3A_269], %swap3A_272 {strides = array<i32>} : memref<16x1024xf32, #tpu.memory_space<vmem>>, vector<1x16xf32>,
                %mul3A_273 = arith.constant 8 : i32
                %mul3A_274 = arith.muli %scan3A_213, %mul3A_273 : i32
                %mul3A_275 = arith.constant 16 : i32
                %mul3A_276 = arith.muli %mul3A_274, %mul3A_275 : i32
                %add3A_277 = arith.constant 48 : i32
                %add3A_278 = arith.addi %mul3A_276, %add3A_277 : i32
                %get3A_279 = arith.index_cast %scan3A_145 : i32 to index
                %get3A_280 = arith.index_cast %add3A_278 : i32 to index
                %get3A_281 = tpu.vector_load %arg8[%get3A_279, %get3A_280] {strides = array<i32>} : memref<16x1024xf32, #tpu.memory_space<vmem>>, vector<1x16xf32>,
                %get3A_282 = vector.shape_cast %get3A_281 : vector<1x16xf32> to vector<16xf32>
                %get3A_283 = arith.index_cast %while3A_206 : i32 to index
                %get3A_284 = arith.index_cast %add3A_278 : i32 to index
                %get3A_285 = tpu.vector_load %arg7[%get3A_283, %get3A_284] {strides = array<i32>} : memref<16x1024xf32, #tpu.memory_space<vmem>>, vector<1x16xf32>,
                %get3A_286 = vector.shape_cast %get3A_285 : vector<1x16xf32> to vector<16xf32>
                %add3A_287 = arith.addf %get3A_282, %get3A_286 : vector<16xf32>
                %swap3A_288 = arith.index_cast %scan3A_145 : i32 to index
                %swap3A_289 = arith.index_cast %add3A_278 : i32 to index
                %swap3A_290 = tpu.vector_load %arg8[%swap3A_288, %swap3A_289] {strides = array<i32>} : memref<16x1024xf32, #tpu.memory_space<vmem>>, vector<1x16xf32>,
                %swap3A_291 = vector.shape_cast %swap3A_290 : vector<1x16xf32> to vector<16xf32>
                %swap3A_292 = vector.shape_cast %add3A_287 : vector<16xf32> to vector<1x16xf32>
                tpu.vector_store %arg8[%swap3A_288, %swap3A_289], %swap3A_292 {strides = array<i32>} : memref<16x1024xf32, #tpu.memory_space<vmem>>, vector<1x16xf32>,
                %mul3A_293 = arith.constant 8 : i32
                %mul3A_294 = arith.muli %scan3A_213, %mul3A_293 : i32
                %mul3A_295 = arith.constant 16 : i32
                %mul3A_296 = arith.muli %mul3A_294, %mul3A_295 : i32
                %add3A_297 = arith.constant 64 : i32
                %add3A_298 = arith.addi %mul3A_296, %add3A_297 : i32
                %get3A_299 = arith.index_cast %scan3A_145 : i32 to index
                %get3A_300 = arith.index_cast %add3A_298 : i32 to index
                %get3A_301 = tpu.vector_load %arg8[%get3A_299, %get3A_300] {strides = array<i32>} : memref<16x1024xf32, #tpu.memory_space<vmem>>, vector<1x16xf32>,
                %get3A_302 = vector.shape_cast %get3A_301 : vector<1x16xf32> to vector<16xf32>
                %get3A_303 = arith.index_cast %while3A_206 : i32 to index
                %get3A_304 = arith.index_cast %add3A_298 : i32 to index
                %get3A_305 = tpu.vector_load %arg7[%get3A_303, %get3A_304] {strides = array<i32>} : memref<16x1024xf32, #tpu.memory_space<vmem>>, vector<1x16xf32>,
                %get3A_306 = vector.shape_cast %get3A_305 : vector<1x16xf32> to vector<16xf32>
                %add3A_307 = arith.addf %get3A_302, %get3A_306 : vector<16xf32>
                %swap3A_308 = arith.index_cast %scan3A_145 : i32 to index
                %swap3A_309 = arith.index_cast %add3A_298 : i32 to index
                %swap3A_310 = tpu.vector_load %arg8[%swap3A_308, %swap3A_309] {strides = array<i32>} : memref<16x1024xf32, #tpu.memory_space<vmem>>, vector<1x16xf32>,
                %swap3A_311 = vector.shape_cast %swap3A_310 : vector<1x16xf32> to vector<16xf32>
                %swap3A_312 = vector.shape_cast %add3A_307 : vector<16xf32> to vector<1x16xf32>
                tpu.vector_store %arg8[%swap3A_308, %swap3A_309], %swap3A_312 {strides = array<i32>} : memref<16x1024xf32, #tpu.memory_space<vmem>>, vector<1x16xf32>,
                %mul3A_313 = arith.constant 8 : i32
                %mul3A_314 = arith.muli %scan3A_213, %mul3A_313 : i32
                %mul3A_315 = arith.constant 16 : i32
                %mul3A_316 = arith.muli %mul3A_314, %mul3A_315 : i32
                %add3A_317 = arith.constant 80 : i32
                %add3A_318 = arith.addi %mul3A_316, %add3A_317 : i32
                %get3A_319 = arith.index_cast %scan3A_145 : i32 to index
                %get3A_320 = arith.index_cast %add3A_318 : i32 to index
                %get3A_321 = tpu.vector_load %arg8[%get3A_319, %get3A_320] {strides = array<i32>} : memref<16x1024xf32, #tpu.memory_space<vmem>>, vector<1x16xf32>,
                %get3A_322 = vector.shape_cast %get3A_321 : vector<1x16xf32> to vector<16xf32>
                %get3A_323 = arith.index_cast %while3A_206 : i32 to index
                %get3A_324 = arith.index_cast %add3A_318 : i32 to index
                %get3A_325 = tpu.vector_load %arg7[%get3A_323, %get3A_324] {strides = array<i32>} : memref<16x1024xf32, #tpu.memory_space<vmem>>, vector<1x16xf32>,
                %get3A_326 = vector.shape_cast %get3A_325 : vector<1x16xf32> to vector<16xf32>
                %add3A_327 = arith.addf %get3A_322, %get3A_326 : vector<16xf32>
                %swap3A_328 = arith.index_cast %scan3A_145 : i32 to index
                %swap3A_329 = arith.index_cast %add3A_318 : i32 to index
                %swap3A_330 = tpu.vector_load %arg8[%swap3A_328, %swap3A_329] {strides = array<i32>} : memref<16x1024xf32, #tpu.memory_space<vmem>>, vector<1x16xf32>,
                %swap3A_331 = vector.shape_cast %swap3A_330 : vector<1x16xf32> to vector<16xf32>
                %swap3A_332 = vector.shape_cast %add3A_327 : vector<16xf32> to vector<1x16xf32>
                tpu.vector_store %arg8[%swap3A_328, %swap3A_329], %swap3A_332 {strides = array<i32>} : memref<16x1024xf32, #tpu.memory_space<vmem>>, vector<1x16xf32>,
                %mul3A_333 = arith.constant 8 : i32
                %mul3A_334 = arith.muli %scan3A_213, %mul3A_333 : i32
                %mul3A_335 = arith.constant 16 : i32
                %mul3A_336 = arith.muli %mul3A_334, %mul3A_335 : i32
                %add3A_337 = arith.constant 96 : i32
                %add3A_338 = arith.addi %mul3A_336, %add3A_337 : i32
                %get3A_339 = arith.index_cast %scan3A_145 : i32 to index
                %get3A_340 = arith.index_cast %add3A_338 : i32 to index
                %get3A_341 = tpu.vector_load %arg8[%get3A_339, %get3A_340] {strides = array<i32>} : memref<16x1024xf32, #tpu.memory_space<vmem>>, vector<1x16xf32>,
                %get3A_342 = vector.shape_cast %get3A_341 : vector<1x16xf32> to vector<16xf32>
                %get3A_343 = arith.index_cast %while3A_206 : i32 to index
                %get3A_344 = arith.index_cast %add3A_338 : i32 to index
                %get3A_345 = tpu.vector_load %arg7[%get3A_343, %get3A_344] {strides = array<i32>} : memref<16x1024xf32, #tpu.memory_space<vmem>>, vector<1x16xf32>,
                %get3A_346 = vector.shape_cast %get3A_345 : vector<1x16xf32> to vector<16xf32>
                %add3A_347 = arith.addf %get3A_342, %get3A_346 : vector<16xf32>
                %swap3A_348 = arith.index_cast %scan3A_145 : i32 to index
                %swap3A_349 = arith.index_cast %add3A_338 : i32 to index
                %swap3A_350 = tpu.vector_load %arg8[%swap3A_348, %swap3A_349] {strides = array<i32>} : memref<16x1024xf32, #tpu.memory_space<vmem>>, vector<1x16xf32>,
                %swap3A_351 = vector.shape_cast %swap3A_350 : vector<1x16xf32> to vector<16xf32>
                %swap3A_352 = vector.shape_cast %add3A_347 : vector<16xf32> to vector<1x16xf32>
                tpu.vector_store %arg8[%swap3A_348, %swap3A_349], %swap3A_352 {strides = array<i32>} : memref<16x1024xf32, #tpu.memory_space<vmem>>, vector<1x16xf32>,
                %mul3A_353 = arith.constant 8 : i32
                %mul3A_354 = arith.muli %scan3A_213, %mul3A_353 : i32
                %mul3A_355 = arith.constant 16 : i32
                %mul3A_356 = arith.muli %mul3A_354, %mul3A_355 : i32
                %add3A_357 = arith.constant 112 : i32
                %add3A_358 = arith.addi %mul3A_356, %add3A_357 : i32
                %get3A_359 = arith.index_cast %scan3A_145 : i32 to index
                %get3A_360 = arith.index_cast %add3A_358 : i32 to index
                %get3A_361 = tpu.vector_load %arg8[%get3A_359, %get3A_360] {strides = array<i32>} : memref<16x1024xf32, #tpu.memory_space<vmem>>, vector<1x16xf32>,
                %get3A_362 = vector.shape_cast %get3A_361 : vector<1x16xf32> to vector<16xf32>
                %get3A_363 = arith.index_cast %while3A_206 : i32 to index
                %get3A_364 = arith.index_cast %add3A_358 : i32 to index
                %get3A_365 = tpu.vector_load %arg7[%get3A_363, %get3A_364] {strides = array<i32>} : memref<16x1024xf32, #tpu.memory_space<vmem>>, vector<1x16xf32>,
                %get3A_366 = vector.shape_cast %get3A_365 : vector<1x16xf32> to vector<16xf32>
                %add3A_367 = arith.addf %get3A_362, %get3A_366 : vector<16xf32>
                %swap3A_368 = arith.index_cast %scan3A_145 : i32 to index
                %swap3A_369 = arith.index_cast %add3A_358 : i32 to index
                %swap3A_370 = tpu.vector_load %arg8[%swap3A_368, %swap3A_369] {strides = array<i32>} : memref<16x1024xf32, #tpu.memory_space<vmem>>, vector<1x16xf32>,
                %swap3A_371 = vector.shape_cast %swap3A_370 : vector<1x16xf32> to vector<16xf32>
                %swap3A_372 = vector.shape_cast %add3A_367 : vector<16xf32> to vector<1x16xf32>
                tpu.vector_store %arg8[%swap3A_368, %swap3A_369], %swap3A_372 {strides = array<i32>} : memref<16x1024xf32, #tpu.memory_space<vmem>>, vector<1x16xf32>,
              }
              %scan3A_212 = arith.constant 8 : i32
            }
          } else {
          }
          scf.yield %add3A_194 : i32
        }
        %scan3A_144 = arith.constant 16 : i32
      } else {
      }
      %add3A_92 = arith.constant 3 : i32
      %add3A_93 = arith.addi %mul3A_31, %add3A_92 : i32
      %lt3A_94 = arith.constant 10 : i32
      %lt3A_95 = arith.cmpi slt, %add3A_93, %lt3A_94 : i32
      %convert_element_type3A_96 = arith.extui %lt3A_95 : i1 to i32
      %cond3A_97 = arith.constant 0 : i32
      %cond3A_98 = arith.cmpi ne, %convert_element_type3A_96, %cond3A_97 : i32
      scf.if %cond3A_98 {
        %add3A_99 = arith.constant 3 : i32
        %add3A_100 = arith.addi %mul3A_31, %add3A_99 : i32
        %mul3A_101 = arith.constant 16 : i32
        %mul3A_102 = arith.muli %add3A_100, %mul3A_101 : i32
        %add3A_103 = arith.addi %mul3A_2, %mul3A_102 : i32
        %dma_start3A_104 = arith.constant 0 : i32
        %dma_start3A_105 = tpu.memref_slice %arg2[%add3A_103, %dma_start3A_104] : memref<16384x1024xf32, #tpu.memory_space<hbm>> -> memref<16x1024xf32, #tpu.memory_space<hbm>>
        %dma_start3A_106 = arith.constant 0 : i32
        %dma_start3A_107 = tpu.memref_slice %arg2[%add3A_103, %dma_start3A_106] : memref<16384x1024xf32, #tpu.memory_space<hbm>> -> memref<16x1024xf32, #tpu.memory_space<hbm>>
        tpu.enqueue_dma source(%dma_start3A_107 : memref<16x1024xf32, #tpu.memory_space<hbm>>) target(%arg7 : memref<16x1024xf32, #tpu.memory_space<vmem>>) target_semaphore(%arg10 : memref<!tpu.dma_semaphore, #tpu.memory_space<semaphore_mem>>)
      } else {
      }
    }
    %scan3A_28 = arith.constant 5 : i32
    "tpu.region"() ({
      %run_scoped3A = tpu.sem_alloc : memref<!tpu.dma_semaphore, #tpu.memory_space<semaphore_mem>>
      %dma_start3A_29 = arith.constant 0 : i32
      %dma_start3A_30 = arith.constant 0 : i32
      %dma_start3A_31 = tpu.memref_slice %arg4[%add3A, %dma_start3A_29, %dma_start3A_30] : memref<32x16x1024xf32, #tpu.memory_space<hbm>> -> memref<1x16x1024xf32, #tpu.memory_space<hbm>>
      %dma_start3A_32 = tpu.memref_squeeze %dma_start3A_31 : memref<1x16x1024xf32, #tpu.memory_space<hbm>> -> memref<16x1024xf32, #tpu.memory_space<hbm>>
      %dma_start3A_33 = arith.constant 0 : i32
      %dma_start3A_34 = arith.constant 0 : i32
      %dma_start3A_35 = tpu.memref_slice %arg4[%add3A, %dma_start3A_33, %dma_start3A_34] : memref<32x16x1024xf32, #tpu.memory_space<hbm>> -> memref<1x16x1024xf32, #tpu.memory_space<hbm>>
      %dma_start3A_36 = tpu.memref_squeeze %dma_start3A_35 : memref<1x16x1024xf32, #tpu.memory_space<hbm>> -> memref<16x1024xf32, #tpu.memory_space<hbm>>
      tpu.enqueue_dma source(%arg8 : memref<16x1024xf32, #tpu.memory_space<vmem>>) target(%dma_start3A_36 : memref<16x1024xf32, #tpu.memory_space<hbm>>) target_semaphore(%run_scoped3A : memref<!tpu.dma_semaphore, #tpu.memory_space<semaphore_mem>>)
      %dma_wait3A_37 = arith.constant 0 : i32
      %dma_wait3A_38 = arith.constant 0 : i32
      %dma_wait3A_39 = tpu.memref_slice %arg4[%add3A, %dma_wait3A_37, %dma_wait3A_38] : memref<32x16x1024xf32, #tpu.memory_space<hbm>> -> memref<1x16x1024xf32, #tpu.memory_space<hbm>>
      %dma_wait3A_40 = tpu.memref_squeeze %dma_wait3A_39 : memref<1x16x1024xf32, #tpu.memory_space<hbm>> -> memref<16x1024xf32, #tpu.memory_space<hbm>>
      %dma_wait3A_41 = arith.constant 0 : i32
      %dma_wait3A_42 = arith.constant 0 : i32
      %dma_wait3A_43 = tpu.memref_slice %arg4[%add3A, %dma_wait3A_41, %dma_wait3A_42] : memref<32x16x1024xf32, #tpu.memory_space<hbm>> -> memref<1x16x1024xf32, #tpu.memory_space<hbm>>
      %dma_wait3A_44 = tpu.memref_squeeze %dma_wait3A_43 : memref<1x16x1024xf32, #tpu.memory_space<hbm>> -> memref<16x1024xf32, #tpu.memory_space<hbm>>
      tpu.wait_dma2 semaphore(%run_scoped3A : memref<!tpu.dma_semaphore, #tpu.memory_space<semaphore_mem>>) src(%arg8 : memref<16x1024xf32, #tpu.memory_space<vmem>>) dst(%dma_wait3A_44 : memref<16x1024xf32, #tpu.memory_space<hbm>>)
      tpu.yield
    }) : () -> ()
    return
  }
}

module attributes {stable_mosaic.version = 14 : i64} {
  func.func @_tc_sums_body(%arg0: i32, %arg1: memref<512x1024xf32, #tpu.memory_space<vmem>>, %arg2: memref<1x512xi32, #tpu.memory_space<vmem>>, %arg3: memref<16x1024xf32, #tpu.memory_space<vmem>>, %arg4: memref<16x1024xf32, #tpu.memory_space<vmem>>) attributes {dimension_semantics = [#tpu.dimension_semantics<arbitrary>], iteration_bounds = array<i64: 22>, scalar_prefetch = 0 : i64, scratch_operands = 1 : i64, tpu.core_type = #tpu.core_type<tc>, window_params = [{transform_indices = @transform_0, window_bounds = array<i64: 512, 1024>}, {transform_indices = @transform_1, window_bounds = array<i64: 1, 512>}, {pipeline_mode = #tpu.pipeline_mode<synchronous>, transform_indices = @transform_2, window_bounds = array<i64: 16, 1024>}]} {
    %get3A = arith.constant 0 : index
    %get3A_0 = arith.constant 0 : index
    %get3A_1 = vector.load %arg2[%get3A, %get3A_0] : memref<1x512xi32, #tpu.memory_space<vmem>>, vector<1x512xi32>
    %iota3A = tpu.iota {dimensions = array<i32: 0>} : vector<16x512xi32>
    %eq3A = vector.broadcast %get3A_1 : vector<1x512xi32> to vector<16x512xi32>
    %eq3A_2 = arith.cmpi eq, %eq3A, %iota3A : vector<16x512xi32>
    %convert_element_type3A = arith.extui %eq3A_2 : vector<16x512xi1> to vector<16x512xi32>
    %convert_element_type3A_3 = arith.sitofp %convert_element_type3A : vector<16x512xi32> to vector<16x512xf32>
    %get3A_4 = arith.constant 0 : index
    %get3A_5 = arith.constant 0 : index
    %get3A_6 = vector.load %arg1[%get3A_4, %get3A_5] : memref<512x1024xf32, #tpu.memory_space<vmem>>, vector<512x1024xf32>
    %dot_general3A = arith.constant dense<0.000000e+00> : vector<16x1024xf32>
    %dot_general3A_7 = tpu.matmul %convert_element_type3A_3, %get3A_6, %dot_general3A {dimension_numbers = #tpu.dot_dimension_numbers<[1], [0], [0], [1], [0, 0, 1, 1], [], []>, transpose_lhs_hint = false} : vector<16x512xf32>, vector<512x1024xf32>, vector<16x1024xf32> -> vector<16x1024xf32>
    %eq3A_8 = arith.constant 0 : i32
    %eq3A_9 = arith.cmpi eq, %arg0, %eq3A_8 : i32
    %convert_element_type3A_10 = arith.extui %eq3A_9 : i1 to i32
    %cond3A = arith.constant 0 : i32
    %cond3A_11 = arith.cmpi ne, %convert_element_type3A_10, %cond3A : i32
    scf.if %cond3A_11 {
      %broadcast_in_dim3A = arith.constant 0.000000e+00 : f32
      %broadcast_in_dim3A_22 = vector.broadcast %broadcast_in_dim3A : f32 to vector<16x1024xf32>
      %swap3A_23 = arith.constant 0 : index
      %swap3A_24 = arith.constant 0 : index
      %swap3A_25 = vector.load %arg4[%swap3A_23, %swap3A_24] : memref<16x1024xf32, #tpu.memory_space<vmem>>, vector<16x1024xf32>
      tpu.vector_store %arg4[%swap3A_23, %swap3A_24], %broadcast_in_dim3A_22 {strides = array<i32>} : memref<16x1024xf32, #tpu.memory_space<vmem>>, vector<16x1024xf32>,
    } else {
    }
    %get3A_12 = arith.constant 0 : index
    %get3A_13 = arith.constant 0 : index
    %get3A_14 = vector.load %arg4[%get3A_12, %get3A_13] : memref<16x1024xf32, #tpu.memory_space<vmem>>, vector<16x1024xf32>
    %add3A = arith.addf %get3A_14, %dot_general3A_7 : vector<16x1024xf32>
    %swap3A = arith.constant 0 : index
    %swap3A_15 = arith.constant 0 : index
    %swap3A_16 = vector.load %arg4[%swap3A, %swap3A_15] : memref<16x1024xf32, #tpu.memory_space<vmem>>, vector<16x1024xf32>
    tpu.vector_store %arg4[%swap3A, %swap3A_15], %add3A {strides = array<i32>} : memref<16x1024xf32, #tpu.memory_space<vmem>>, vector<16x1024xf32>,
    %eq3A_17 = arith.constant 21 : i32
    %eq3A_18 = arith.cmpi eq, %arg0, %eq3A_17 : i32
    %convert_element_type3A_19 = arith.extui %eq3A_18 : i1 to i32
    %cond3A_20 = arith.constant 0 : i32
    %cond3A_21 = arith.cmpi ne, %convert_element_type3A_19, %cond3A_20 : i32
    scf.if %cond3A_21 {
      %get3A_22 = arith.constant 0 : index
      %get3A_23 = arith.constant 0 : index
      %get3A_24 = vector.load %arg4[%get3A_22, %get3A_23] : memref<16x1024xf32, #tpu.memory_space<vmem>>, vector<16x1024xf32>
      %swap3A_25 = arith.constant 0 : index
      %swap3A_26 = arith.constant 0 : index
      %swap3A_27 = vector.load %arg3[%swap3A_25, %swap3A_26] : memref<16x1024xf32, #tpu.memory_space<vmem>>, vector<16x1024xf32>
      tpu.vector_store %arg3[%swap3A_25, %swap3A_26], %get3A_24 {strides = array<i32>} : memref<16x1024xf32, #tpu.memory_space<vmem>>, vector<16x1024xf32>,
    } else {
    }
    return
  }
  func.func @transform_0(%arg0: i32) -> (i32, i32) {
    %add3A = arith.constant 10 : i32
    %add3A_0 = arith.addi %add3A, %arg0 : i32
    %c0_i32 = arith.constant 0 : i32
    %c0_i32_1 = arith.constant 0 : i32
    return %add3A_0, %c0_i32 : i32, i32
  }
  func.func @transform_1(%arg0: i32) -> (i32, i32) {
    %add3A = arith.constant 10 : i32
    %add3A_0 = arith.addi %add3A, %arg0 : i32
    %c0_i32 = arith.constant 0 : i32
    %c0_i32_1 = arith.constant 0 : i32
    return %c0_i32, %add3A_0 : i32, i32
  }
  func.func @transform_2(%arg0: i32) -> (i32, i32) {
    %c0_i32 = arith.constant 0 : i32
    %c0_i32_0 = arith.constant 0 : i32
    %c0_i32_1 = arith.constant 0 : i32
    return %c0_i32, %c0_i32_0 : i32, i32
  }
}

module attributes {stable_mosaic.version = 14 : i64} {
  func.func @_tc_finish_body(%arg0: memref<32x16x1024xf32, #tpu.memory_space<vmem>>, %arg1: memref<16x1024xf32, #tpu.memory_space<vmem>>, %arg2: memref<1x16384xi32, #tpu.memory_space<vmem>>, %arg3: memref<1024x1024xf32, #tpu.memory_space<vmem>>, %arg4: memref<1x1024xf32, #tpu.memory_space<vmem>>, %arg5: memref<16x1024xf32, #tpu.memory_space<vmem>>) attributes {dimension_semantics = [], scalar_prefetch = 0 : i64, scratch_operands = 0 : i64, tpu.core_type = #tpu.core_type<tc>} {
    %get3A = arith.constant 0 : index
    %get3A_0 = arith.constant 0 : index
    %get3A_1 = vector.load %arg1[%get3A, %get3A_0] : memref<16x1024xf32, #tpu.memory_space<vmem>>, vector<16x1024xf32>
    %get3A_2 = arith.constant 0 : index
    %get3A_3 = arith.constant 0 : index
    %get3A_4 = arith.constant 0 : index
    %get3A_5 = vector.load %arg0[%get3A_2, %get3A_3, %get3A_4] : memref<32x16x1024xf32, #tpu.memory_space<vmem>>, vector<1x16x1024xf32>
    %get3A_6 = vector.shape_cast %get3A_5 : vector<1x16x1024xf32> to vector<16x1024xf32>
    %add3A = arith.addf %get3A_1, %get3A_6 : vector<16x1024xf32>
    %get3A_7 = arith.constant 1 : index
    %get3A_8 = arith.constant 0 : index
    %get3A_9 = arith.constant 0 : index
    %get3A_10 = vector.load %arg0[%get3A_7, %get3A_8, %get3A_9] : memref<32x16x1024xf32, #tpu.memory_space<vmem>>, vector<1x16x1024xf32>
    %get3A_11 = vector.shape_cast %get3A_10 : vector<1x16x1024xf32> to vector<16x1024xf32>
    %add3A_12 = arith.addf %add3A, %get3A_11 : vector<16x1024xf32>
    %get3A_13 = arith.constant 2 : index
    %get3A_14 = arith.constant 0 : index
    %get3A_15 = arith.constant 0 : index
    %get3A_16 = vector.load %arg0[%get3A_13, %get3A_14, %get3A_15] : memref<32x16x1024xf32, #tpu.memory_space<vmem>>, vector<1x16x1024xf32>
    %get3A_17 = vector.shape_cast %get3A_16 : vector<1x16x1024xf32> to vector<16x1024xf32>
    %add3A_18 = arith.addf %add3A_12, %get3A_17 : vector<16x1024xf32>
    %get3A_19 = arith.constant 3 : index
    %get3A_20 = arith.constant 0 : index
    %get3A_21 = arith.constant 0 : index
    %get3A_22 = vector.load %arg0[%get3A_19, %get3A_20, %get3A_21] : memref<32x16x1024xf32, #tpu.memory_space<vmem>>, vector<1x16x1024xf32>
    %get3A_23 = vector.shape_cast %get3A_22 : vector<1x16x1024xf32> to vector<16x1024xf32>
    %add3A_24 = arith.addf %add3A_18, %get3A_23 : vector<16x1024xf32>
    %get3A_25 = arith.constant 4 : index
    %get3A_26 = arith.constant 0 : index
    %get3A_27 = arith.constant 0 : index
    %get3A_28 = vector.load %arg0[%get3A_25, %get3A_26, %get3A_27] : memref<32x16x1024xf32, #tpu.memory_space<vmem>>, vector<1x16x1024xf32>
    %get3A_29 = vector.shape_cast %get3A_28 : vector<1x16x1024xf32> to vector<16x1024xf32>
    %add3A_30 = arith.addf %add3A_24, %get3A_29 : vector<16x1024xf32>
    %get3A_31 = arith.constant 5 : index
    %get3A_32 = arith.constant 0 : index
    %get3A_33 = arith.constant 0 : index
    %get3A_34 = vector.load %arg0[%get3A_31, %get3A_32, %get3A_33] : memref<32x16x1024xf32, #tpu.memory_space<vmem>>, vector<1x16x1024xf32>
    %get3A_35 = vector.shape_cast %get3A_34 : vector<1x16x1024xf32> to vector<16x1024xf32>
    %add3A_36 = arith.addf %add3A_30, %get3A_35 : vector<16x1024xf32>
    %get3A_37 = arith.constant 6 : index
    %get3A_38 = arith.constant 0 : index
    %get3A_39 = arith.constant 0 : index
    %get3A_40 = vector.load %arg0[%get3A_37, %get3A_38, %get3A_39] : memref<32x16x1024xf32, #tpu.memory_space<vmem>>, vector<1x16x1024xf32>
    %get3A_41 = vector.shape_cast %get3A_40 : vector<1x16x1024xf32> to vector<16x1024xf32>
    %add3A_42 = arith.addf %add3A_36, %get3A_41 : vector<16x1024xf32>
    %get3A_43 = arith.constant 7 : index
    %get3A_44 = arith.constant 0 : index
    %get3A_45 = arith.constant 0 : index
    %get3A_46 = vector.load %arg0[%get3A_43, %get3A_44, %get3A_45] : memref<32x16x1024xf32, #tpu.memory_space<vmem>>, vector<1x16x1024xf32>
    %get3A_47 = vector.shape_cast %get3A_46 : vector<1x16x1024xf32> to vector<16x1024xf32>
    %add3A_48 = arith.addf %add3A_42, %get3A_47 : vector<16x1024xf32>
    %get3A_49 = arith.constant 8 : index
    %get3A_50 = arith.constant 0 : index
    %get3A_51 = arith.constant 0 : index
    %get3A_52 = vector.load %arg0[%get3A_49, %get3A_50, %get3A_51] : memref<32x16x1024xf32, #tpu.memory_space<vmem>>, vector<1x16x1024xf32>
    %get3A_53 = vector.shape_cast %get3A_52 : vector<1x16x1024xf32> to vector<16x1024xf32>
    %add3A_54 = arith.addf %add3A_48, %get3A_53 : vector<16x1024xf32>
    %get3A_55 = arith.constant 9 : index
    %get3A_56 = arith.constant 0 : index
    %get3A_57 = arith.constant 0 : index
    %get3A_58 = vector.load %arg0[%get3A_55, %get3A_56, %get3A_57] : memref<32x16x1024xf32, #tpu.memory_space<vmem>>, vector<1x16x1024xf32>
    %get3A_59 = vector.shape_cast %get3A_58 : vector<1x16x1024xf32> to vector<16x1024xf32>
    %add3A_60 = arith.addf %add3A_54, %get3A_59 : vector<16x1024xf32>
    %get3A_61 = arith.constant 10 : index
    %get3A_62 = arith.constant 0 : index
    %get3A_63 = arith.constant 0 : index
    %get3A_64 = vector.load %arg0[%get3A_61, %get3A_62, %get3A_63] : memref<32x16x1024xf32, #tpu.memory_space<vmem>>, vector<1x16x1024xf32>
    %get3A_65 = vector.shape_cast %get3A_64 : vector<1x16x1024xf32> to vector<16x1024xf32>
    %add3A_66 = arith.addf %add3A_60, %get3A_65 : vector<16x1024xf32>
    %get3A_67 = arith.constant 11 : index
    %get3A_68 = arith.constant 0 : index
    %get3A_69 = arith.constant 0 : index
    %get3A_70 = vector.load %arg0[%get3A_67, %get3A_68, %get3A_69] : memref<32x16x1024xf32, #tpu.memory_space<vmem>>, vector<1x16x1024xf32>
    %get3A_71 = vector.shape_cast %get3A_70 : vector<1x16x1024xf32> to vector<16x1024xf32>
    %add3A_72 = arith.addf %add3A_66, %get3A_71 : vector<16x1024xf32>
    %get3A_73 = arith.constant 12 : index
    %get3A_74 = arith.constant 0 : index
    %get3A_75 = arith.constant 0 : index
    %get3A_76 = vector.load %arg0[%get3A_73, %get3A_74, %get3A_75] : memref<32x16x1024xf32, #tpu.memory_space<vmem>>, vector<1x16x1024xf32>
    %get3A_77 = vector.shape_cast %get3A_76 : vector<1x16x1024xf32> to vector<16x1024xf32>
    %add3A_78 = arith.addf %add3A_72, %get3A_77 : vector<16x1024xf32>
    %get3A_79 = arith.constant 13 : index
    %get3A_80 = arith.constant 0 : index
    %get3A_81 = arith.constant 0 : index
    %get3A_82 = vector.load %arg0[%get3A_79, %get3A_80, %get3A_81] : memref<32x16x1024xf32, #tpu.memory_space<vmem>>, vector<1x16x1024xf32>
    %get3A_83 = vector.shape_cast %get3A_82 : vector<1x16x1024xf32> to vector<16x1024xf32>
    %add3A_84 = arith.addf %add3A_78, %get3A_83 : vector<16x1024xf32>
    %get3A_85 = arith.constant 14 : index
    %get3A_86 = arith.constant 0 : index
    %get3A_87 = arith.constant 0 : index
    %get3A_88 = vector.load %arg0[%get3A_85, %get3A_86, %get3A_87] : memref<32x16x1024xf32, #tpu.memory_space<vmem>>, vector<1x16x1024xf32>
    %get3A_89 = vector.shape_cast %get3A_88 : vector<1x16x1024xf32> to vector<16x1024xf32>
    %add3A_90 = arith.addf %add3A_84, %get3A_89 : vector<16x1024xf32>
    %get3A_91 = arith.constant 15 : index
    %get3A_92 = arith.constant 0 : index
    %get3A_93 = arith.constant 0 : index
    %get3A_94 = vector.load %arg0[%get3A_91, %get3A_92, %get3A_93] : memref<32x16x1024xf32, #tpu.memory_space<vmem>>, vector<1x16x1024xf32>
    %get3A_95 = vector.shape_cast %get3A_94 : vector<1x16x1024xf32> to vector<16x1024xf32>
    %add3A_96 = arith.addf %add3A_90, %get3A_95 : vector<16x1024xf32>
    %get3A_97 = arith.constant 16 : index
    %get3A_98 = arith.constant 0 : index
    %get3A_99 = arith.constant 0 : index
    %get3A_100 = vector.load %arg0[%get3A_97, %get3A_98, %get3A_99] : memref<32x16x1024xf32, #tpu.memory_space<vmem>>, vector<1x16x1024xf32>
    %get3A_101 = vector.shape_cast %get3A_100 : vector<1x16x1024xf32> to vector<16x1024xf32>
    %add3A_102 = arith.addf %add3A_96, %get3A_101 : vector<16x1024xf32>
    %get3A_103 = arith.constant 17 : index
    %get3A_104 = arith.constant 0 : index
    %get3A_105 = arith.constant 0 : index
    %get3A_106 = vector.load %arg0[%get3A_103, %get3A_104, %get3A_105] : memref<32x16x1024xf32, #tpu.memory_space<vmem>>, vector<1x16x1024xf32>
    %get3A_107 = vector.shape_cast %get3A_106 : vector<1x16x1024xf32> to vector<16x1024xf32>
    %add3A_108 = arith.addf %add3A_102, %get3A_107 : vector<16x1024xf32>
    %get3A_109 = arith.constant 18 : index
    %get3A_110 = arith.constant 0 : index
    %get3A_111 = arith.constant 0 : index
    %get3A_112 = vector.load %arg0[%get3A_109, %get3A_110, %get3A_111] : memref<32x16x1024xf32, #tpu.memory_space<vmem>>, vector<1x16x1024xf32>
    %get3A_113 = vector.shape_cast %get3A_112 : vector<1x16x1024xf32> to vector<16x1024xf32>
    %add3A_114 = arith.addf %add3A_108, %get3A_113 : vector<16x1024xf32>
    %get3A_115 = arith.constant 19 : index
    %get3A_116 = arith.constant 0 : index
    %get3A_117 = arith.constant 0 : index
    %get3A_118 = vector.load %arg0[%get3A_115, %get3A_116, %get3A_117] : memref<32x16x1024xf32, #tpu.memory_space<vmem>>, vector<1x16x1024xf32>
    %get3A_119 = vector.shape_cast %get3A_118 : vector<1x16x1024xf32> to vector<16x1024xf32>
    %add3A_120 = arith.addf %add3A_114, %get3A_119 : vector<16x1024xf32>
    %get3A_121 = arith.constant 20 : index
    %get3A_122 = arith.constant 0 : index
    %get3A_123 = arith.constant 0 : index
    %get3A_124 = vector.load %arg0[%get3A_121, %get3A_122, %get3A_123] : memref<32x16x1024xf32, #tpu.memory_space<vmem>>, vector<1x16x1024xf32>
    %get3A_125 = vector.shape_cast %get3A_124 : vector<1x16x1024xf32> to vector<16x1024xf32>
    %add3A_126 = arith.addf %add3A_120, %get3A_125 : vector<16x1024xf32>
    %get3A_127 = arith.constant 21 : index
    %get3A_128 = arith.constant 0 : index
    %get3A_129 = arith.constant 0 : index
    %get3A_130 = vector.load %arg0[%get3A_127, %get3A_128, %get3A_129] : memref<32x16x1024xf32, #tpu.memory_space<vmem>>, vector<1x16x1024xf32>
    %get3A_131 = vector.shape_cast %get3A_130 : vector<1x16x1024xf32> to vector<16x1024xf32>
    %add3A_132 = arith.addf %add3A_126, %get3A_131 : vector<16x1024xf32>
    %get3A_133 = arith.constant 22 : index
    %get3A_134 = arith.constant 0 : index
    %get3A_135 = arith.constant 0 : index
    %get3A_136 = vector.load %arg0[%get3A_133, %get3A_134, %get3A_135] : memref<32x16x1024xf32, #tpu.memory_space<vmem>>, vector<1x16x1024xf32>
    %get3A_137 = vector.shape_cast %get3A_136 : vector<1x16x1024xf32> to vector<16x1024xf32>
    %add3A_138 = arith.addf %add3A_132, %get3A_137 : vector<16x1024xf32>
    %get3A_139 = arith.constant 23 : index
    %get3A_140 = arith.constant 0 : index
    %get3A_141 = arith.constant 0 : index
    %get3A_142 = vector.load %arg0[%get3A_139, %get3A_140, %get3A_141] : memref<32x16x1024xf32, #tpu.memory_space<vmem>>, vector<1x16x1024xf32>
    %get3A_143 = vector.shape_cast %get3A_142 : vector<1x16x1024xf32> to vector<16x1024xf32>
    %add3A_144 = arith.addf %add3A_138, %get3A_143 : vector<16x1024xf32>
    %get3A_145 = arith.constant 24 : index
    %get3A_146 = arith.constant 0 : index
    %get3A_147 = arith.constant 0 : index
    %get3A_148 = vector.load %arg0[%get3A_145, %get3A_146, %get3A_147] : memref<32x16x1024xf32, #tpu.memory_space<vmem>>, vector<1x16x1024xf32>
    %get3A_149 = vector.shape_cast %get3A_148 : vector<1x16x1024xf32> to vector<16x1024xf32>
    %add3A_150 = arith.addf %add3A_144, %get3A_149 : vector<16x1024xf32>
    %get3A_151 = arith.constant 25 : index
    %get3A_152 = arith.constant 0 : index
    %get3A_153 = arith.constant 0 : index
    %get3A_154 = vector.load %arg0[%get3A_151, %get3A_152, %get3A_153] : memref<32x16x1024xf32, #tpu.memory_space<vmem>>, vector<1x16x1024xf32>
    %get3A_155 = vector.shape_cast %get3A_154 : vector<1x16x1024xf32> to vector<16x1024xf32>
    %add3A_156 = arith.addf %add3A_150, %get3A_155 : vector<16x1024xf32>
    %get3A_157 = arith.constant 26 : index
    %get3A_158 = arith.constant 0 : index
    %get3A_159 = arith.constant 0 : index
    %get3A_160 = vector.load %arg0[%get3A_157, %get3A_158, %get3A_159] : memref<32x16x1024xf32, #tpu.memory_space<vmem>>, vector<1x16x1024xf32>
    %get3A_161 = vector.shape_cast %get3A_160 : vector<1x16x1024xf32> to vector<16x1024xf32>
    %add3A_162 = arith.addf %add3A_156, %get3A_161 : vector<16x1024xf32>
    %get3A_163 = arith.constant 27 : index
    %get3A_164 = arith.constant 0 : index
    %get3A_165 = arith.constant 0 : index
    %get3A_166 = vector.load %arg0[%get3A_163, %get3A_164, %get3A_165] : memref<32x16x1024xf32, #tpu.memory_space<vmem>>, vector<1x16x1024xf32>
    %get3A_167 = vector.shape_cast %get3A_166 : vector<1x16x1024xf32> to vector<16x1024xf32>
    %add3A_168 = arith.addf %add3A_162, %get3A_167 : vector<16x1024xf32>
    %get3A_169 = arith.constant 28 : index
    %get3A_170 = arith.constant 0 : index
    %get3A_171 = arith.constant 0 : index
    %get3A_172 = vector.load %arg0[%get3A_169, %get3A_170, %get3A_171] : memref<32x16x1024xf32, #tpu.memory_space<vmem>>, vector<1x16x1024xf32>
    %get3A_173 = vector.shape_cast %get3A_172 : vector<1x16x1024xf32> to vector<16x1024xf32>
    %add3A_174 = arith.addf %add3A_168, %get3A_173 : vector<16x1024xf32>
    %get3A_175 = arith.constant 29 : index
    %get3A_176 = arith.constant 0 : index
    %get3A_177 = arith.constant 0 : index
    %get3A_178 = vector.load %arg0[%get3A_175, %get3A_176, %get3A_177] : memref<32x16x1024xf32, #tpu.memory_space<vmem>>, vector<1x16x1024xf32>
    %get3A_179 = vector.shape_cast %get3A_178 : vector<1x16x1024xf32> to vector<16x1024xf32>
    %add3A_180 = arith.addf %add3A_174, %get3A_179 : vector<16x1024xf32>
    %get3A_181 = arith.constant 30 : index
    %get3A_182 = arith.constant 0 : index
    %get3A_183 = arith.constant 0 : index
    %get3A_184 = vector.load %arg0[%get3A_181, %get3A_182, %get3A_183] : memref<32x16x1024xf32, #tpu.memory_space<vmem>>, vector<1x16x1024xf32>
    %get3A_185 = vector.shape_cast %get3A_184 : vector<1x16x1024xf32> to vector<16x1024xf32>
    %add3A_186 = arith.addf %add3A_180, %get3A_185 : vector<16x1024xf32>
    %get3A_187 = arith.constant 31 : index
    %get3A_188 = arith.constant 0 : index
    %get3A_189 = arith.constant 0 : index
    %get3A_190 = vector.load %arg0[%get3A_187, %get3A_188, %get3A_189] : memref<32x16x1024xf32, #tpu.memory_space<vmem>>, vector<1x16x1024xf32>
    %get3A_191 = vector.shape_cast %get3A_190 : vector<1x16x1024xf32> to vector<16x1024xf32>
    %add3A_192 = arith.addf %add3A_186, %get3A_191 : vector<16x1024xf32>
    %get3A_193 = arith.constant 0 : index
    %get3A_194 = arith.constant 0 : index
    %get3A_195 = vector.load %arg2[%get3A_193, %get3A_194] : memref<1x16384xi32, #tpu.memory_space<vmem>>, vector<1x16384xi32>
    %iota3A = tpu.iota {dimensions = array<i32: 0>} : vector<16x16384xi32>
    %eq3A = vector.broadcast %get3A_195 : vector<1x16384xi32> to vector<16x16384xi32>
    %eq3A_196 = arith.cmpi eq, %eq3A, %iota3A : vector<16x16384xi32>
    %convert_element_type3A = arith.extui %eq3A_196 : vector<16x16384xi1> to vector<16x16384xi32>
    %convert_element_type3A_197 = arith.sitofp %convert_element_type3A : vector<16x16384xi32> to vector<16x16384xf32>
    %reduce_sum3A = arith.constant dense<0.000000e+00> : vector<16xf32>
    %reduce_sum3A_198 = vector.multi_reduction <add>, %convert_element_type3A_197, %reduce_sum3A [1] : vector<16x16384xf32> to vector<16xf32>
    %broadcast_in_dim3A = vector.shape_cast %reduce_sum3A_198 : vector<16xf32> to vector<16x1xf32>
    %max3A = arith.constant 1.000000e+00 : f32
    %max3A_199 = vector.broadcast %max3A : f32 to vector<16x1xf32>
    %max3A_200 = arith.maximumf %broadcast_in_dim3A, %max3A_199 : vector<16x1xf32>
    %div3A = vector.broadcast %max3A_200 : vector<16x1xf32> to vector<16x1024xf32>
    %div3A_201 = arith.divf %add3A_192, %div3A : vector<16x1024xf32>
    %get3A_202 = arith.constant 0 : index
    %get3A_203 = arith.constant 0 : index
    %get3A_204 = vector.load %arg3[%get3A_202, %get3A_203] : memref<1024x1024xf32, #tpu.memory_space<vmem>>, vector<1024x1024xf32>
    %dot_general3A = arith.constant dense<0.000000e+00> : vector<16x1024xf32>
    %dot_general3A_205 = tpu.matmul %div3A_201, %get3A_204, %dot_general3A {dimension_numbers = #tpu.dot_dimension_numbers<[1], [1], [0], [0], [0, 0, 1, 0], [], []>, transpose_lhs_hint = false} : vector<16x1024xf32>, vector<1024x1024xf32>, vector<16x1024xf32> -> vector<16x1024xf32>
    %get3A_206 = arith.constant 0 : index
    %get3A_207 = arith.constant 0 : index
    %get3A_208 = vector.load %arg4[%get3A_206, %get3A_207] : memref<1x1024xf32, #tpu.memory_space<vmem>>, vector<1x1024xf32>
    %add3A_209 = vector.broadcast %get3A_208 : vector<1x1024xf32> to vector<16x1024xf32>
    %add3A_210 = arith.addf %dot_general3A_205, %add3A_209 : vector<16x1024xf32>
    %swap3A = arith.constant 0 : index
    %swap3A_211 = arith.constant 0 : index
    %swap3A_212 = vector.load %arg5[%swap3A, %swap3A_211] : memref<16x1024xf32, #tpu.memory_space<vmem>>, vector<16x1024xf32>
    tpu.vector_store %arg5[%swap3A, %swap3A_211], %add3A_210 {strides = array<i32>} : memref<16x1024xf32, #tpu.memory_space<vmem>>, vector<16x1024xf32>,
    return
  }
}

</mosaic_0001>

<sc_bundles>
// kernel: kernel.5.cloned.1.call-start
scs
__scs_entry_jumppad:
0x0: {  	(pc) =	sbr.rel $0x88, $3  }
0x1: {  	(tag) =	ssettag $0x0;
	lr =	simm.s32 $0x1  }
0x2: {  	[smem:$0x3F9D] =	sst lr;
	_ =	strace $0xD0000000  }
0x3: {  	_ = 	snop  }
0x4: {  	_ = 	snop  }
0x5: {  	_ = 	snop  }
0x6: {  	_ = 	snop  }
0x7: {  	_ = 	snop  }
__scs_overlays_trampoline_lowered:
0x8: {  	[smem:$0x3FAC] =	sst s0  }
0x9: {  	[smem:$0x3FAD] =	sst s1  }
0xa: {  	[smem:$0x3FAE] =	sst s2  }
0xb: {  	[smem:$0x3FAF] =	sst s3  }
0xc: {  	[smem:$0x3FB0] =	sst s4  }
0xd: {  	[smem:$0x3FB1] =	sst s5  }
0xe: {  	[smem:$0x3FB2] =	sst s6  }
0xf: {  	[smem:$0x3FB3] =	sst s7  }
0x10: {  	[smem:$0x3FB4] =	sst s8  }
0x11: {  	[smem:$0x3FB5] =	sst s9;
	s0 =	simm.s32 @!p0 $0x0  }
0x12: {  	s1 =	sld [smem:$0x3F9B];
	s0 =	simm.s32 @p0 $0x1  }
0x13: {  	[smem:$0x3FB6] =	sst s0;
	s0 =	simm.s32 @!p1 $0x0  }
0x14: {  	s2 =	sld [smem:$0x3F9A];
	s0 =	simm.s32 @p1 $0x1  }
0x15: {  	[smem:$0x3FB7] =	sst s0;
	s0 =	simm.s32 @!p2 $0x0  }
0x16: {  	s3 =	sld [smem:$0x3FDB];
	s0 =	simm.s32 @p2 $0x1  }
0x17: {  	s4 =	simm.s32 $0x1BF5;
	[smem:$0x3FB9] =	sst s0  }
0x18: {  	s0 =	sld [smem:$0x3F9C];
	_ =	swait.ge [sflag:s4], $0x0  }
0x19: {  	s7 =	sld [smem:$0x3F9D]  }
0x1a: {  	s8 =	sadd.s32 $0xFFFFE003, lr  }
0x1b: {  	s9 =	sadd.s32 $0xFFFFFEF7, lr;
	s5 =	simm.s32 $0xFFFFFFFF;
	p2 =	slt.u32 s8, $0xFFFFF086  }
0x1c: {  	p1 =	slt.u32 s9, $0xF7A;
	s5 =	simm.s32 @!p2 $0x0  }
0x1d: {  	s5 =	simm.s32 @p1 $0x1;
	p0 =	seq.s32 s7, s2  }
0x1e: {  	s7 =	smul.u32 @!p0 $0xF7A, s2;
	p2 =	seq.s32 @!p0 s5, $0x0  }
0x1f: {  	s9 =	smul.u32 $0xF7A, s1;
	s8 =	simm.s32 @!p0 $0x1BF5;
	p2 =	por !p2, p0  }
0x20: {  	[sflag:s8] =	ssyncset.s32 @!p0 $0xFFFFF086;
	s6 =	sadd.s32 @!p0 s3, s7;
	s7 =	simm.s32 @!p0 $0x108  }
0x21: {  	s3 =	sadd.s32 s3, s9;
	s6 =	sadd.s32 @!p0 $0x88, s6;
	s7 =	simm.s32 @p2 $0x1082  }
0x22: {  	[simem:s7], [sflag:s8] =	dma.local @!p0 [hbm:s6], $0xF7A  }
0x23: {  	s9 =	sor.u32 $0xD0000000, s2;
	s6 =	simm.s32 $0x108;
	_ =	swait.ge @!p0 [sflag:s8], $0x0  }
0x24: {  	s3 =	sadd.s32 $0x88, s3;
	s6 =	simm.s32 @!p1 $0x1082;
	[sflag:s4] =	ssyncset.s32 $0xFFFFF086  }
0x25: {  	[simem:s6], [sflag:s4] =	dma.local [hbm:s3], $0xF7A  }
0x26: {  	[smem:$0x3F9D] =	sst s1;
	(tag) =	ssettag s2;
	_ =	strace s9  }
0x27: {  	s1 =	sld [smem:$0x3FAD]  }
0x28: {  	s2 =	sld [smem:$0x3FAE]  }
0x29: {  	s4 =	sld [smem:$0x3FB0]  }
0x2a: {  	p0 =	seq.s32 s5, $0x0;
	s5 =	sld [smem:$0x3FB1]  }
0x2b: {  	s6 =	sld [smem:$0x3FB2]  }
0x2c: {  	s7 =	sld [smem:$0x3FB3]  }
0x2d: {  	s3 =	simm.s32 $0x108;
	s8 =	sld [smem:$0x3FB4]  }
0x2e: {  	s3 =	simm.s32 @!p0 $0x1082;
	s9 =	sld [smem:$0x3FB5]  }
0x2f: {  	lr =	sadd.s32 s0, s3;
	s0 =	sld [smem:$0x3FAC]  }
0x30: {  	s3 =	sld [smem:$0x3FAF]  }
0x31: {  	[smem:$0x3FB8] =	sst s10  }
0x32: {  	s10 =	sld [smem:$0x3FB6];
	_ =	sdelay $0x3  }
0x33: {  	p0 =	seq.s32 s10, $0x1;
	s10 =	sld [smem:$0x3FB8];
	_ =	sdelay $0x3  }
0x34: {  	[smem:$0x3FB8] =	sst s10  }
0x35: {  	s10 =	sld [smem:$0x3FB7];
	_ =	sdelay $0x3  }
0x36: {  	p1 =	seq.s32 s10, $0x1;
	s10 =	sld [smem:$0x3FB8];
	_ =	sdelay $0x3  }
0x37: {  	[smem:$0x3FB8] =	sst s10  }
0x38: {  	s10 =	sld [smem:$0x3FB9]  }
0x39: {  	_ = 	snop;
	(pc) =	sbr.ind lr, $3  }
0x3a: {  	_ = 	snop  }
0x3b: {  	_ = 	snop  }
0x3c: {  	p2 =	seq.s32 s10, $0x1;
	s10 =	sld [smem:$0x3FB8]  }
0x3d: {  	_ =	shalt  }
0x3e: {  	_ =	shalt  }
0x3f: {  	_ =	shalt  }
0x40: {  	_ =	shalt  }
0x41: {  	_ =	shalt  }
0x42: {  	_ =	shalt  }
0x43: {  	_ =	shalt  }
0x44: {  	_ =	shalt  }
0x45: {  	_ =	shalt  }
0x46: {  	_ =	shalt  }
0x47: {  	_ =	shalt  }
0x48: {  	_ =	shalt  }
0x49: {  	_ =	shalt  }
0x4a: {  	_ =	shalt  }
0x4b: {  	_ =	shalt  }
0x4c: {  	_ =	shalt  }
0x4d: {  	_ =	shalt  }
0x4e: {  	_ =	shalt  }
0x4f: {  	_ =	shalt  }
0x50: {  	_ =	shalt  }
0x51: {  	_ =	shalt  }
0x52: {  	_ =	shalt  }
0x53: {  	_ =	shalt  }
0x54: {  	_ =	shalt  }
0x55: {  	_ =	shalt  }
0x56: {  	_ =	shalt  }
0x57: {  	_ =	shalt  }
0x58: {  	_ =	shalt  }
0x59: {  	_ =	shalt  }
0x5a: {  	_ =	shalt  }
0x5b: {  	_ =	shalt  }
0x5c: {  	_ =	shalt  }
0x5d: {  	_ =	shalt  }
0x5e: {  	_ =	shalt  }
0x5f: {  	_ =	shalt  }
0x60: {  	_ =	shalt  }
0x61: {  	_ =	shalt  }
0x62: {  	_ =	shalt  }
0x63: {  	_ =	shalt  }
0x64: {  	_ =	shalt  }
0x65: {  	_ =	shalt  }
0x66: {  	_ =	shalt  }
0x67: {  	_ =	shalt  }
0x68: {  	_ =	shalt  }
0x69: {  	_ =	shalt  }
0x6a: {  	_ =	shalt  }
0x6b: {  	_ =	shalt  }
0x6c: {  	_ =	shalt  }
0x6d: {  	_ =	shalt  }
0x6e: {  	_ =	shalt  }
0x6f: {  	_ =	shalt  }
0x70: {  	_ =	shalt  }
0x71: {  	_ =	shalt  }
0x72: {  	_ =	shalt  }
0x73: {  	_ =	shalt  }
0x74: {  	_ =	shalt  }
0x75: {  	_ =	shalt  }
0x76: {  	_ =	shalt  }
0x77: {  	_ =	shalt  }
0x78: {  	_ =	shalt  }
0x79: {  	_ =	shalt  }
0x7a: {  	_ =	shalt  }
0x7b: {  	_ =	shalt  }
0x7c: {  	_ =	shalt  }
0x7d: {  	_ =	shalt  }
0x7e: {  	_ =	shalt  }
0x7f: {  	_ =	shalt  }
0x80: {  	_ =	shalt  }
0x81: {  	_ =	shalt  }
0x82: {  	_ =	shalt  }
0x83: {  	_ =	shalt  }
0x84: {  	_ =	shalt  }
0x85: {  	_ =	shalt  }
0x86: {  	_ =	shalt  }
0x87: {  	_ =	shalt  }
.Lfunc_end0:
.L_simem_size_0:
called_computation_lowered:
.L_overlay_start_0:
0x88: {  	s2 =	sld [smem:$0x3FD9]  }
0x89: {  	s3 =	sld [smem:$0x3FFE];
	_ =	sdelay $0x1  }
0x8a: {  	s1 =	srdreg.scid  }
0x8b: {  	s0 =	sand.u32 $0x1, s1  }
0x8c: {  	s17 =	sshll.u32 s0, $0xA;
	s2 =	sadd.s32 s3, s2  }
0x8d: {  	s2 =	sadd.s32 s2, s17  }
0x8e: {  	[smem:$0x3FC4] =	sst s2  }
0x8f: {  	_ = 	snop  }
0x90: {  	s2 =	sld [smem:$0x3FC9]  }
0x91: {  	s18 =	sld [smem:$0x3FC8];
	(tm) =	ssettm $0x1  }
0x92: {  	s4 =	sld [smem:$0x3FFB];
	_ =	sdelay $0x3  }
0x93: {  	_ =	strace s4  }
0x94: {  	s4 =	sld [smem:$0x3FFC];
	_ =	sdelay $0x3  }
0x95: {  	_ =	strace s4  }
0x96: {  	s4 =	sld [smem:$0x3FFD];
	_ =	sdelay $0x3  }
0x97: {  	_ =	strace s4  }
0x98: {  	_ =	strace $0x8FFFFFFF  }
0x99: {  	s19 =	sld [smem:$0x3FDB];
	_ =	sdelay $0x1  }
0x9a: {  	s5 =	simm.s32 $_scs_section_size  }
0x9b: {  	s6 =	simm.s32 $_size__tile_overlayer_lowered;
	s7 =	simm.s32 $_tile_overlayer_lowered  }
0x9c: {  	s22 =	simm.s32 $0x1BFF;
	s21 =	sshll.u32 s7, $0x1;
	s4 =	sadd.s32 s5, s19  }
0x9d: {  	s8 =	simm.s32 $0x0;
	s20 =	sshll.u32 s6, $0x1;
	s6 =	sadd.s32 s21, s4  }
0x9e: {  	[timem:s8], [sflag:s22] =	dma.local [hbm:s6], s20  }
0x9f: {  	_ =	swait.ge [sflag:s22], s20  }
0xa0: {  	s5 =	ssub.s32 $0x0, s20;
	[sflag:s22] =	ssyncset.done $0x0  }
0xa1: {  	[sflag:s22] =	ssyncadd.s32 s5;
	_ =	sdelay $0x1  }
0xa2: {  	s23 =	simm.s32 $0x1B8B  }
0xa3: {  	_ =	swait.ge [sflag:s23], $0x1  }
0xa4: {  	[sflag:s23] =	ssyncset.done $0x0  }
0xa5: {  	s25 =	simm.s32 $0x1B8E;
	s24 =	sld [smem:$0x3FFE];
	[sflag:s23] =	ssyncadd.s32 $0xFFFFFFFF  }
0xa6: {  	s26 =	simm.s32 $execute0_lowered;
	[smem:$0x3FD2] =	sst s25  }
0xa7: {  	s6 =	sshll.u32 s26, $0x1;
	_ =	strace $0x80000046;
	[dreg:$0x1] =	wrdreg $0xFFFFFFFF  }
0xa8: {  	s28 =	simm.s32 $_size_execute0_lowered;
	s4 =	sadd.s32 s4, s6;
	[dreg:$0x0] =	wrdreg $0x0  }
0xa9: {  	s6 =	sshll.u32 s28, $0x1;
	[dreg:$0x2] =	wrdreg s4  }
0xaa: {  	[dreg:$0x3] =	wrdreg s6  }
0xab: {  	[dreg:$0x4] =	wrdreg $0xC0  }
0xac: {  	_ =	task [dreg:s8], $0x5FFFF  }
0xad: {  	[dreg:$0x1] =	wrdreg $0xFFFFFFFF  }
0xae: {  	[dreg:$0x0] =	wrdreg $0x60  }
0xaf: {  	[dreg:$0x2] =	wrdreg s2  }
0xb0: {  	[dreg:$0x3] =	wrdreg s18  }
0xb1: {  	[dreg:$0x4] =	wrdreg s24  }
0xb2: {  	[dreg:$0x5] =	wrdreg $0x9  }
0xb3: {  	_ =	task.clear_ibuf [dreg:s8], $0x6FFFF;
	_ =	strace $0x90000046  }
0xb4: {  	s29 =	simm.s32 $0x9;
	_ =	strace $0x80000048  }
0xb5: {  	_ =	swait.ge [sflag:s29], $0x1  }
0xb6: {  	[sflag:s29] =	ssyncadd.s32 $0xFFFFFFFF  }
0xb7: {  	_ =	strace $0x90000048  }
0xb8: {  	_ =	sfence  }
0xb9: {  	s30 =	sld [smem:$0x0];
	_ =	sdelay $0x2  }
0xba: {  	s31 =	sshll.u32 s1, $0xD;
	s1 =	sshrl.u32 s1, $0x2  }
0xbb: {  	s3 =	sand.u32 $0x4000, s31;
	s1 =	sadd.s32 s1, s30  }
0xbc: {  	s0 =	sor.u32 s3, s0;
	s1 =	sshll.u32 s1, $0x11  }
0xbd: {  	s0 =	sor.u32 s1, s0  }
0xbe: {  	s0 =	sadd.s32 $0x8F2B, s0  }
0xbf: {  	[sflag:s0] =	ssyncadd.remote.s32 $0x1  }
0xc0: {  	_ =	sfence.sel $0xFFFF  }
0xc1: {  	[dreg:$0x0] =	wrdreg $0xFFFFFFFF;
	(pc) =	sbr.abs _section_cstart, $3  }
0xc2: {  	[dreg:$0x1] =	wrdreg $0xFFFFFFFF  }
0xc3: {  	_ =	task.clear_ibuf [dreg:s8], $0x2FFFF;
	_ =	strace $0x9FFFFFFF  }
0xc4: {  	(tm) =	ssettm $0x7FFFFFFF  }
0xc5: {  	_ =	shalt  }
tec
execute0_lowered:
.L_overlay_start_1:
0x0: {  	(tag) =	ssettag $0x1  }
0x1: {  	s7 =	rddreg [dreg:$0x0]  }
0x2: {  	s0 =	rddreg [dreg:$0x1]  }
0x3: {  	s2 =	srdreg.scid;
	s3 =	stileid.u32  }
0x4: {  	s8 =	simm.s32 $0x0;
	s2 =	sand.u32 $0x1, s2;
	s3 =	sshll.u32 s3, $0x1  }
0x5: {  	[smem:$0x7FF] =	sst s8;
	s3 =	sor.u32 s2, s3  }
0x6: {  	s1 =	rddreg [dreg:$0x2];
	_ =	strace $0x80000047;
	s5 =	smul.u32 $0x5000, s3  }
0x7: {  	s2 =	ssub.s32 $0x2, s2;
	s4 =	sshll.u32 s3, $0xB;
	s28 =	smul.u32 $0x14, s3  }
0x8: {  	s6 =	sshrl.u32 s2, $0x1;
	s3 =	smul.u32 $0x28000, s3;
	s5 =	sadd.s32 s7, s5  }
0x9: {  	s1 =	sadd.s32 s4, s1;
	s0 =	sadd.s32 s0, s28;
	[dreg:$0x4] =	wrdreg s5  }
.Ltmp0:
0xa: {  	s29 =	sadd.s32 $0xC000, s3;
	[dreg:$0x6] =	wrdreg s0;
	(pc) =	sbr.rel .LBB2_1-.Ltmp0, $4  }
0xb: {  	s2 =	ssub.s32 s2, s6;
	s30 =	sadd.s32 $0xC00, s1;
	[dreg:$0x7] =	wrdreg s29  }
0xc: {  	s14 =	simm.s32 $0x1;
	s31 =	smax.u32 s2, $0x1;
	[dreg:$0x8] =	wrdreg s30  }
0xd: {  	s15 =	simm.s32 $0x2;
	s5 =	sadd.s32 $0x800, s5;
	[dreg:$0x9] =	wrdreg s31  }
0xe: {  	v0 =	vimm.f32 $0.0e+00;
	s7 =	sadd.s32 $0x8000, s3;
	s2 =	simm.s32 $0x0;
	[dreg:$0x5] =	wrdreg s5  }
.LBB2_30:
0xf: {  	s8 =	simm.s32 $0x0  }
0x10: {  	s0 =	rddreg [dreg:$0x8];
	s1 =	simm.s32 $0x8100;
	s30 =	simm.s32 $0x4  }
0x11: {  	[hbm4b:s0+s8] =	stream.linear.scatter [tilespmem:s1], [sflag:$0x4], $0x4000, $0x38;
	[tilespmem:$0xC100] =	vst v63  }
0x12: {  	_ =	swait.ge [sflag:s30], $0x4000  }
0x13: {  	s2 =	rddreg [dreg:$0xa]  }
0x14: {  	s31 =	rddreg [dreg:$0x9];
	s2 =	sadd.s32 $0x1, s2  }
0x15: {  	p0 =	sne.s32 s2, s31  }
.Ltmp1:
0x16: {  	_ = 	snop;
	(pc) =	sbr.rel @!p0 .LBB2_31-.Ltmp1, $3  }
0x17: {  	_ =	sdelay $0x1  }
0x18: {  	[sflag:s30] =	ssyncset.done $0x0  }
0x19: {  	[sflag:s30] =	ssyncadd.s32 $0xFFFFC000  }
.LBB2_1:
0x1a: {  	[dreg:$0xa] =	wrdreg s2  }
0x1b: {  	s0 =	rddreg [dreg:$0x4]  }
0x1c: {  	s1 =	simm.s32 $0x100;
	s29 =	rddreg [dreg:$0x5]  }
0x1d: {  	[tilespmem:s1], [sflag:$0x1] =	stream.linear.gather [hbm4b:s0+s8], $0x4000, $0x38;
	[tilespmem:$0xC100] =	vst v63  }
0x1e: {  	s30 =	simm.s32 $0x4100;
	s31 =	rddreg [dreg:$0x6];
	s2 =	simm.s32 $0x0  }
0x1f: {  	[tilespmem:s30], [sflag:$0x2] =	stream.linear.gather [hbm4b:s29+s8], $0x4000, $0x38;
	[tilespmem:$0xC100] =	vst v63  }
0x20: {  	s3 =	simm.s32 $0x0;
	s0 =	simm.s32 $0xFFFFC000;
	s1 =	simm.s32 $0x0  }
0x21: {  	[tilespmem:s8], [sflag:$0x3] =	stream.linear.gather [hbm4b:s31+s8], $0xA0, $0x38;
	[tilespmem:$0xC100] =	vst v63  }
.LBB2_2:
0x22: {  	s4 =	sadd.s32 $0x4000, s0  }
0x23: {  	s5 =	sand.u32 $0x380, s3;
	s4 =	sand.u32 $0x2000, s4  }
0x24: {  	s4 =	sor.u32 s5, s4  }
0x25: {  	[tilespmem:s4+$0x8100] =	vst v0  }
0x26: {  	[tilespmem:s4+$0x8110] =	vst v0  }
0x27: {  	[tilespmem:s4+$0x8120] =	vst v0  }
0x28: {  	[tilespmem:s4+$0x8130] =	vst v0  }
0x29: {  	[tilespmem:s4+$0x8140] =	vst v0  }
0x2a: {  	[tilespmem:s4+$0x8150] =	vst v0  }
0x2b: {  	[tilespmem:s4+$0x8160] =	vst v0  }
0x2c: {  	[tilespmem:s4+$0x8170] =	vst v0  }
0x2d: {  	[tilespmem:s4+$0x8500] =	vst v0  }
0x2e: {  	[tilespmem:s4+$0x8510] =	vst v0  }
0x2f: {  	[tilespmem:s4+$0x8520] =	vst v0  }
0x30: {  	[tilespmem:s4+$0x8530] =	vst v0  }
0x31: {  	[tilespmem:s4+$0x8540] =	vst v0  }
0x32: {  	[tilespmem:s4+$0x8550] =	vst v0  }
0x33: {  	[tilespmem:s4+$0x8560] =	vst v0  }
0x34: {  	[tilespmem:s4+$0x8570] =	vst v0  }
0x35: {  	[tilespmem:s4+$0x8900] =	vst v0  }
0x36: {  	[tilespmem:s4+$0x8910] =	vst v0  }
0x37: {  	[tilespmem:s4+$0x8920] =	vst v0  }
0x38: {  	[tilespmem:s4+$0x8930] =	vst v0  }
0x39: {  	[tilespmem:s4+$0x8940] =	vst v0  }
0x3a: {  	[tilespmem:s4+$0x8950] =	vst v0  }
0x3b: {  	[tilespmem:s4+$0x8960] =	vst v0  }
0x3c: {  	[tilespmem:s4+$0x8970] =	vst v0  }
0x3d: {  	[tilespmem:s4+$0x8D00] =	vst v0  }
0x3e: {  	[tilespmem:s4+$0x8D10] =	vst v0  }
0x3f: {  	[tilespmem:s4+$0x8D20] =	vst v0  }
0x40: {  	[tilespmem:s4+$0x8D30] =	vst v0  }
0x41: {  	[tilespmem:s4+$0x8D40] =	vst v0  }
0x42: {  	[tilespmem:s4+$0x8D50] =	vst v0  }
0x43: {  	[tilespmem:s4+$0x8D60] =	vst v0  }
0x44: {  	[tilespmem:s4+$0x8D70] =	vst v0  }
0x45: {  	[tilespmem:s4+$0x9100] =	vst v0  }
0x46: {  	[tilespmem:s4+$0x9110] =	vst v0  }
0x47: {  	[tilespmem:s4+$0x9120] =	vst v0  }
0x48: {  	[tilespmem:s4+$0x9130] =	vst v0  }
0x49: {  	[tilespmem:s4+$0x9140] =	vst v0  }
0x4a: {  	[tilespmem:s4+$0x9150] =	vst v0  }
0x4b: {  	[tilespmem:s4+$0x9160] =	vst v0  }
0x4c: {  	[tilespmem:s4+$0x9170] =	vst v0  }
0x4d: {  	[tilespmem:s4+$0x9500] =	vst v0  }
0x4e: {  	[tilespmem:s4+$0x9510] =	vst v0  }
0x4f: {  	[tilespmem:s4+$0x9520] =	vst v0  }
0x50: {  	[tilespmem:s4+$0x9530] =	vst v0  }
0x51: {  	[tilespmem:s4+$0x9540] =	vst v0  }
0x52: {  	[tilespmem:s4+$0x9550] =	vst v0  }
0x53: {  	[tilespmem:s4+$0x9560] =	vst v0  }
0x54: {  	[tilespmem:s4+$0x9570] =	vst v0  }
0x55: {  	[tilespmem:s4+$0x9900] =	vst v0  }
0x56: {  	[tilespmem:s4+$0x9910] =	vst v0  }
0x57: {  	[tilespmem:s4+$0x9920] =	vst v0  }
0x58: {  	[tilespmem:s4+$0x9930] =	vst v0  }
0x59: {  	s22 =	sand.u32 $0x7, s1;
	[tilespmem:s4+$0x9940] =	vst v0  }
0x5a: {  	s5 =	sshll.u32 s22, $0x7;
	[tilespmem:s4+$0x9950] =	vst v0  }
0x5b: {  	s5 =	sadd.s32 s5, s2;
	[tilespmem:s4+$0x9960] =	vst v0  }
0x5c: {  	[tilespmem:s4+$0x9970] =	vst v0;
	s23 =	sor.u32 $0x1C00, s5  }
0x5d: {  	s24 =	sor.u32 $0x1C10, s5;
	[tilespmem:s23+$0x8100] =	vst v0  }
0x5e: {  	s25 =	sor.u32 $0x1C20, s5;
	[tilespmem:s24+$0x8100] =	vst v0  }
0x5f: {  	p0 =	sne.s32 s3, $0x780;
	s26 =	sor.u32 $0x1C30, s5;
	[tilespmem:s25+$0x8100] =	vst v0  }
.Ltmp2:
0x60: {  	s28 =	sor.u32 $0x1C40, s5;
	[tilespmem:s26+$0x8100] =	vst v0;
	(pc) =	sbr.rel @p0 .LBB2_2-.Ltmp2, $4  }
0x61: {  	s29 =	sor.u32 $0x1C50, s5;
	[tilespmem:s28+$0x8100] =	vst v0  }
0x62: {  	s30 =	sor.u32 $0x1C60, s5;
	[tilespmem:s29+$0x8100] =	vst v0  }
0x63: {  	s1 =	sadd.s32 $0x1, s1;
	s31 =	sor.u32 $0x1C70, s5;
	[tilespmem:s30+$0x8100] =	vst v0  }
0x64: {  	s0 =	sadd.s32 $0x400, s0;
	s3 =	sadd.s32 $0x80, s3;
	s2 =	sadd.s32 $0x400, s2;
	[tilespmem:s31+$0x8100] =	vst v0  }
0x65: {  	s0 =	simm.s32 $0x3  }
0x66: {  	_ =	swait.ge [sflag:s0], $0xA0  }
0x67: {  	[sflag:s0] =	ssyncset.done $0x0  }
0x68: {  	s19 =	simm.s32 $0x0;
	[sflag:s0] =	ssyncadd.s32 $0xFFFFFF60  }
.LBB2_4:
0x69: {  	_ =	swait.ge [sflag:s14], $0x4000  }
0x6a: {  	s0 =	sshll.u32 s19, $0x5;
	[sflag:s14] =	ssyncset.done $0x0  }
0x6b: {  	s21 =	sand.u32 $0x3FFFFFE0, s0;
	[sflag:s14] =	ssyncadd.s32 $0xFFFFC000  }
0x6c: {  	v1 =	vld [tilespmem:s21+$0x0];
	_ =	sdelay $0x4  }
0x6d: {  	(v2sf) =	vpush v1, $0x0  }
0x6e: {  	(v2sf) =	vpush v1, $0xF;
	_ =	sdelay $0xd  }
0x6f: {  	s20 =	spop (v2sf)  }
0x70: {  	s22 =	spop (v2sf)  }
0x71: {  	p0 =	sne.s32 s20, s22  }
.Ltmp3:
0x72: {  	_ = 	snop;
	(pc) =	sbr.rel @p0 .LBB2_9-.Ltmp3, $1  }
0x73: {  	_ =	sdelay $0x3  }
0x74: {  	s0 =	sshll.u32 s20, $0xA;
	s1 =	sshll.u32 s20, $0x7  }
0x75: {  	s0 =	sand.u32 $0xFFFFE000, s0;
	s1 =	sand.u32 $0x380, s1  }
0x76: {  	s0 =	sor.u32 s1, s0  }
0x77: {  	s1 =	sadd.s32 $0x8100, s0  }
0x78: {  	s0 =	simm.s32 $0x0;
	v1 =	vmov s1  }
.LBB2_6:
0x79: {  	s2 =	sshll.u32 s0, $0xA  }
0x7a: {  	v4 =	vld [tilespmem:s2+$0x100]  }
0x7b: {  	v5 =	vld [tilespmem:s2+$0x180]  }
0x7c: {  	v7 =	vld [tilespmem:s2+$0x110]  }
0x7d: {  	v9 =	vld [tilespmem:s2+$0x190]  }
0x7e: {  	v11 =	vld [tilespmem:s2+$0x120]  }
0x7f: {  	v13 =	vld [tilespmem:s2+$0x1A0]  }
0x80: {  	v16 =	vld [tilespmem:s2+$0x130]  }
0x81: {  	v17 =	vld [tilespmem:s2+$0x1B0]  }
0x82: {  	v21 =	vld [tilespmem:s2+$0x140]  }
0x83: {  	v22 =	vld [tilespmem:s2+$0x1C0]  }
0x84: {  	v23 =	vld [tilespmem:s2+$0x150]  }
0x85: {  	v24 =	vld [tilespmem:s2+$0x1D0]  }
0x86: {  	s1 =	simm.s32 $0x800;
	v25 =	vld [tilespmem:s2+$0x160]  }
0x87: {  	s3 =	simm.s32 $0x100;
	s4 =	sor.u32 $0x100, s2;
	v26 =	vld [tilespmem:s2+$0x1E0];
	s5 =	sand.u32 $0x2000, s1  }
0x88: {  	v27 =	vld [tilespmem:s2+$0x170];
	s3 =	sand.u32 $0x300, s3;
	s5 =	sadd.s32 s5, s4  }
0x89: {  	v28 =	vld [tilespmem:s2+$0x1F0];
	s3 =	sadd.s32 s3, s5  }
0x8a: {  	v12 =	vld [tilespmem:s3+$0x80]  }
0x8b: {  	v10 =	vld [tilespmem:s3+$0x90]  }
0x8c: {  	v8 =	vld [tilespmem:s3+$0xA0]  }
0x8d: {  	v6 =	vld [tilespmem:s3+$0xB0]  }
0x8e: {  	v3 =	vld [tilespmem:s3+$0xC0]  }
0x8f: {  	v2 =	vld [tilespmem:s3+$0xD0]  }
0x90: {  	v20 =	vld [tilespmem:s3+$0x0]  }
0x91: {  	v19 =	vld [tilespmem:s3+$0x10];
	v15 =	vadd.f32 v5, v4;
	v14 =	vadd.f32 v9, v7  }
0x92: {  	v18 =	vld [tilespmem:s3+$0x20];
	v13 =	vadd.f32 v13, v11;
	v11 =	vadd.f32 v17, v16  }
0x93: {  	v9 =	vadd.f32 v22, v21;
	v7 =	vadd.f32 v24, v23;
	v17 =	vld [tilespmem:s3+$0x30]  }
0x94: {  	s5 =	simm.s32 $0x200;
	v5 =	vadd.f32 v26, v25;
	v4 =	vadd.f32 v28, v27;
	v16 =	vld [tilespmem:s3+$0x40]  }
.LBB2_7:
0x95: {  	p0 =	sne.s32 s5, $0x700;
	v21 =	vld [tilespmem:s3+$0x50]  }
0x96: {  	s1 =	sadd.s32 $0x800, s1;
	v22 =	vld [tilespmem:s3+$0x60]  }
0x97: {  	v15 =	vadd.f32 v20, v15;
	s6 =	sand.u32 $0x2000, s1;
	v14 =	vadd.f32 v19, v14;
	v19 =	vld [tilespmem:s3+$0x70]  }
0x98: {  	s9 =	sand.u32 $0x300, s5;
	s6 =	sadd.s32 s6, s4;
	v13 =	vadd.f32 v18, v13;
	v11 =	vadd.f32 v17, v11;
	v17 =	vld [tilespmem:s3+$0xE0]  }
0x99: {  	v15 =	vadd.f32 v12, v15;
	v14 =	vadd.f32 v10, v14;
	v18 =	vld [tilespmem:s3+$0xF0];
	s3 =	sadd.s32 s9, s6  }
0x9a: {  	v13 =	vadd.f32 v8, v13;
	v12 =	vld [tilespmem:s3+$0x80];
	v11 =	vadd.f32 v6, v11  }
0x9b: {  	v9 =	vadd.f32 v16, v9;
	v7 =	vadd.f32 v21, v7;
	v10 =	vld [tilespmem:s3+$0x90]  }
0x9c: {  	v5 =	vadd.f32 v22, v5;
	v8 =	vld [tilespmem:s3+$0xA0];
	v4 =	vadd.f32 v19, v4  }
0x9d: {  	v9 =	vadd.f32 v3, v9;
	v7 =	vadd.f32 v2, v7;
	v6 =	vld [tilespmem:s3+$0xB0]  }
0x9e: {  	v5 =	vadd.f32 v17, v5;
	v3 =	vld [tilespmem:s3+$0xC0];
	v4 =	vadd.f32 v18, v4  }
0x9f: {  	v2 =	vld [tilespmem:s3+$0xD0]  }
.Ltmp4:
0xa0: {  	v20 =	vld [tilespmem:s3+$0x0];
	(pc) =	sbr.rel @p0 .LBB2_7-.Ltmp4, $4  }
0xa1: {  	v19 =	vld [tilespmem:s3+$0x10]  }
0xa2: {  	v18 =	vld [tilespmem:s3+$0x20]  }
0xa3: {  	v17 =	vld [tilespmem:s3+$0x30]  }
0xa4: {  	s5 =	sadd.s32 $0x100, s5;
	v16 =	vld [tilespmem:s3+$0x40]  }
0xa5: {  	_ =	sdelay $0x3  }
0xa6: {  	v21 =	vld.idx.msk [tilespmem:v1+s2+$0x0 ss:$0x1], $0xffff  }
0xa7: {  	v15 =	vadd.f32 v20, v15;
	_ =	sdelay $0x1  }
0xa8: {  	v57 =	vld [tilespmem:s3+$0x50];
	v12 =	vadd.f32 v12, v15  }
0xa9: {  	v22 =	vld [tilespmem:s3+$0x60]  }
0xaa: {  	v58 =	vld [tilespmem:s3+$0x70];
	v12 =	vadd.f32 v21, v12  }
0xab: {  	v23 =	vld [tilespmem:s3+$0xE0]  }
0xac: {  	v59 =	vld [tilespmem:s3+$0xF0];
	[tilespmem:v1+s2+$0x0 ss:$0x1] =	vst.idx.msk $0xffff, v12  }
0xad: {  	v12 =	vld.idx.msk [tilespmem:v1+s2+$0x10 ss:$0x1], $0xffff  }
0xae: {  	v14 =	vadd.f32 v19, v14;
	_ =	sdelay $0x1  }
0xaf: {  	v10 =	vadd.f32 v10, v14;
	_ =	sdelay $0x1  }
0xb0: {  	v10 =	vadd.f32 v12, v10;
	_ =	sdelay $0x1  }
0xb1: {  	[tilespmem:v1+s2+$0x10 ss:$0x1] =	vst.idx.msk $0xffff, v10  }
0xb2: {  	v10 =	vld.idx.msk [tilespmem:v1+s2+$0x20 ss:$0x1], $0xffff  }
0xb3: {  	v60 =	vadd.f32 v18, v13;
	_ =	sdelay $0x1  }
0xb4: {  	v8 =	vadd.f32 v8, v60;
	_ =	sdelay $0x1  }
0xb5: {  	v8 =	vadd.f32 v10, v8;
	_ =	sdelay $0x1  }
0xb6: {  	[tilespmem:v1+s2+$0x20 ss:$0x1] =	vst.idx.msk $0xffff, v8  }
0xb7: {  	v8 =	vld.idx.msk [tilespmem:v1+s2+$0x30 ss:$0x1], $0xffff  }
0xb8: {  	v61 =	vadd.f32 v17, v11;
	_ =	sdelay $0x1  }
0xb9: {  	v6 =	vadd.f32 v6, v61;
	_ =	sdelay $0x1  }
0xba: {  	v6 =	vadd.f32 v8, v6;
	_ =	sdelay $0x1  }
0xbb: {  	[tilespmem:v1+s2+$0x30 ss:$0x1] =	vst.idx.msk $0xffff, v6  }
0xbc: {  	v6 =	vld.idx.msk [tilespmem:v1+s2+$0x40 ss:$0x1], $0xffff  }
0xbd: {  	v62 =	vadd.f32 v16, v9;
	_ =	sdelay $0x1  }
0xbe: {  	v3 =	vadd.f32 v3, v62;
	_ =	sdelay $0x1  }
0xbf: {  	v3 =	vadd.f32 v6, v3;
	_ =	sdelay $0x1  }
0xc0: {  	[tilespmem:v1+s2+$0x40 ss:$0x1] =	vst.idx.msk $0xffff, v3  }
0xc1: {  	v3 =	vld.idx.msk [tilespmem:v1+s2+$0x50 ss:$0x1], $0xffff  }
0xc2: {  	v63 =	vadd.f32 v57, v7;
	_ =	sdelay $0x1  }
0xc3: {  	v2 =	vadd.f32 v2, v63;
	_ =	sdelay $0x1  }
0xc4: {  	v2 =	vadd.f32 v3, v2;
	_ =	sdelay $0x1  }
0xc5: {  	[tilespmem:v1+s2+$0x50 ss:$0x1] =	vst.idx.msk $0xffff, v2  }
0xc6: {  	v2 =	vld.idx.msk [tilespmem:v1+s2+$0x60 ss:$0x1], $0xffff  }
0xc7: {  	v3 =	vadd.f32 v22, v5;
	_ =	sdelay $0x1  }
0xc8: {  	v3 =	vadd.f32 v23, v3;
	_ =	sdelay $0x1  }
0xc9: {  	v2 =	vadd.f32 v2, v3;
	_ =	sdelay $0x1  }
0xca: {  	[tilespmem:v1+s2+$0x60 ss:$0x1] =	vst.idx.msk $0xffff, v2  }
0xcb: {  	v2 =	vld.idx.msk [tilespmem:v1+s2+$0x70 ss:$0x1], $0xffff  }
0xcc: {  	s0 =	sadd.s32 $0x1, s0;
	v3 =	vadd.f32 v58, v4  }
0xcd: {  	p0 =	seq.s32 s0, $0x8  }
.Ltmp5:
0xce: {  	v3 =	vadd.f32 v59, v3;
	(pc) =	sbr.rel @!p0 .LBB2_6-.Ltmp5, $3  }
0xcf: {  	_ = 	snop  }
0xd0: {  	v2 =	vadd.f32 v2, v3;
	_ =	sdelay $0x1  }
0xd1: {  	[tilespmem:v1+s2+$0x70 ss:$0x1] =	vst.idx.msk $0xffff, v2  }
.LBB2_16:
0xd2: {  	s20 =	sshll.u32 s19, $0xF;
	p0 =	seq.s32 s19, $0x4  }
0xd3: {  	s0 =	sadd.s32 @!p0 s20, s7  }
0xd4: {  	s1 =	rddreg [dreg:$0x0];
	s0 =	sshrl.u32 @!p0 s0, $0x3  }
0xd5: {  	s2 =	simm.s32 @!p0 $0x100;
	s0 =	sadd.s32 @!p0 s1, s0;
	s1 =	simm.s32 @!p0 $0x0  }
0xd6: {  	[tilespmem:s2], [sflag:$0x1] =	stream.linear.gather @!p0 [hbm4b:s0+s1], $0x4000, $0x38;
	[tilespmem:$0xC100] =	vst v63  }
0xd7: {  	_ =	swait.ge [sflag:s15], $0x4000  }
0xd8: {  	[sflag:s15] =	ssyncset.done $0x0  }
0xd9: {  	[sflag:s15] =	ssyncadd.s32 $0xFFFFC000  }
0xda: {  	v1 =	vld [tilespmem:s21+$0x10];
	_ =	sdelay $0x4  }
0xdb: {  	(v2sf) =	vpush v1, $0x0  }
0xdc: {  	(v2sf) =	vpush v1, $0xF;
	_ =	sdelay $0xd  }
0xdd: {  	s21 =	spop (v2sf)  }
0xde: {  	s22 =	spop (v2sf)  }
0xdf: {  	p1 =	sne.s32 s21, s22  }
.Ltmp6:
0xe0: {  	_ = 	snop;
	(pc) =	sbr.rel @p1 .LBB2_21-.Ltmp6, $1  }
0xe1: {  	_ =	sdelay $0x3  }
0xe2: {  	s0 =	sshll.u32 s21, $0xA;
	s1 =	sshll.u32 s21, $0x7  }
0xe3: {  	s0 =	sand.u32 $0xFFFFE000, s0;
	s1 =	sand.u32 $0x380, s1  }
0xe4: {  	s0 =	sor.u32 s1, s0  }
0xe5: {  	s1 =	sadd.s32 $0x8100, s0  }
0xe6: {  	s0 =	simm.s32 $0x0;
	v1 =	vmov s1  }
.LBB2_18:
0xe7: {  	s2 =	sshll.u32 s0, $0xA  }
0xe8: {  	v4 =	vld [tilespmem:s2+$0x4100]  }
0xe9: {  	v5 =	vld [tilespmem:s2+$0x4180]  }
0xea: {  	v7 =	vld [tilespmem:s2+$0x4110]  }
0xeb: {  	v9 =	vld [tilespmem:s2+$0x4190]  }
0xec: {  	v11 =	vld [tilespmem:s2+$0x4120]  }
0xed: {  	v13 =	vld [tilespmem:s2+$0x41A0]  }
0xee: {  	v16 =	vld [tilespmem:s2+$0x4130]  }
0xef: {  	v17 =	vld [tilespmem:s2+$0x41B0]  }
0xf0: {  	v21 =	vld [tilespmem:s2+$0x4140]  }
0xf1: {  	v22 =	vld [tilespmem:s2+$0x41C0]  }
0xf2: {  	v23 =	vld [tilespmem:s2+$0x4150]  }
0xf3: {  	v24 =	vld [tilespmem:s2+$0x41D0]  }
0xf4: {  	s1 =	simm.s32 $0x800;
	v25 =	vld [tilespmem:s2+$0x4160]  }
0xf5: {  	s3 =	simm.s32 $0x100;
	s4 =	sadd.s32 $0x4100, s2;
	v26 =	vld [tilespmem:s2+$0x41E0];
	s5 =	sand.u32 $0x2000, s1  }
0xf6: {  	v27 =	vld [tilespmem:s2+$0x4170];
	s3 =	sand.u32 $0x300, s3;
	s5 =	sadd.s32 s5, s4  }
0xf7: {  	v28 =	vld [tilespmem:s2+$0x41F0];
	s3 =	sadd.s32 s3, s5  }
0xf8: {  	v12 =	vld [tilespmem:s3+$0x80]  }
0xf9: {  	v10 =	vld [tilespmem:s3+$0x90]  }
0xfa: {  	v8 =	vld [tilespmem:s3+$0xA0]  }
0xfb: {  	v6 =	vld [tilespmem:s3+$0xB0]  }
0xfc: {  	v3 =	vld [tilespmem:s3+$0xC0]  }
0xfd: {  	v2 =	vld [tilespmem:s3+$0xD0]  }
0xfe: {  	v20 =	vld [tilespmem:s3+$0x0]  }
0xff: {  	v19 =	vld [tilespmem:s3+$0x10];
	v15 =	vadd.f32 v5, v4;
	v14 =	vadd.f32 v9, v7  }
0x100: {  	v18 =	vld [tilespmem:s3+$0x20];
	v13 =	vadd.f32 v13, v11;
	v11 =	vadd.f32 v17, v16  }
0x101: {  	v9 =	vadd.f32 v22, v21;
	v7 =	vadd.f32 v24, v23;
	v17 =	vld [tilespmem:s3+$0x30]  }
0x102: {  	s5 =	simm.s32 $0x200;
	v5 =	vadd.f32 v26, v25;
	v4 =	vadd.f32 v28, v27;
	v16 =	vld [tilespmem:s3+$0x40]  }
.LBB2_19:
0x103: {  	p1 =	sne.s32 s5, $0x700;
	v21 =	vld [tilespmem:s3+$0x50]  }
0x104: {  	s1 =	sadd.s32 $0x800, s1;
	v22 =	vld [tilespmem:s3+$0x60]  }
0x105: {  	v15 =	vadd.f32 v20, v15;
	s6 =	sand.u32 $0x2000, s1;
	v14 =	vadd.f32 v19, v14;
	v19 =	vld [tilespmem:s3+$0x70]  }
0x106: {  	s8 =	sand.u32 $0x300, s5;
	s6 =	sadd.s32 s6, s4;
	v13 =	vadd.f32 v18, v13;
	v11 =	vadd.f32 v17, v11;
	v17 =	vld [tilespmem:s3+$0xE0]  }
0x107: {  	v15 =	vadd.f32 v12, v15;
	v14 =	vadd.f32 v10, v14;
	v18 =	vld [tilespmem:s3+$0xF0];
	s3 =	sadd.s32 s8, s6  }
0x108: {  	v13 =	vadd.f32 v8, v13;
	v12 =	vld [tilespmem:s3+$0x80];
	v11 =	vadd.f32 v6, v11  }
0x109: {  	v9 =	vadd.f32 v16, v9;
	v7 =	vadd.f32 v21, v7;
	v10 =	vld [tilespmem:s3+$0x90]  }
0x10a: {  	v5 =	vadd.f32 v22, v5;
	v8 =	vld [tilespmem:s3+$0xA0];
	v4 =	vadd.f32 v19, v4  }
0x10b: {  	v9 =	vadd.f32 v3, v9;
	v7 =	vadd.f32 v2, v7;
	v6 =	vld [tilespmem:s3+$0xB0]  }
0x10c: {  	v5 =	vadd.f32 v17, v5;
	v3 =	vld [tilespmem:s3+$0xC0];
	v4 =	vadd.f32 v18, v4  }
0x10d: {  	v2 =	vld [tilespmem:s3+$0xD0]  }
.Ltmp7:
0x10e: {  	v20 =	vld [tilespmem:s3+$0x0];
	(pc) =	sbr.rel @p1 .LBB2_19-.Ltmp7, $4  }
0x10f: {  	v19 =	vld [tilespmem:s3+$0x10]  }
0x110: {  	v18 =	vld [tilespmem:s3+$0x20]  }
0x111: {  	v17 =	vld [tilespmem:s3+$0x30]  }
0x112: {  	s5 =	sadd.s32 $0x100, s5;
	v16 =	vld [tilespmem:s3+$0x40]  }
0x113: {  	_ =	sdelay $0x3  }
0x114: {  	v21 =	vld.idx.msk [tilespmem:v1+s2+$0x0 ss:$0x1], $0xffff  }
0x115: {  	v15 =	vadd.f32 v20, v15;
	_ =	sdelay $0x1  }
0x116: {  	v57 =	vld [tilespmem:s3+$0x50];
	v12 =	vadd.f32 v12, v15  }
0x117: {  	v22 =	vld [tilespmem:s3+$0x60]  }
0x118: {  	v58 =	vld [tilespmem:s3+$0x70];
	v12 =	vadd.f32 v21, v12  }
0x119: {  	v23 =	vld [tilespmem:s3+$0xE0]  }
0x11a: {  	v59 =	vld [tilespmem:s3+$0xF0];
	[tilespmem:v1+s2+$0x0 ss:$0x1] =	vst.idx.msk $0xffff, v12  }
0x11b: {  	v12 =	vld.idx.msk [tilespmem:v1+s2+$0x10 ss:$0x1], $0xffff  }
0x11c: {  	v14 =	vadd.f32 v19, v14;
	_ =	sdelay $0x1  }
0x11d: {  	v10 =	vadd.f32 v10, v14;
	_ =	sdelay $0x1  }
0x11e: {  	v10 =	vadd.f32 v12, v10;
	_ =	sdelay $0x1  }
0x11f: {  	[tilespmem:v1+s2+$0x10 ss:$0x1] =	vst.idx.msk $0xffff, v10  }
0x120: {  	v10 =	vld.idx.msk [tilespmem:v1+s2+$0x20 ss:$0x1], $0xffff  }
0x121: {  	v60 =	vadd.f32 v18, v13;
	_ =	sdelay $0x1  }
0x122: {  	v8 =	vadd.f32 v8, v60;
	_ =	sdelay $0x1  }
0x123: {  	v8 =	vadd.f32 v10, v8;
	_ =	sdelay $0x1  }
0x124: {  	[tilespmem:v1+s2+$0x20 ss:$0x1] =	vst.idx.msk $0xffff, v8  }
0x125: {  	v8 =	vld.idx.msk [tilespmem:v1+s2+$0x30 ss:$0x1], $0xffff  }
0x126: {  	v61 =	vadd.f32 v17, v11;
	_ =	sdelay $0x1  }
0x127: {  	v6 =	vadd.f32 v6, v61;
	_ =	sdelay $0x1  }
0x128: {  	v6 =	vadd.f32 v8, v6;
	_ =	sdelay $0x1  }
0x129: {  	[tilespmem:v1+s2+$0x30 ss:$0x1] =	vst.idx.msk $0xffff, v6  }
0x12a: {  	v6 =	vld.idx.msk [tilespmem:v1+s2+$0x40 ss:$0x1], $0xffff  }
0x12b: {  	v62 =	vadd.f32 v16, v9;
	_ =	sdelay $0x1  }
0x12c: {  	v3 =	vadd.f32 v3, v62;
	_ =	sdelay $0x1  }
0x12d: {  	v3 =	vadd.f32 v6, v3;
	_ =	sdelay $0x1  }
0x12e: {  	[tilespmem:v1+s2+$0x40 ss:$0x1] =	vst.idx.msk $0xffff, v3  }
0x12f: {  	v3 =	vld.idx.msk [tilespmem:v1+s2+$0x50 ss:$0x1], $0xffff  }
0x130: {  	v63 =	vadd.f32 v57, v7;
	_ =	sdelay $0x1  }
0x131: {  	v2 =	vadd.f32 v2, v63;
	_ =	sdelay $0x1  }
0x132: {  	v2 =	vadd.f32 v3, v2;
	_ =	sdelay $0x1  }
0x133: {  	[tilespmem:v1+s2+$0x50 ss:$0x1] =	vst.idx.msk $0xffff, v2  }
0x134: {  	v2 =	vld.idx.msk [tilespmem:v1+s2+$0x60 ss:$0x1], $0xffff  }
0x135: {  	v3 =	vadd.f32 v22, v5;
	_ =	sdelay $0x1  }
0x136: {  	v3 =	vadd.f32 v23, v3;
	_ =	sdelay $0x1  }
0x137: {  	v2 =	vadd.f32 v2, v3;
	_ =	sdelay $0x1  }
0x138: {  	[tilespmem:v1+s2+$0x60 ss:$0x1] =	vst.idx.msk $0xffff, v2  }
0x139: {  	v2 =	vld.idx.msk [tilespmem:v1+s2+$0x70 ss:$0x1], $0xffff  }
0x13a: {  	s0 =	sadd.s32 $0x1, s0;
	v3 =	vadd.f32 v58, v4  }
0x13b: {  	p1 =	seq.s32 s0, $0x8  }
.Ltmp8:
0x13c: {  	v3 =	vadd.f32 v59, v3;
	(pc) =	sbr.rel @!p1 .LBB2_18-.Ltmp8, $3  }
0x13d: {  	_ = 	snop  }
0x13e: {  	v2 =	vadd.f32 v2, v3;
	_ =	sdelay $0x1  }
0x13f: {  	[tilespmem:v1+s2+$0x70 ss:$0x1] =	vst.idx.msk $0xffff, v2  }
.LBB2_28:
.Ltmp9:
0x140: {  	(pc) =	sbr.rel @p0 .LBB2_30-.Ltmp9, $1  }
0x141: {  	_ =	sdelay $0x3  }
.Ltmp10:
0x142: {  	s0 =	rddreg [dreg:$0x7];
	(pc) =	sbr.rel .LBB2_4-.Ltmp10, $4  }
0x143: {  	s0 =	sadd.s32 s20, s0  }
0x144: {  	s1 =	rddreg [dreg:$0x0];
	s31 =	simm.s32 $0x0;
	s0 =	sshrl.u32 s0, $0x3  }
0x145: {  	s2 =	simm.s32 $0x4100;
	s19 =	sadd.s32 $0x1, s19;
	s0 =	sadd.s32 s1, s0  }
0x146: {  	[tilespmem:s2], [sflag:$0x2] =	stream.linear.gather [hbm4b:s0+s31], $0x4000, $0x38;
	[tilespmem:$0xC100] =	vst v63  }
.LBB2_9:
0x147: {  	(v2sf) =	vpush v1, $0x1  }
0x148: {  	(v2sf) =	vpush v1, $0x2  }
0x149: {  	(v2sf) =	vpush v1, $0x3  }
0x14a: {  	(v2sf) =	vpush v1, $0x4  }
0x14b: {  	(v2sf) =	vpush v1, $0x5  }
0x14c: {  	(v2sf) =	vpush v1, $0x6  }
0x14d: {  	(v2sf) =	vpush v1, $0x7  }
0x14e: {  	(v2sf) =	vpush v1, $0x8  }
0x14f: {  	(v2sf) =	vpush v1, $0x9  }
0x150: {  	(v2sf) =	vpush v1, $0xA  }
0x151: {  	(v2sf) =	vpush v1, $0xB  }
0x152: {  	(v2sf) =	vpush v1, $0xC  }
0x153: {  	(v2sf) =	vpush v1, $0xD  }
0x154: {  	(v2sf) =	vpush v1, $0xE;
	_ =	sdelay $0x1  }
0x155: {  	s23 =	spop (v2sf)  }
0x156: {  	s24 =	spop (v2sf)  }
0x157: {  	s25 =	spop (v2sf)  }
0x158: {  	s26 =	spop (v2sf)  }
0x159: {  	s28 =	spop (v2sf)  }
0x15a: {  	s29 =	spop (v2sf)  }
0x15b: {  	s30 =	spop (v2sf)  }
0x15c: {  	s31 =	spop (v2sf)  }
0x15d: {  	s0 =	spop (v2sf)  }
.Ltmp11:
0x15e: {  	s2 =	spop (v2sf);
	(pc) =	sbr.rel .LBB2_10-.Ltmp11, $4  }
0x15f: {  	s11 =	spop (v2sf)  }
0x160: {  	s16 =	spop (v2sf)  }
0x161: {  	s13 =	simm.s32 $0x0;
	s9 =	simm.s32 $0x0;
	s5 =	spop (v2sf)  }
0x162: {  	s10 =	simm.s32 $0x0;
	s4 =	simm.s32 $0x0;
	s6 =	spop (v2sf)  }
.LBB2_15:
0x163: {  	s4 =	sadd.s32 $0x1, s4  }
0x164: {  	p0 =	sne.s32 s4, $0x10  }
.Ltmp12:
0x165: {  	_ = 	snop;
	(pc) =	sbr.rel @!p0 .LBB2_16-.Ltmp12, $2  }
0x166: {  	_ =	sdelay $0x2  }
0x167: {  	s10 =	sadd.s32 $0x400, s10;
	s9 =	sadd.s32 $0x1, s9;
	s13 =	smov.u32 s17  }
.LBB2_10:
0x168: {  	p0 =	sle.s32 s20, s4  }
0x169: {  	s1 =	simm.s32 $0x1;
	p1 =	sle.s32 s23, s4;
	s3 =	simm.s32 $0x1  }
0x16a: {  	s1 =	simm.s32 @!p0 $0x0;
	s3 =	simm.s32 @!p1 $0x0  }
0x16b: {  	p0 =	sle.s32 s24, s4;
	s1 =	sadd.s32 s3, s1;
	s3 =	simm.s32 $0x1  }
0x16c: {  	s12 =	simm.s32 $0x1;
	s3 =	simm.s32 @!p0 $0x0;
	p0 =	sle.s32 s25, s4  }
0x16d: {  	s1 =	sadd.s32 s3, s1;
	s12 =	simm.s32 @!p0 $0x0  }
0x16e: {  	p0 =	sle.s32 s26, s4;
	s3 =	simm.s32 $0x1;
	s1 =	sadd.s32 s12, s1  }
0x16f: {  	s3 =	simm.s32 @!p0 $0x0;
	p0 =	sle.s32 s28, s4;
	s12 =	simm.s32 $0x1  }
0x170: {  	s1 =	sadd.s32 s3, s1;
	s12 =	simm.s32 @!p0 $0x0  }
0x171: {  	p0 =	sle.s32 s29, s4;
	s3 =	simm.s32 $0x1;
	s1 =	sadd.s32 s12, s1  }
0x172: {  	s3 =	simm.s32 @!p0 $0x0;
	p0 =	sle.s32 s30, s4;
	s12 =	simm.s32 $0x1  }
0x173: {  	s1 =	sadd.s32 s3, s1;
	s12 =	simm.s32 @!p0 $0x0  }
0x174: {  	p0 =	sle.s32 s31, s4;
	s3 =	simm.s32 $0x1;
	s1 =	sadd.s32 s12, s1  }
0x175: {  	s3 =	simm.s32 @!p0 $0x0;
	p0 =	sle.s32 s0, s4;
	s12 =	simm.s32 $0x1  }
0x176: {  	s1 =	sadd.s32 s3, s1;
	s12 =	simm.s32 @!p0 $0x0  }
0x177: {  	p0 =	sle.s32 s2, s4;
	s3 =	simm.s32 $0x1;
	s1 =	sadd.s32 s12, s1  }
0x178: {  	s3 =	simm.s32 @!p0 $0x0;
	p0 =	sle.s32 s11, s4;
	s12 =	simm.s32 $0x1  }
0x179: {  	s1 =	sadd.s32 s3, s1;
	s12 =	simm.s32 @!p0 $0x0  }
0x17a: {  	p0 =	sle.s32 s16, s4;
	s3 =	simm.s32 $0x1;
	s1 =	sadd.s32 s12, s1  }
0x17b: {  	s3 =	simm.s32 @!p0 $0x0;
	p0 =	sle.s32 s5, s4;
	s12 =	simm.s32 $0x1  }
0x17c: {  	s1 =	sadd.s32 s3, s1;
	s12 =	simm.s32 @!p0 $0x0  }
0x17d: {  	p0 =	sle.s32 s6, s4;
	s3 =	simm.s32 $0x1;
	s1 =	sadd.s32 s12, s1  }
0x17e: {  	s3 =	simm.s32 @!p0 $0x0;
	p0 =	sle.s32 s22, s4;
	s12 =	simm.s32 $0x1  }
0x17f: {  	s1 =	sadd.s32 s3, s1;
	s12 =	simm.s32 @!p0 $0x0  }
0x180: {  	s17 =	sadd.s32 s12, s1  }
0x181: {  	p0 =	sle.s32 s17, s13  }
.Ltmp13:
0x182: {  	_ = 	snop;
	(pc) =	sbr.rel @p0 .LBB2_15-.Ltmp13, $1  }
0x183: {  	_ =	sdelay $0x3  }
0x184: {  	s1 =	sshll.u32 s10, $0x2;
	s3 =	sand.u32 $0x7, s9  }
0x185: {  	s1 =	sand.u32 $0xFFFF8000, s1;
	s3 =	sshll.u32 s3, $0x9  }
0x186: {  	s1 =	sor.u32 s3, s1  }
0x187: {  	s1 =	sshrl.u32 s1, $0x2  }
0x188: {  	s1 =	sadd.s32 $0x8100, s1  }
0x189: {  	s18 =	sshll.u32 s13, $0xA;
	s12 =	sand.u32 $0x1FFFFFF, s13;
	v1 =	vmov s1  }
.LBB2_12:
0x18a: {  	s1 =	sshll.u32 s18, $0x2;
	s3 =	sand.u32 $0x7, s12  }
0x18b: {  	s1 =	sand.u32 $0xFFFF8000, s1;
	s3 =	sshll.u32 s3, $0x9  }
0x18c: {  	s1 =	sor.u32 s3, s1  }
0x18d: {  	s1 =	sshra.s32 s1, $0x2  }
0x18e: {  	s1 =	sadd.s32 $0x140, s1  }
0x18f: {  	v2 =	vmov s1;
	_ =	sdelay $0x2  }
0x190: {  	s3 =	simm.s32 $0x0  }
0x191: {  	v3 =	vld.idx.msk [tilespmem:v1+s3+$0x0 ss:$0x1], $0xffff  }
0x192: {  	v4 =	vld.idx.msk [tilespmem:v2+s3+$0xFFFFFFC0 ss:$0x1], $0xffff;
	_ =	sdelay $0x4  }
0x193: {  	v3 =	vadd.f32 v4, v3;
	_ =	sdelay $0x1  }
0x194: {  	[tilespmem:v1+s3+$0x0 ss:$0x1] =	vst.idx.msk $0xffff, v3  }
0x195: {  	v3 =	vld.idx.msk [tilespmem:v1+s3+$0x10 ss:$0x1], $0xffff  }
0x196: {  	v4 =	vld.idx.msk [tilespmem:v2+s3+$0xFFFFFFD0 ss:$0x1], $0xffff;
	_ =	sdelay $0x4  }
0x197: {  	v3 =	vadd.f32 v4, v3;
	_ =	sdelay $0x1  }
0x198: {  	[tilespmem:v1+s3+$0x10 ss:$0x1] =	vst.idx.msk $0xffff, v3  }
0x199: {  	v3 =	vld.idx.msk [tilespmem:v1+s3+$0x20 ss:$0x1], $0xffff  }
0x19a: {  	v4 =	vld.idx.msk [tilespmem:v2+s3+$0xFFFFFFE0 ss:$0x1], $0xffff;
	_ =	sdelay $0x4  }
0x19b: {  	v3 =	vadd.f32 v4, v3;
	_ =	sdelay $0x1  }
0x19c: {  	[tilespmem:v1+s3+$0x20 ss:$0x1] =	vst.idx.msk $0xffff, v3  }
0x19d: {  	v3 =	vld.idx.msk [tilespmem:v1+s3+$0x30 ss:$0x1], $0xffff  }
0x19e: {  	v4 =	vld.idx.msk [tilespmem:v2+s3+$0xFFFFFFF0 ss:$0x1], $0xffff;
	_ =	sdelay $0x4  }
0x19f: {  	v3 =	vadd.f32 v4, v3;
	_ =	sdelay $0x1  }
0x1a0: {  	[tilespmem:v1+s3+$0x30 ss:$0x1] =	vst.idx.msk $0xffff, v3  }
0x1a1: {  	v3 =	vld.idx.msk [tilespmem:v1+s3+$0x40 ss:$0x1], $0xffff  }
0x1a2: {  	v4 =	vld.idx.msk [tilespmem:v2+s3+$0x0 ss:$0x1], $0xffff;
	_ =	sdelay $0x4  }
0x1a3: {  	v3 =	vadd.f32 v4, v3;
	_ =	sdelay $0x1  }
0x1a4: {  	[tilespmem:v1+s3+$0x40 ss:$0x1] =	vst.idx.msk $0xffff, v3  }
0x1a5: {  	v3 =	vld.idx.msk [tilespmem:v1+s3+$0x50 ss:$0x1], $0xffff  }
0x1a6: {  	v4 =	vld.idx.msk [tilespmem:v2+s3+$0x10 ss:$0x1], $0xffff;
	_ =	sdelay $0x4  }
0x1a7: {  	v3 =	vadd.f32 v4, v3;
	_ =	sdelay $0x1  }
0x1a8: {  	[tilespmem:v1+s3+$0x50 ss:$0x1] =	vst.idx.msk $0xffff, v3  }
0x1a9: {  	v3 =	vld.idx.msk [tilespmem:v1+s3+$0x60 ss:$0x1], $0xffff  }
0x1aa: {  	v4 =	vld.idx.msk [tilespmem:v2+s3+$0x20 ss:$0x1], $0xffff;
	_ =	sdelay $0x4  }
0x1ab: {  	v3 =	vadd.f32 v4, v3;
	_ =	sdelay $0x1  }
0x1ac: {  	[tilespmem:v1+s3+$0x60 ss:$0x1] =	vst.idx.msk $0xffff, v3  }
0x1ad: {  	s1 =	simm.s32 $0x1000;
	v3 =	vld.idx.msk [tilespmem:v1+s3+$0x70 ss:$0x1], $0xffff  }
.LBB2_13:
0x1ae: {  	p0 =	sne.s32 s1, $0x7000;
	v4 =	vld.idx.msk [tilespmem:v2+s3+$0x30 ss:$0x1], $0xffff;
	s8 =	smov.u32 s1;
	s1 =	sadd.s32 $0x1000, s1  }
0x1af: {  	_ =	sdelay $0x4  }
0x1b0: {  	v3 =	vadd.f32 v4, v3  }
0x1b1: {  	s8 =	sshra.s32 s8, $0x2  }
0x1b2: {  	v4 =	vld.idx.msk [tilespmem:v1+s8+$0x0 ss:$0x1], $0xffff;
	[tilespmem:v1+s3+$0x70 ss:$0x1] =	vst.idx.msk $0xffff, v3;
	s3 =	smov.u32 s8  }
0x1b3: {  	v3 =	vld.idx.msk [tilespmem:v2+s3+$0xFFFFFFC0 ss:$0x1], $0xffff;
	_ =	sdelay $0x5  }
0x1b4: {  	v3 =	vadd.f32 v3, v4;
	_ =	sdelay $0x1  }
0x1b5: {  	[tilespmem:v1+s3+$0x0 ss:$0x1] =	vst.idx.msk $0xffff, v3  }
0x1b6: {  	v3 =	vld.idx.msk [tilespmem:v1+s3+$0x10 ss:$0x1], $0xffff  }
0x1b7: {  	v4 =	vld.idx.msk [tilespmem:v2+s3+$0xFFFFFFD0 ss:$0x1], $0xffff;
	_ =	sdelay $0x5  }
0x1b8: {  	v3 =	vadd.f32 v4, v3;
	_ =	sdelay $0x1  }
0x1b9: {  	[tilespmem:v1+s3+$0x10 ss:$0x1] =	vst.idx.msk $0xffff, v3  }
0x1ba: {  	v3 =	vld.idx.msk [tilespmem:v1+s3+$0x20 ss:$0x1], $0xffff  }
0x1bb: {  	v4 =	vld.idx.msk [tilespmem:v2+s3+$0xFFFFFFE0 ss:$0x1], $0xffff;
	_ =	sdelay $0x5  }
0x1bc: {  	v3 =	vadd.f32 v4, v3;
	_ =	sdelay $0x1  }
0x1bd: {  	[tilespmem:v1+s3+$0x20 ss:$0x1] =	vst.idx.msk $0xffff, v3  }
0x1be: {  	v3 =	vld.idx.msk [tilespmem:v1+s3+$0x30 ss:$0x1], $0xffff  }
0x1bf: {  	v4 =	vld.idx.msk [tilespmem:v2+s3+$0xFFFFFFF0 ss:$0x1], $0xffff;
	_ =	sdelay $0x5  }
0x1c0: {  	v3 =	vadd.f32 v4, v3;
	_ =	sdelay $0x1  }
0x1c1: {  	[tilespmem:v1+s3+$0x30 ss:$0x1] =	vst.idx.msk $0xffff, v3  }
0x1c2: {  	v3 =	vld.idx.msk [tilespmem:v1+s3+$0x40 ss:$0x1], $0xffff  }
0x1c3: {  	v4 =	vld.idx.msk [tilespmem:v2+s3+$0x0 ss:$0x1], $0xffff;
	_ =	sdelay $0x5  }
0x1c4: {  	v3 =	vadd.f32 v4, v3;
	_ =	sdelay $0x1  }
0x1c5: {  	[tilespmem:v1+s3+$0x40 ss:$0x1] =	vst.idx.msk $0xffff, v3  }
0x1c6: {  	v3 =	vld.idx.msk [tilespmem:v1+s3+$0x50 ss:$0x1], $0xffff  }
0x1c7: {  	v4 =	vld.idx.msk [tilespmem:v2+s3+$0x10 ss:$0x1], $0xffff;
	_ =	sdelay $0x5  }
0x1c8: {  	v3 =	vadd.f32 v4, v3;
	_ =	sdelay $0x1  }
0x1c9: {  	[tilespmem:v1+s3+$0x50 ss:$0x1] =	vst.idx.msk $0xffff, v3  }
0x1ca: {  	v3 =	vld.idx.msk [tilespmem:v1+s3+$0x60 ss:$0x1], $0xffff  }
0x1cb: {  	v4 =	vld.idx.msk [tilespmem:v2+s3+$0x20 ss:$0x1], $0xffff;
	_ =	sdelay $0x4  }
.Ltmp14:
0x1cc: {  	(pc) =	sbr.rel @p0 .LBB2_13-.Ltmp14, $3  }
0x1cd: {  	v3 =	vadd.f32 v4, v3;
	_ =	sdelay $0x1  }
0x1ce: {  	[tilespmem:v1+s3+$0x60 ss:$0x1] =	vst.idx.msk $0xffff, v3  }
0x1cf: {  	v3 =	vld.idx.msk [tilespmem:v1+s3+$0x70 ss:$0x1], $0xffff  }
0x1d0: {  	_ =	sdelay $0x3  }
0x1d1: {  	v2 =	vld.idx.msk [tilespmem:v2+s3+$0x30 ss:$0x1], $0xffff  }
0x1d2: {  	s13 =	sadd.s32 $0x1, s13  }
0x1d3: {  	p0 =	slt.s32 s13, s17  }
.Ltmp15:
0x1d4: {  	_ = 	snop;
	(pc) =	sbr.rel @p0 .LBB2_12-.Ltmp15, $4  }
.Ltmp16:
0x1d5: {  	_ = 	snop;
	(pc) =	sbr.rel @!p0 .LBB2_15-.Ltmp16, $4  }
0x1d6: {  	v2 =	vadd.f32 v2, v3  }
0x1d7: {  	_ = 	snop  }
0x1d8: {  	s18 =	sadd.s32 $0x400, s18;
	s12 =	sadd.s32 $0x1, s12;
	[tilespmem:v1+s3+$0x70 ss:$0x1] =	vst.idx.msk $0xffff, v2  }
0x1d9: {  	_ = 	snop  }
.LBB2_21:
0x1da: {  	(v2sf) =	vpush v1, $0x1  }
0x1db: {  	(v2sf) =	vpush v1, $0x2  }
0x1dc: {  	(v2sf) =	vpush v1, $0x3  }
0x1dd: {  	(v2sf) =	vpush v1, $0x4  }
0x1de: {  	(v2sf) =	vpush v1, $0x5  }
0x1df: {  	(v2sf) =	vpush v1, $0x6  }
0x1e0: {  	(v2sf) =	vpush v1, $0x7  }
0x1e1: {  	(v2sf) =	vpush v1, $0x8  }
0x1e2: {  	(v2sf) =	vpush v1, $0x9  }
0x1e3: {  	(v2sf) =	vpush v1, $0xA  }
0x1e4: {  	(v2sf) =	vpush v1, $0xB  }
0x1e5: {  	(v2sf) =	vpush v1, $0xC  }
0x1e6: {  	(v2sf) =	vpush v1, $0xD  }
0x1e7: {  	(v2sf) =	vpush v1, $0xE;
	_ =	sdelay $0x1  }
0x1e8: {  	s23 =	spop (v2sf)  }
0x1e9: {  	s24 =	spop (v2sf)  }
0x1ea: {  	s25 =	spop (v2sf)  }
0x1eb: {  	s26 =	spop (v2sf)  }
0x1ec: {  	s28 =	spop (v2sf)  }
0x1ed: {  	s29 =	spop (v2sf)  }
0x1ee: {  	s30 =	spop (v2sf)  }
0x1ef: {  	s31 =	spop (v2sf)  }
0x1f0: {  	s0 =	spop (v2sf)  }
.Ltmp17:
0x1f1: {  	s2 =	spop (v2sf);
	(pc) =	sbr.rel .LBB2_22-.Ltmp17, $4  }
0x1f2: {  	s11 =	spop (v2sf)  }
0x1f3: {  	s16 =	spop (v2sf)  }
0x1f4: {  	s13 =	simm.s32 $0x0;
	s9 =	simm.s32 $0x0;
	s5 =	spop (v2sf)  }
0x1f5: {  	s10 =	simm.s32 $0x0;
	s4 =	simm.s32 $0x0;
	s6 =	spop (v2sf)  }
.LBB2_27:
0x1f6: {  	s4 =	sadd.s32 $0x1, s4  }
0x1f7: {  	p1 =	sne.s32 s4, $0x10  }
.Ltmp18:
0x1f8: {  	_ = 	snop;
	(pc) =	sbr.rel @!p1 .LBB2_28-.Ltmp18, $2  }
0x1f9: {  	_ =	sdelay $0x2  }
0x1fa: {  	s10 =	sadd.s32 $0x400, s10;
	s9 =	sadd.s32 $0x1, s9;
	s13 =	smov.u32 s17  }
.LBB2_22:
0x1fb: {  	p1 =	sle.s32 s21, s4  }
0x1fc: {  	s1 =	simm.s32 $0x1;
	p2 =	sle.s32 s23, s4;
	s3 =	simm.s32 $0x1  }
0x1fd: {  	s1 =	simm.s32 @!p1 $0x0;
	s3 =	simm.s32 @!p2 $0x0  }
0x1fe: {  	p1 =	sle.s32 s24, s4;
	s1 =	sadd.s32 s3, s1;
	s3 =	simm.s32 $0x1  }
0x1ff: {  	s8 =	simm.s32 $0x1;
	s3 =	simm.s32 @!p1 $0x0;
	p1 =	sle.s32 s25, s4  }
0x200: {  	s1 =	sadd.s32 s3, s1;
	s8 =	simm.s32 @!p1 $0x0  }
0x201: {  	p1 =	sle.s32 s26, s4;
	s3 =	simm.s32 $0x1;
	s1 =	sadd.s32 s8, s1  }
0x202: {  	s3 =	simm.s32 @!p1 $0x0;
	p1 =	sle.s32 s28, s4;
	s8 =	simm.s32 $0x1  }
0x203: {  	s1 =	sadd.s32 s3, s1;
	s8 =	simm.s32 @!p1 $0x0  }
0x204: {  	p1 =	sle.s32 s29, s4;
	s3 =	simm.s32 $0x1;
	s1 =	sadd.s32 s8, s1  }
0x205: {  	s3 =	simm.s32 @!p1 $0x0;
	p1 =	sle.s32 s30, s4;
	s8 =	simm.s32 $0x1  }
0x206: {  	s1 =	sadd.s32 s3, s1;
	s8 =	simm.s32 @!p1 $0x0  }
0x207: {  	p1 =	sle.s32 s31, s4;
	s3 =	simm.s32 $0x1;
	s1 =	sadd.s32 s8, s1  }
0x208: {  	s3 =	simm.s32 @!p1 $0x0;
	p1 =	sle.s32 s0, s4;
	s8 =	simm.s32 $0x1  }
0x209: {  	s1 =	sadd.s32 s3, s1;
	s8 =	simm.s32 @!p1 $0x0  }
0x20a: {  	p1 =	sle.s32 s2, s4;
	s3 =	simm.s32 $0x1;
	s1 =	sadd.s32 s8, s1  }
0x20b: {  	s3 =	simm.s32 @!p1 $0x0;
	p1 =	sle.s32 s11, s4;
	s8 =	simm.s32 $0x1  }
0x20c: {  	s1 =	sadd.s32 s3, s1;
	s8 =	simm.s32 @!p1 $0x0  }
0x20d: {  	p1 =	sle.s32 s16, s4;
	s3 =	simm.s32 $0x1;
	s1 =	sadd.s32 s8, s1  }
0x20e: {  	s3 =	simm.s32 @!p1 $0x0;
	p1 =	sle.s32 s5, s4;
	s8 =	simm.s32 $0x1  }
0x20f: {  	s1 =	sadd.s32 s3, s1;
	s8 =	simm.s32 @!p1 $0x0  }
0x210: {  	p1 =	sle.s32 s6, s4;
	s3 =	simm.s32 $0x1;
	s1 =	sadd.s32 s8, s1  }
0x211: {  	s3 =	simm.s32 @!p1 $0x0;
	p1 =	sle.s32 s22, s4;
	s8 =	simm.s32 $0x1  }
0x212: {  	s1 =	sadd.s32 s3, s1;
	s8 =	simm.s32 @!p1 $0x0  }
0x213: {  	s17 =	sadd.s32 s8, s1  }
0x214: {  	p1 =	sle.s32 s17, s13  }
.Ltmp19:
0x215: {  	_ = 	snop;
	(pc) =	sbr.rel @p1 .LBB2_27-.Ltmp19, $1  }
0x216: {  	_ =	sdelay $0x3  }
0x217: {  	s1 =	sshll.u32 s10, $0x2;
	s3 =	sand.u32 $0x7, s9  }
0x218: {  	s1 =	sand.u32 $0xFFFF8000, s1;
	s3 =	sshll.u32 s3, $0x9  }
0x219: {  	s1 =	sor.u32 s3, s1  }
0x21a: {  	s1 =	sshrl.u32 s1, $0x2  }
0x21b: {  	s1 =	sadd.s32 $0x8100, s1  }
0x21c: {  	s18 =	sshll.u32 s13, $0xA;
	s12 =	sand.u32 $0x1FFFFFF, s13;
	v1 =	vmov s1  }
.LBB2_24:
0x21d: {  	s1 =	sshll.u32 s18, $0x2;
	s3 =	sand.u32 $0x7, s12  }
0x21e: {  	s1 =	sand.u32 $0xFFFF8000, s1;
	s3 =	sshll.u32 s3, $0x9  }
0x21f: {  	s1 =	sor.u32 s3, s1  }
0x220: {  	s1 =	sshra.s32 s1, $0x2  }
0x221: {  	s1 =	sadd.s32 $0x4140, s1  }
0x222: {  	v2 =	vmov s1;
	_ =	sdelay $0x2  }
0x223: {  	s3 =	simm.s32 $0x0  }
0x224: {  	v3 =	vld.idx.msk [tilespmem:v1+s3+$0x0 ss:$0x1], $0xffff  }
0x225: {  	v4 =	vld.idx.msk [tilespmem:v2+s3+$0xFFFFFFC0 ss:$0x1], $0xffff;
	_ =	sdelay $0x4  }
0x226: {  	v3 =	vadd.f32 v4, v3;
	_ =	sdelay $0x1  }
0x227: {  	[tilespmem:v1+s3+$0x0 ss:$0x1] =	vst.idx.msk $0xffff, v3  }
0x228: {  	v3 =	vld.idx.msk [tilespmem:v1+s3+$0x10 ss:$0x1], $0xffff  }
0x229: {  	v4 =	vld.idx.msk [tilespmem:v2+s3+$0xFFFFFFD0 ss:$0x1], $0xffff;
	_ =	sdelay $0x4  }
0x22a: {  	v3 =	vadd.f32 v4, v3;
	_ =	sdelay $0x1  }
0x22b: {  	[tilespmem:v1+s3+$0x10 ss:$0x1] =	vst.idx.msk $0xffff, v3  }
0x22c: {  	v3 =	vld.idx.msk [tilespmem:v1+s3+$0x20 ss:$0x1], $0xffff  }
0x22d: {  	v4 =	vld.idx.msk [tilespmem:v2+s3+$0xFFFFFFE0 ss:$0x1], $0xffff;
	_ =	sdelay $0x4  }
0x22e: {  	v3 =	vadd.f32 v4, v3;
	_ =	sdelay $0x1  }
0x22f: {  	[tilespmem:v1+s3+$0x20 ss:$0x1] =	vst.idx.msk $0xffff, v3  }
0x230: {  	v3 =	vld.idx.msk [tilespmem:v1+s3+$0x30 ss:$0x1], $0xffff  }
0x231: {  	v4 =	vld.idx.msk [tilespmem:v2+s3+$0xFFFFFFF0 ss:$0x1], $0xffff;
	_ =	sdelay $0x4  }
0x232: {  	v3 =	vadd.f32 v4, v3;
	_ =	sdelay $0x1  }
0x233: {  	[tilespmem:v1+s3+$0x30 ss:$0x1] =	vst.idx.msk $0xffff, v3  }
0x234: {  	v3 =	vld.idx.msk [tilespmem:v1+s3+$0x40 ss:$0x1], $0xffff  }
0x235: {  	v4 =	vld.idx.msk [tilespmem:v2+s3+$0x0 ss:$0x1], $0xffff;
	_ =	sdelay $0x4  }
0x236: {  	v3 =	vadd.f32 v4, v3;
	_ =	sdelay $0x1  }
0x237: {  	[tilespmem:v1+s3+$0x40 ss:$0x1] =	vst.idx.msk $0xffff, v3  }
0x238: {  	v3 =	vld.idx.msk [tilespmem:v1+s3+$0x50 ss:$0x1], $0xffff  }
0x239: {  	v4 =	vld.idx.msk [tilespmem:v2+s3+$0x10 ss:$0x1], $0xffff;
	_ =	sdelay $0x4  }
0x23a: {  	v3 =	vadd.f32 v4, v3;
	_ =	sdelay $0x1  }
0x23b: {  	[tilespmem:v1+s3+$0x50 ss:$0x1] =	vst.idx.msk $0xffff, v3  }
0x23c: {  	v3 =	vld.idx.msk [tilespmem:v1+s3+$0x60 ss:$0x1], $0xffff  }
0x23d: {  	v4 =	vld.idx.msk [tilespmem:v2+s3+$0x20 ss:$0x1], $0xffff;
	_ =	sdelay $0x4  }
0x23e: {  	v3 =	vadd.f32 v4, v3;
	_ =	sdelay $0x1  }
0x23f: {  	[tilespmem:v1+s3+$0x60 ss:$0x1] =	vst.idx.msk $0xffff, v3  }
0x240: {  	s1 =	simm.s32 $0x1000;
	v3 =	vld.idx.msk [tilespmem:v1+s3+$0x70 ss:$0x1], $0xffff  }
.LBB2_25:
0x241: {  	p1 =	sne.s32 s1, $0x7000;
	v4 =	vld.idx.msk [tilespmem:v2+s3+$0x30 ss:$0x1], $0xffff;
	s8 =	smov.u32 s1;
	s1 =	sadd.s32 $0x1000, s1  }
0x242: {  	_ =	sdelay $0x4  }
0x243: {  	v3 =	vadd.f32 v4, v3  }
0x244: {  	s8 =	sshra.s32 s8, $0x2  }
0x245: {  	v4 =	vld.idx.msk [tilespmem:v1+s8+$0x0 ss:$0x1], $0xffff;
	[tilespmem:v1+s3+$0x70 ss:$0x1] =	vst.idx.msk $0xffff, v3;
	s3 =	smov.u32 s8  }
0x246: {  	v3 =	vld.idx.msk [tilespmem:v2+s3+$0xFFFFFFC0 ss:$0x1], $0xffff;
	_ =	sdelay $0x5  }
0x247: {  	v3 =	vadd.f32 v3, v4;
	_ =	sdelay $0x1  }
0x248: {  	[tilespmem:v1+s3+$0x0 ss:$0x1] =	vst.idx.msk $0xffff, v3  }
0x249: {  	v3 =	vld.idx.msk [tilespmem:v1+s3+$0x10 ss:$0x1], $0xffff  }
0x24a: {  	v4 =	vld.idx.msk [tilespmem:v2+s3+$0xFFFFFFD0 ss:$0x1], $0xffff;
	_ =	sdelay $0x5  }
0x24b: {  	v3 =	vadd.f32 v4, v3;
	_ =	sdelay $0x1  }
0x24c: {  	[tilespmem:v1+s3+$0x10 ss:$0x1] =	vst.idx.msk $0xffff, v3  }
0x24d: {  	v3 =	vld.idx.msk [tilespmem:v1+s3+$0x20 ss:$0x1], $0xffff  }
0x24e: {  	v4 =	vld.idx.msk [tilespmem:v2+s3+$0xFFFFFFE0 ss:$0x1], $0xffff;
	_ =	sdelay $0x5  }
0x24f: {  	v3 =	vadd.f32 v4, v3;
	_ =	sdelay $0x1  }
0x250: {  	[tilespmem:v1+s3+$0x20 ss:$0x1] =	vst.idx.msk $0xffff, v3  }
0x251: {  	v3 =	vld.idx.msk [tilespmem:v1+s3+$0x30 ss:$0x1], $0xffff  }
0x252: {  	v4 =	vld.idx.msk [tilespmem:v2+s3+$0xFFFFFFF0 ss:$0x1], $0xffff;
	_ =	sdelay $0x5  }
0x253: {  	v3 =	vadd.f32 v4, v3;
	_ =	sdelay $0x1  }
0x254: {  	[tilespmem:v1+s3+$0x30 ss:$0x1] =	vst.idx.msk $0xffff, v3  }
0x255: {  	v3 =	vld.idx.msk [tilespmem:v1+s3+$0x40 ss:$0x1], $0xffff  }
0x256: {  	v4 =	vld.idx.msk [tilespmem:v2+s3+$0x0 ss:$0x1], $0xffff;
	_ =	sdelay $0x5  }
0x257: {  	v3 =	vadd.f32 v4, v3;
	_ =	sdelay $0x1  }
0x258: {  	[tilespmem:v1+s3+$0x40 ss:$0x1] =	vst.idx.msk $0xffff, v3  }
0x259: {  	v3 =	vld.idx.msk [tilespmem:v1+s3+$0x50 ss:$0x1], $0xffff  }
0x25a: {  	v4 =	vld.idx.msk [tilespmem:v2+s3+$0x10 ss:$0x1], $0xffff;
	_ =	sdelay $0x5  }
0x25b: {  	v3 =	vadd.f32 v4, v3;
	_ =	sdelay $0x1  }
0x25c: {  	[tilespmem:v1+s3+$0x50 ss:$0x1] =	vst.idx.msk $0xffff, v3  }
0x25d: {  	v3 =	vld.idx.msk [tilespmem:v1+s3+$0x60 ss:$0x1], $0xffff  }
0x25e: {  	v4 =	vld.idx.msk [tilespmem:v2+s3+$0x20 ss:$0x1], $0xffff;
	_ =	sdelay $0x4  }
.Ltmp20:
0x25f: {  	(pc) =	sbr.rel @p1 .LBB2_25-.Ltmp20, $3  }
0x260: {  	v3 =	vadd.f32 v4, v3;
	_ =	sdelay $0x1  }
0x261: {  	[tilespmem:v1+s3+$0x60 ss:$0x1] =	vst.idx.msk $0xffff, v3  }
0x262: {  	v3 =	vld.idx.msk [tilespmem:v1+s3+$0x70 ss:$0x1], $0xffff  }
0x263: {  	_ =	sdelay $0x3  }
0x264: {  	v2 =	vld.idx.msk [tilespmem:v2+s3+$0x30 ss:$0x1], $0xffff  }
0x265: {  	s13 =	sadd.s32 $0x1, s13  }
0x266: {  	p1 =	slt.s32 s13, s17  }
.Ltmp21:
0x267: {  	_ = 	snop;
	(pc) =	sbr.rel @p1 .LBB2_24-.Ltmp21, $4  }
.Ltmp22:
0x268: {  	_ = 	snop;
	(pc) =	sbr.rel @!p1 .LBB2_27-.Ltmp22, $4  }
0x269: {  	v2 =	vadd.f32 v2, v3  }
0x26a: {  	_ = 	snop  }
0x26b: {  	s18 =	sadd.s32 $0x400, s18;
	s12 =	sadd.s32 $0x1, s12;
	[tilespmem:v1+s3+$0x70 ss:$0x1] =	vst.idx.msk $0xffff, v2  }
0x26c: {  	_ = 	snop  }
.LBB2_31:
0x26d: {  	_ =	sfence.sel $0x180000  }
0x26e: {  	[bflag:$0x0] =	sbarrier.arrive $0xFFFF  }
0x26f: {  	_ =	strace $0x90000047  }
0x270: {  	s0 =	stileid.u32;
	[bflag:$0x2] =	sbarrier.arrive $0xFFFF  }
0x271: {  	p0 =	sne.s32 s0, $0x0;
	s0 =	rddreg [dreg:$0x3]  }
0x272: {  	s0 =	sadd.s32 @!p0 $0x100000, s0  }
0x273: {  	[sflag:s0] =	ssyncadd.tile.s32 @!p0 $0x1;
	_ =	shalt  }
.Lfunc_end2:
_tile_overlayer_lowered:
.L_overlay_start_2:
0x274: {  	(tag) =	ssettag $0x2  }
0x275: {  	s0 =	rddreg [dreg:$0x0];
	s2 =	stileid.u32  }
0x276: {  	s1 =	rddreg [dreg:$0x1];
	p0 =	sne.s32 s2, $0x0  }
0x277: {  	s3 =	rddreg [dreg:$0x2];
	[bflag:$0x3] =	sbarrier.arrive $0xFFFF;
	s2 =	simm.s32 @!p0 $0x1C04  }
0x278: {  	[timem:s3], [sflag:s2] =	dma.local @!p0 [hbm:s0], s1  }
0x279: {  	s0 =	simm.s32 @!p0 $0x4  }
0x27a: {  	_ =	swait.ge @!p0 [sflag:s0], s1  }
0x27b: {  	s1 =	ssub.s32 @!p0 $0x0, s1;
	[sflag:s0] =	ssyncset.done @!p0 $0x0  }
0x27c: {  	[sflag:s0] =	ssyncadd.s32 @!p0 s1  }
0x27d: {  	[bflag:$0x3] =	sbarrier.arrive $0xFFFF  }
0x27e: {  	_ =	shalt  }

</sc_bundles>
